<compile_context>
chip_gen: v7x
topology: tpu7x:2x2x1
jax: 0.10.2.dev20260603
libtpu: 0.0.44.dev20260713+nightly
codegen_flags: <defaults>
</compile_context>

<pallas_src>
import functools

import jax
import jax.numpy as jnp
from jax import lax
from jax.experimental import pallas as pl
from jax.experimental.pallas import tpu as pltpu
from jax.experimental.pallas import tpu_sc as plsc

_NC = 2
_NS = 16
_LN = 16
_CKD = 40
_CKS = 80
_NBLK = 5


def _pad_n(n):
    step = _NS * 8
    return ((n + step - 1) // step) * step


@functools.lru_cache(maxsize=None)
def _degree_sc(n, e, fw):
    epc = e // _NC
    ept = epc // _NS
    nchunks = ept // _CKD
    npad = _pad_n(n)
    rpt = npad // _NS

    mesh = plsc.VectorSubcoreMesh(
        core_axis_name="c", subcore_axis_name="s",
        num_cores=_NC, num_subcores=_NS)

    @functools.partial(
        pl.kernel,
        out_type=jax.ShapeDtypeStruct((_NC, npad, fw), jnp.float32),
        mesh=mesh,
        scratch_types=[
            pltpu.VMEM_SHARED((npad, fw), jnp.float32),
            pltpu.VMEM((_CKD, fw), jnp.float32),
            pltpu.VMEM((nchunks, _CKD), jnp.int32),
            pltpu.SemaphoreType.DMA,
        ],
    )
    def deg_kernel(colsd_hbm, zeros_hbm, ones_hbm, out_hbm, acc, ones_v, colpre,
                   semd):
        c = lax.axis_index("c")
        s = lax.axis_index("s")
        pltpu.sync_copy(zeros_hbm.at[pl.ds(s * rpt, rpt)],
                        acc.at[pl.ds(s * rpt, rpt)])
        pltpu.sync_copy(ones_hbm, ones_v)
        pltpu.sync_copy(colsd_hbm.at[c, s], colpre)
        plsc.subcore_barrier()

        win = 6

        def fire(i):
            pltpu.async_copy(ones_v, acc.at[colpre.at[i]], semd, add=True)

        def drain():
            pltpu.make_async_copy(zeros_hbm.at[pl.ds(0, _CKD)], ones_v,
                                  semd).wait()

        for i in range(win):
            fire(i)

        def body(i, carry):
            drain()
            fire(i + win)
            return carry

        lax.fori_loop(0, nchunks - win, body, 0)
        for _ in range(win):
            drain()
        plsc.subcore_barrier()
        pltpu.sync_copy(acc.at[pl.ds(s * rpt, rpt)],
                        out_hbm.at[c, pl.ds(s * rpt, rpt)])

    return deg_kernel


@functools.lru_cache(maxsize=None)
def _scatter_sc(n, e, f):
    ept = e // _NS
    nchunks = ept // _CKS
    npad = _pad_n(n)
    rpt = npad // _NS
    nblk = _NBLK
    kpb = nchunks // nblk
    kpairs = (kpb - 1) // 2

    mesh = plsc.VectorSubcoreMesh(
        core_axis_name="c", subcore_axis_name="s",
        num_cores=_NC, num_subcores=_NS)

    @functools.partial(
        pl.kernel,
        out_type=jax.ShapeDtypeStruct((_NC, npad, f), jnp.float32),
        mesh=mesh,
        scratch_types=[
            pltpu.VMEM_SHARED((npad, f), jnp.float32),
            pltpu.VMEM((_CKS, f), jnp.float32),
            pltpu.VMEM((_CKS, f), jnp.float32),
            pltpu.VMEM((2 * kpb, _CKS), jnp.int32),
            pltpu.VMEM((2 * kpb, _CKS), jnp.int32),
            pltpu.VMEM((2 * kpb, _CKS), jnp.int32),
            pltpu.SemaphoreType.DMA,
            pltpu.SemaphoreType.DMA,
            pltpu.SemaphoreType.DMA,
        ],
    )
    def scat_kernel(combo_hbm, g_hbm, zeros_hbm, out_hbm,
                    acc, b0, b1, i0, i1, i2, semg, sems, semi):
        bufs = (b0, b1)
        iblks = (i0, i1, i2)
        c = lax.axis_index("c")
        s = lax.axis_index("s")
        pltpu.sync_copy(zeros_hbm.at[pl.ds(s * rpt, rpt)],
                        acc.at[pl.ds(s * rpt, rpt)])
        plsc.subcore_barrier()

        def wait_gather(dsl):
            pltpu.make_async_copy(g_hbm.at[iblks[0].at[0]], bufs[dsl],
                                  semg).wait()

        def wait_scat(dsl):
            pltpu.make_async_copy(zeros_hbm.at[pl.ds(0, _CKS)],
                                  bufs[dsl], sems).wait()

        def fire_gather(isl, q, dsl):
            pltpu.async_copy(g_hbm.at[iblks[isl].at[2 * q]], bufs[dsl], semg)

        def fire_scat(isl, q, dsl):
            pltpu.async_copy(bufs[dsl], acc.at[iblks[isl].at[2 * q + 1]],
                             sems, add=True)

        pltpu.sync_copy(combo_hbm.at[c, s, 0], iblks[0])
        if nblk > 1:
            pltpu.async_copy(combo_hbm.at[c, s, 1], iblks[1], semi)
        fire_gather(0, 0, 0)
        pltpu.sync_copy(zeros_hbm.at[pl.ds(0, _CKS)], bufs[1])
        pltpu.async_copy(bufs[1], acc.at[iblks[0].at[1]], sems, add=True)

        for bb in range(nblk):
            isl = bb % 3

            def pair(j, carry, _isl=isl, _bb=bb):
                for k in range(2):
                    q = 2 * j + k
                    dsl = (_bb + k) % 2
                    wait_gather(dsl)
                    wait_scat(1 - dsl)
                    fire_gather(_isl, q + 1, 1 - dsl)
                    fire_scat(_isl, q, dsl)
                return carry

            lax.fori_loop(0, kpairs, pair, 0)
            dsl = bb % 2
            wait_gather(dsl)
            wait_scat(1 - dsl)
            if bb + 1 < nblk:
                pltpu.make_async_copy(combo_hbm.at[c, s, 0],
                                      iblks[(bb + 1) % 3], semi).wait()
                if bb + 2 < nblk:
                    pltpu.async_copy(combo_hbm.at[c, s, bb + 2],
                                     iblks[(bb + 2) % 3], semi)
                fire_gather((bb + 1) % 3, 0, 1 - dsl)
                fire_scat(isl, kpb - 1, dsl)
            else:
                pltpu.sync_copy(bufs[dsl],
                                acc.at[iblks[isl].at[2 * (kpb - 1) + 1]],
                                add=True)
        plsc.subcore_barrier()
        pltpu.sync_copy(acc.at[pl.ds(s * rpt, rpt)],
                        out_hbm.at[c, pl.ds(s * rpt, rpt)])

    return scat_kernel


def _dot(a, b):
    return jnp.dot(a, b, preferred_element_type=jnp.float32)


def _split2(g):
    half = g.shape[1] // 2
    return jnp.concatenate([g[None, :, :half], g[None, :, half:]], axis=0)


def _tc_a1_body(x_ref, w_ref, h_ref):
    h_ref[...] = _dot(x_ref[...], w_ref[...])


@functools.lru_cache(maxsize=None)
def _tc_a1(n, d, h, blk):
    return pl.pallas_call(
        _tc_a1_body,
        grid=(n // blk,),
        in_specs=[
            pl.BlockSpec((blk, d), lambda b: (b, 0)),
            pl.BlockSpec((d, h), lambda b: (0, 0)),
        ],
        out_specs=pl.BlockSpec((blk, h), lambda b: (b, 0)),
        out_shape=jax.ShapeDtypeStruct((n, h), jnp.float32),
    )


def _tc_a2_body(deg_ref, h_ref, g_ref, dinv_ref):
    deg = deg_ref[0, :, :_LN] + deg_ref[1, :, :_LN] + 1.0
    dinv = lax.rsqrt(deg)
    g = h_ref[...] * dinv[:, 0:1]
    g_ref[...] = _split2(g)
    dinv_ref[...] = dinv


@functools.lru_cache(maxsize=None)
def _tc_a2(n, h, blk):
    return pl.pallas_call(
        _tc_a2_body,
        grid=(n // blk,),
        in_specs=[
            pl.BlockSpec((_NC, blk, h // 2), lambda b: (0, b, 0)),
            pl.BlockSpec((blk, h), lambda b: (b, 0)),
        ],
        out_specs=[
            pl.BlockSpec((2, blk, h // 2), lambda b: (0, b, 0)),
            pl.BlockSpec((blk, _LN), lambda b: (b, 0)),
        ],
        out_shape=[
            jax.ShapeDtypeStruct((2, n, h // 2), jnp.float32),
            jax.ShapeDtypeStruct((n, _LN), jnp.float32),
        ],
    )


def _tc_b_body(alo_ref, ahi_ref, h1_ref, dinv_ref, b1_ref, w2_ref,
               h2_ref, g_ref):
    d1 = dinv_ref[:, 0:1]
    acc = jnp.concatenate([alo_ref[...], ahi_ref[...]], axis=1)
    out1 = d1 * acc + (d1 * d1) * h1_ref[...] + b1_ref[...]
    m = jnp.maximum(out1, 0.0)
    h2 = _dot(m, w2_ref[...])
    g2 = h2 * d1
    h2_ref[...] = h2
    g_ref[...] = _split2(g2)


@functools.lru_cache(maxsize=None)
def _tc_b(n, h, blk):
    return pl.pallas_call(
        _tc_b_body,
        grid=(n // blk,),
        in_specs=[
            pl.BlockSpec((blk, h // 2), lambda b: (b, 0)),
            pl.BlockSpec((blk, h // 2), lambda b: (b, 0)),
            pl.BlockSpec((blk, h), lambda b: (b, 0)),
            pl.BlockSpec((blk, _LN), lambda b: (b, 0)),
            pl.BlockSpec((1, h), lambda b: (0, 0)),
            pl.BlockSpec((h, h), lambda b: (0, 0)),
        ],
        out_specs=[
            pl.BlockSpec((blk, h), lambda b: (b, 0)),
            pl.BlockSpec((2, blk, h // 2), lambda b: (0, b, 0)),
        ],
        out_shape=[
            jax.ShapeDtypeStruct((n, h), jnp.float32),
            jax.ShapeDtypeStruct((2, n, h // 2), jnp.float32),
        ],
    )


def _tc_c_body(alo_ref, ahi_ref, h2_ref, dinv_ref, b2_ref, wo_ref, bo_ref,
               out_ref):
    d1 = dinv_ref[:, 0:1]
    acc = jnp.concatenate([alo_ref[...], ahi_ref[...]], axis=1)
    out2 = d1 * acc + (d1 * d1) * h2_ref[...] + b2_ref[...]
    logits = _dot(out2, wo_ref[...]) + bo_ref[...]
    mx = jnp.max(logits, axis=1, keepdims=True)
    sh = logits - mx
    lse = jnp.log(jnp.sum(jnp.exp(sh), axis=1, keepdims=True))
    out_ref[...] = sh - lse


@functools.lru_cache(maxsize=None)
def _tc_c(n, h, cdim, blk):
    return pl.pallas_call(
        _tc_c_body,
        grid=(n // blk,),
        in_specs=[
            pl.BlockSpec((blk, h // 2), lambda b: (b, 0)),
            pl.BlockSpec((blk, h // 2), lambda b: (b, 0)),
            pl.BlockSpec((blk, h), lambda b: (b, 0)),
            pl.BlockSpec((blk, _LN), lambda b: (b, 0)),
            pl.BlockSpec((1, h), lambda b: (0, 0)),
            pl.BlockSpec((h, cdim), lambda b: (0, 0)),
            pl.BlockSpec((1, cdim), lambda b: (0, 0)),
        ],
        out_specs=pl.BlockSpec((blk, cdim), lambda b: (b, 0)),
        out_shape=jax.ShapeDtypeStruct((n, cdim), jnp.float32),
    )


def kernel(x, edge_index, W1, b1, W2, b2, Wo, bo):
    n, d = x.shape
    e = edge_index.shape[1]
    h = W1.shape[1]
    cdim = Wo.shape[1]
    f = h // 2
    blk = 2000

    npad = _pad_n(n)
    rows = edge_index[0]
    cols = edge_index[1]
    ones_d = jnp.ones((_CKD, f), jnp.float32)
    zeros_f = jnp.zeros((npad, f), jnp.float32)

    nchunks = (e // _NS) // _CKS
    rows_r = rows.reshape(_NS, nchunks, _CKS)
    cols_r = cols.reshape(_NS, nchunks, _CKS)
    combo = jnp.stack([jnp.stack([rows_r, cols_r], axis=2),
                       jnp.stack([rows_r + n, cols_r], axis=2)])
    combo = combo.reshape(2, _NS, _NBLK, 2 * (nchunks // _NBLK), _CKS)
    nchunks_d = (e // _NC // _NS) // _CKD
    cols_d = cols.reshape(_NC, _NS, nchunks_d, _CKD)

    h1 = _tc_a1(n, d, h, blk)(x, W1)
    degs = _degree_sc(n, e, f)(cols_d, zeros_f, ones_d)[:, :n]
    g1, dinv = _tc_a2(n, h, blk)(degs, h1)
    acc1 = _scatter_sc(n, e, f)(combo, g1.reshape(2 * n, f), zeros_f)
    h2, g2 = _tc_b(n, h, blk)(
        acc1[0, :n], acc1[1, :n], h1, dinv, b1.reshape(1, -1), W2)
    acc2 = _scatter_sc(n, e, f)(combo, g2.reshape(2 * n, f), zeros_f)
    return _tc_c(n, h, cdim, blk)(
        acc2[0, :n], acc2[1, :n], h2, dinv, b2.reshape(1, -1), Wo, bo.reshape(1, -1))

# --- scband reference (transcript-rebuilt; emitter-appended) ---
"""Pipeline reference for scband-co-g-83794811945714 (READ-ONLY COPY).

The authoritative reference and input builder live on the scoring server;
editing this copy changes nothing except your own understanding.
"""

import jax, jax.numpy as jnp
import numpy as np

N = 10000
E = 160000
D = 256
H = 256
C = 64


def gcn_conv(x, edge_index, W, b):
    # Faithful PyG GCNConv: x @ W, add self-loops, symmetric normalization,
    # scatter-add aggregation at target nodes, then add bias.
    n = x.shape[0]
    loop = jnp.arange(n, dtype=edge_index.dtype)
    row = jnp.concatenate([edge_index[0], loop])  # source nodes
    col = jnp.concatenate([edge_index[1], loop])  # target nodes
    ew = jnp.ones(row.shape[0], dtype=x.dtype)
    deg = jax.ops.segment_sum(ew, col, num_segments=n)
    dinv = jnp.where(deg > 0, deg ** -0.5, 0.0)
    norm = dinv[row] * ew * dinv[col]
    h = x @ W
    msg = norm[:, None] * jnp.take(h, row, axis=0)
    out = jax.ops.segment_sum(msg, col, num_segments=n)
    return out + b


def setup_inputs(seed: int = 0) -> dict:
    key = jax.random.key(seed)
    ks = jax.random.split(key, 9)
    x = jax.random.normal(ks[0], (N, D), dtype=jnp.float32)
    edge_index = jax.random.randint(ks[1], (2, E), 0, N, dtype=jnp.int32)
    W1 = jax.random.normal(ks[2], (D, H), dtype=jnp.float32) * (1.0 / np.sqrt(D))
    b1 = jnp.zeros((H,), dtype=jnp.float32)
    W2 = jax.random.normal(ks[3], (H, H), dtype=jnp.float32) * (1.0 / np.sqrt(H))
    b2 = jnp.zeros((H,), dtype=jnp.float32)
    Wo = jax.random.normal(ks[4], (H, C), dtype=jnp.float32) * (1.0 / np.sqrt(H))
    bo = jnp.zeros((C,), dtype=jnp.float32)
    return {"x": x, "edge_index": edge_index, "W1": W1, "b1": b1, "W2": W2, "b2": b2, "Wo": Wo, "bo": bo}


def reference(x, edge_index, W1, b1, W2, b2, Wo, bo):
    # GCN.forward (model_s path): conv1 -> relu -> (dropout=identity in eval) -> conv2 -> output linear -> log_softmax
    h = gcn_conv(x, edge_index, W1, b1)
    h = jax.nn.relu(h)
    h = gcn_conv(h, edge_index, W2, b2)
    logits = h @ Wo + bo
    return jax.nn.log_softmax(logits, axis=1)

if __name__ == "__main__":
    import jax
    _d = setup_inputs()
    print(jax.jit(kernel)(*tuple(_d.values())))

</pallas_src>

<mosaic_0001>
#map = affine_map<(d0, d1) -> (0, 0, 0, 0, 0)>
#map1 = affine_map<(d0, d1) -> (0, 0)>
#map2 = affine_map<(d0, d1) -> (0, 0, 0)>
module attributes {stable_mosaic.version = 14 : i64} {
  func.func @scat_kernel(%arg0: i32, %arg1: i32, %arg2: memref<2x16x5x50x80xi32, #tpu.memory_space<hbm>>, %arg3: memref<20000x128xf32, #tpu.memory_space<hbm>>, %arg4: memref<10112x128xf32, #tpu.memory_space<hbm>>, %arg5: memref<2x10112x128xf32, #tpu.memory_space<hbm>>, %arg6: memref<10112x128xf32, #tpu.memory_space<vmem_shared>>, %arg7: memref<80x128xf32, #tpu.memory_space<vmem>>, %arg8: memref<80x128xf32, #tpu.memory_space<vmem>>, %arg9: memref<50x80xi32, #tpu.memory_space<vmem>>, %arg10: memref<50x80xi32, #tpu.memory_space<vmem>>, %arg11: memref<50x80xi32, #tpu.memory_space<vmem>>, %arg12: memref<!tpu.dma_semaphore, #tpu.memory_space<semaphore_mem>>, %arg13: memref<!tpu.dma_semaphore, #tpu.memory_space<semaphore_mem>>, %arg14: memref<!tpu.dma_semaphore, #tpu.memory_space<semaphore_mem>>) attributes {dimension_semantics = [#tpu.dimension_semantics<core_parallel>, #tpu.dimension_semantics<subcore_parallel>], iteration_bounds = array<i64: 2, 16>, scalar_prefetch = 0 : i64, scratch_operands = 9 : i64, tpu.core_type = #tpu.core_type<sc_vector_subcore>, window_params = [{transform_indices = #map}, {transform_indices = #map1}, {transform_indices = #map1}, {transform_indices = #map2}]} {
    %mul3A = arith.constant 632 : i32
    %mul3A_0 = arith.muli %arg1, %mul3A : i32
    %mul3A_1 = arith.constant 632 : i32
    %mul3A_2 = arith.muli %arg1, %mul3A_1 : i32
    "tpu.region"() ({
      %run_scoped3A_243 = tpu.sem_alloc : memref<!tpu.dma_semaphore, #tpu.memory_space<semaphore_mem>>
      %dma_start3A_244 = arith.constant 0 : i32
      %dma_start3A_245 = tpu.memref_slice %arg6[%mul3A_2, %dma_start3A_244] : memref<10112x128xf32, #tpu.memory_space<vmem_shared>> -> memref<632x128xf32, #tpu.memory_space<vmem_shared>>
      %dma_start3A_246 = arith.constant 0 : i32
      %dma_start3A_247 = tpu.memref_slice %arg4[%mul3A_0, %dma_start3A_246] : memref<10112x128xf32, #tpu.memory_space<hbm>> -> memref<632x128xf32, #tpu.memory_space<hbm>>
      tpu.enqueue_dma source(%dma_start3A_247 : memref<632x128xf32, #tpu.memory_space<hbm>>) target(%dma_start3A_245 : memref<632x128xf32, #tpu.memory_space<vmem_shared>>) target_semaphore(%run_scoped3A_243 : memref<!tpu.dma_semaphore, #tpu.memory_space<semaphore_mem>>)
      %dma_wait3A_248 = arith.constant 0 : i32
      %dma_wait3A_249 = tpu.memref_slice %arg6[%mul3A_2, %dma_wait3A_248] : memref<10112x128xf32, #tpu.memory_space<vmem_shared>> -> memref<632x128xf32, #tpu.memory_space<vmem_shared>>
      %dma_wait3A_250 = arith.constant 0 : i32
      %dma_wait3A_251 = tpu.memref_slice %arg4[%mul3A_0, %dma_wait3A_250] : memref<10112x128xf32, #tpu.memory_space<hbm>> -> memref<632x128xf32, #tpu.memory_space<hbm>>
      tpu.wait_dma2 semaphore(%run_scoped3A_243 : memref<!tpu.dma_semaphore, #tpu.memory_space<semaphore_mem>>) src(%dma_wait3A_251 : memref<632x128xf32, #tpu.memory_space<hbm>>) dst(%dma_wait3A_249 : memref<632x128xf32, #tpu.memory_space<vmem_shared>>)
      tpu.yield
    }) : () -> ()
    %barrier3A = arith.constant 0 : index
    tpu.barrier barrier_id(%barrier3A)
    %run_scoped3A = arith.constant 0 : i32
    "tpu.region"() ({
      %run_scoped3A_243 = tpu.sem_alloc : memref<!tpu.dma_semaphore, #tpu.memory_space<semaphore_mem>>
      %dma_start3A_244 = arith.constant 0 : i32
      %dma_start3A_245 = arith.constant 0 : i32
      %dma_start3A_246 = tpu.memref_slice %arg2[%arg0, %arg1, %run_scoped3A, %dma_start3A_244, %dma_start3A_245] : memref<2x16x5x50x80xi32, #tpu.memory_space<hbm>> -> memref<1x1x1x50x80xi32, #tpu.memory_space<hbm>>
      %dma_start3A_247 = tpu.memref_squeeze %dma_start3A_246 : memref<1x1x1x50x80xi32, #tpu.memory_space<hbm>> -> memref<50x80xi32, #tpu.memory_space<hbm>>
      %dma_start3A_248 = arith.constant 0 : i32
      %dma_start3A_249 = arith.constant 0 : i32
      %dma_start3A_250 = tpu.memref_slice %arg2[%arg0, %arg1, %run_scoped3A, %dma_start3A_248, %dma_start3A_249] : memref<2x16x5x50x80xi32, #tpu.memory_space<hbm>> -> memref<1x1x1x50x80xi32, #tpu.memory_space<hbm>>
      %dma_start3A_251 = tpu.memref_squeeze %dma_start3A_250 : memref<1x1x1x50x80xi32, #tpu.memory_space<hbm>> -> memref<50x80xi32, #tpu.memory_space<hbm>>
      tpu.enqueue_dma source(%dma_start3A_251 : memref<50x80xi32, #tpu.memory_space<hbm>>) target(%arg9 : memref<50x80xi32, #tpu.memory_space<vmem>>) target_semaphore(%run_scoped3A_243 : memref<!tpu.dma_semaphore, #tpu.memory_space<semaphore_mem>>)
      %dma_wait3A_252 = arith.constant 0 : i32
      %dma_wait3A_253 = arith.constant 0 : i32
      %dma_wait3A_254 = tpu.memref_slice %arg2[%arg0, %arg1, %run_scoped3A, %dma_wait3A_252, %dma_wait3A_253] : memref<2x16x5x50x80xi32, #tpu.memory_space<hbm>> -> memref<1x1x1x50x80xi32, #tpu.memory_space<hbm>>
      %dma_wait3A_255 = tpu.memref_squeeze %dma_wait3A_254 : memref<1x1x1x50x80xi32, #tpu.memory_space<hbm>> -> memref<50x80xi32, #tpu.memory_space<hbm>>
      %dma_wait3A_256 = arith.constant 0 : i32
      %dma_wait3A_257 = arith.constant 0 : i32
      %dma_wait3A_258 = tpu.memref_slice %arg2[%arg0, %arg1, %run_scoped3A, %dma_wait3A_256, %dma_wait3A_257] : memref<2x16x5x50x80xi32, #tpu.memory_space<hbm>> -> memref<1x1x1x50x80xi32, #tpu.memory_space<hbm>>
      %dma_wait3A_259 = tpu.memref_squeeze %dma_wait3A_258 : memref<1x1x1x50x80xi32, #tpu.memory_space<hbm>> -> memref<50x80xi32, #tpu.memory_space<hbm>>
      tpu.wait_dma2 semaphore(%run_scoped3A_243 : memref<!tpu.dma_semaphore, #tpu.memory_space<semaphore_mem>>) src(%dma_wait3A_259 : memref<50x80xi32, #tpu.memory_space<hbm>>) dst(%arg9 : memref<50x80xi32, #tpu.memory_space<vmem>>)
      tpu.yield
    }) : () -> ()
    %dma_start3A = arith.constant 1 : i32
    %dma_start3A_3 = arith.constant 0 : i32
    %dma_start3A_4 = arith.constant 0 : i32
    %dma_start3A_5 = tpu.memref_slice %arg2[%arg0, %arg1, %dma_start3A, %dma_start3A_3, %dma_start3A_4] : memref<2x16x5x50x80xi32, #tpu.memory_space<hbm>> -> memref<1x1x1x50x80xi32, #tpu.memory_space<hbm>>
    %dma_start3A_6 = tpu.memref_squeeze %dma_start3A_5 : memref<1x1x1x50x80xi32, #tpu.memory_space<hbm>> -> memref<50x80xi32, #tpu.memory_space<hbm>>
    %dma_start3A_7 = arith.constant 0 : i32
    %dma_start3A_8 = arith.constant 0 : i32
    %dma_start3A_9 = tpu.memref_slice %arg2[%arg0, %arg1, %dma_start3A, %dma_start3A_7, %dma_start3A_8] : memref<2x16x5x50x80xi32, #tpu.memory_space<hbm>> -> memref<1x1x1x50x80xi32, #tpu.memory_space<hbm>>
    %dma_start3A_10 = tpu.memref_squeeze %dma_start3A_9 : memref<1x1x1x50x80xi32, #tpu.memory_space<hbm>> -> memref<50x80xi32, #tpu.memory_space<hbm>>
    tpu.enqueue_dma source(%dma_start3A_10 : memref<50x80xi32, #tpu.memory_space<hbm>>) target(%arg10 : memref<50x80xi32, #tpu.memory_space<vmem>>) target_semaphore(%arg14 : memref<!tpu.dma_semaphore, #tpu.memory_space<semaphore_mem>>)
    %dma_start3A_11 = arith.constant 0 : i32
    %dma_start3A_12 = arith.constant 0 : i32
    %dma_start3A_13 = tpu.memref_slice %arg9[%dma_start3A_11, %dma_start3A_12] : memref<50x80xi32, #tpu.memory_space<vmem>> -> memref<1x80xi32, #tpu.memory_space<vmem>>
    %dma_start3A_14 = tpu.memref_squeeze %dma_start3A_13 : memref<1x80xi32, #tpu.memory_space<vmem>> -> memref<80xi32, #tpu.memory_space<vmem>>
    %dma_start3A_15 = arith.constant 0 : i32
    %dma_start3A_16 = arith.constant 0 : i32
    %dma_start3A_17 = tpu.memref_slice %arg3[%dma_start3A_15, %dma_start3A_16] : memref<20000x128xf32, #tpu.memory_space<hbm>> -> memref<20000x128xf32, #tpu.memory_space<hbm>>
    tpu.enqueue_indirect_dma source(%dma_start3A_17 : memref<20000x128xf32, #tpu.memory_space<hbm>>) target(%arg7 : memref<80x128xf32, #tpu.memory_space<vmem>>) offsets(%dma_start3A_14 : memref<80xi32, #tpu.memory_space<vmem>>) semaphore(%arg12 : memref<!tpu.dma_semaphore, #tpu.memory_space<semaphore_mem>>)
    "tpu.region"() ({
      %run_scoped3A_243 = tpu.sem_alloc : memref<!tpu.dma_semaphore, #tpu.memory_space<semaphore_mem>>
      %dma_start3A_244 = arith.constant 0 : i32
      %dma_start3A_245 = arith.constant 0 : i32
      %dma_start3A_246 = tpu.memref_slice %arg4[%dma_start3A_244, %dma_start3A_245] : memref<10112x128xf32, #tpu.memory_space<hbm>> -> memref<80x128xf32, #tpu.memory_space<hbm>>
      %dma_start3A_247 = arith.constant 0 : i32
      %dma_start3A_248 = arith.constant 0 : i32
      %dma_start3A_249 = tpu.memref_slice %arg4[%dma_start3A_247, %dma_start3A_248] : memref<10112x128xf32, #tpu.memory_space<hbm>> -> memref<80x128xf32, #tpu.memory_space<hbm>>
      tpu.enqueue_dma source(%dma_start3A_249 : memref<80x128xf32, #tpu.memory_space<hbm>>) target(%arg8 : memref<80x128xf32, #tpu.memory_space<vmem>>) target_semaphore(%run_scoped3A_243 : memref<!tpu.dma_semaphore, #tpu.memory_space<semaphore_mem>>)
      %dma_wait3A_250 = arith.constant 0 : i32
      %dma_wait3A_251 = arith.constant 0 : i32
      %dma_wait3A_252 = tpu.memref_slice %arg4[%dma_wait3A_250, %dma_wait3A_251] : memref<10112x128xf32, #tpu.memory_space<hbm>> -> memref<80x128xf32, #tpu.memory_space<hbm>>
      %dma_wait3A_253 = arith.constant 0 : i32
      %dma_wait3A_254 = arith.constant 0 : i32
      %dma_wait3A_255 = tpu.memref_slice %arg4[%dma_wait3A_253, %dma_wait3A_254] : memref<10112x128xf32, #tpu.memory_space<hbm>> -> memref<80x128xf32, #tpu.memory_space<hbm>>
      tpu.wait_dma2 semaphore(%run_scoped3A_243 : memref<!tpu.dma_semaphore, #tpu.memory_space<semaphore_mem>>) src(%dma_wait3A_255 : memref<80x128xf32, #tpu.memory_space<hbm>>) dst(%arg8 : memref<80x128xf32, #tpu.memory_space<vmem>>)
      tpu.yield
    }) : () -> ()
    %dma_start3A_18 = arith.constant 1 : i32
    %dma_start3A_19 = arith.constant 0 : i32
    %dma_start3A_20 = tpu.memref_slice %arg9[%dma_start3A_18, %dma_start3A_19] : memref<50x80xi32, #tpu.memory_space<vmem>> -> memref<1x80xi32, #tpu.memory_space<vmem>>
    %dma_start3A_21 = tpu.memref_squeeze %dma_start3A_20 : memref<1x80xi32, #tpu.memory_space<vmem>> -> memref<80xi32, #tpu.memory_space<vmem>>
    %dma_start3A_22 = arith.constant 0 : i32
    %dma_start3A_23 = arith.constant 0 : i32
    %dma_start3A_24 = tpu.memref_slice %arg6[%dma_start3A_22, %dma_start3A_23] : memref<10112x128xf32, #tpu.memory_space<vmem_shared>> -> memref<10112x128xf32, #tpu.memory_space<vmem_shared>>
    tpu.enqueue_indirect_dma source(%arg8 : memref<80x128xf32, #tpu.memory_space<vmem>>) target(%dma_start3A_24 : memref<10112x128xf32, #tpu.memory_space<vmem_shared>>) offsets(%dma_start3A_21 : memref<80xi32, #tpu.memory_space<vmem>>) semaphore(%arg13 : memref<!tpu.dma_semaphore, #tpu.memory_space<semaphore_mem>>) {add = true}
    %scan3A = arith.constant 0 : i32
    %scan3A_25 = arith.constant 0 : i32
    %scan3A_26 = arith.constant 12 : i32
    %scan3A_27 = arith.addi %scan3A_25, %scan3A_26 : i32
    %scan3A_28 = arith.constant 1 : i32
    scf.for %scan3A_243 = %scan3A_25 to %scan3A_27 step %scan3A_28  : i32 {
      %mul3A_244 = arith.constant 2 : i32
      %mul3A_245 = arith.muli %mul3A_244, %scan3A_243 : i32
      %add3A = arith.constant 0 : i32
      %add3A_246 = arith.addi %mul3A_245, %add3A : i32
      %dma_wait3A_247 = arith.constant 0 : i32
      %dma_wait3A_248 = arith.constant 0 : i32
      %dma_wait3A_249 = tpu.memref_slice %arg9[%dma_wait3A_247, %dma_wait3A_248] : memref<50x80xi32, #tpu.memory_space<vmem>> -> memref<1x80xi32, #tpu.memory_space<vmem>>
      %dma_wait3A_250 = tpu.memref_squeeze %dma_wait3A_249 : memref<1x80xi32, #tpu.memory_space<vmem>> -> memref<80xi32, #tpu.memory_space<vmem>>
      %dma_wait3A_251 = arith.constant 0 : i32
      %dma_wait3A_252 = arith.constant 0 : i32
      %dma_wait3A_253 = tpu.memref_slice %arg3[%dma_wait3A_251, %dma_wait3A_252] : memref<20000x128xf32, #tpu.memory_space<hbm>> -> memref<20000x128xf32, #tpu.memory_space<hbm>>
      tpu.wait_indirect_dma semaphore(%arg12 : memref<!tpu.dma_semaphore, #tpu.memory_space<semaphore_mem>>) src(%dma_wait3A_253 : memref<20000x128xf32, #tpu.memory_space<hbm>>) dst(%arg7 : memref<80x128xf32, #tpu.memory_space<vmem>>)
      %dma_wait3A_254 = arith.constant 0 : i32
      %dma_wait3A_255 = arith.constant 0 : i32
      %dma_wait3A_256 = tpu.memref_slice %arg4[%dma_wait3A_254, %dma_wait3A_255] : memref<10112x128xf32, #tpu.memory_space<hbm>> -> memref<80x128xf32, #tpu.memory_space<hbm>>
      %dma_wait3A_257 = arith.constant 0 : i32
      %dma_wait3A_258 = arith.constant 0 : i32
      %dma_wait3A_259 = tpu.memref_slice %arg4[%dma_wait3A_257, %dma_wait3A_258] : memref<10112x128xf32, #tpu.memory_space<hbm>> -> memref<80x128xf32, #tpu.memory_space<hbm>>
      tpu.wait_dma2 semaphore(%arg13 : memref<!tpu.dma_semaphore, #tpu.memory_space<semaphore_mem>>) src(%dma_wait3A_259 : memref<80x128xf32, #tpu.memory_space<hbm>>) dst(%arg8 : memref<80x128xf32, #tpu.memory_space<vmem>>)
      %add3A_260 = arith.constant 1 : i32
      %add3A_261 = arith.addi %add3A_246, %add3A_260 : i32
      %mul3A_262 = arith.constant 2 : i32
      %mul3A_263 = arith.muli %mul3A_262, %add3A_261 : i32
      %dma_start3A_264 = arith.constant 0 : i32
      %dma_start3A_265 = tpu.memref_slice %arg9[%mul3A_263, %dma_start3A_264] : memref<50x80xi32, #tpu.memory_space<vmem>> -> memref<1x80xi32, #tpu.memory_space<vmem>>
      %dma_start3A_266 = tpu.memref_squeeze %dma_start3A_265 : memref<1x80xi32, #tpu.memory_space<vmem>> -> memref<80xi32, #tpu.memory_space<vmem>>
      %dma_start3A_267 = arith.constant 0 : i32
      %dma_start3A_268 = arith.constant 0 : i32
      %dma_start3A_269 = tpu.memref_slice %arg3[%dma_start3A_267, %dma_start3A_268] : memref<20000x128xf32, #tpu.memory_space<hbm>> -> memref<20000x128xf32, #tpu.memory_space<hbm>>
      tpu.enqueue_indirect_dma source(%dma_start3A_269 : memref<20000x128xf32, #tpu.memory_space<hbm>>) target(%arg8 : memref<80x128xf32, #tpu.memory_space<vmem>>) offsets(%dma_start3A_266 : memref<80xi32, #tpu.memory_space<vmem>>) semaphore(%arg12 : memref<!tpu.dma_semaphore, #tpu.memory_space<semaphore_mem>>)
      %mul3A_270 = arith.constant 2 : i32
      %mul3A_271 = arith.muli %mul3A_270, %add3A_246 : i32
      %add3A_272 = arith.constant 1 : i32
      %add3A_273 = arith.addi %mul3A_271, %add3A_272 : i32
      %dma_start3A_274 = arith.constant 0 : i32
      %dma_start3A_275 = tpu.memref_slice %arg9[%add3A_273, %dma_start3A_274] : memref<50x80xi32, #tpu.memory_space<vmem>> -> memref<1x80xi32, #tpu.memory_space<vmem>>
      %dma_start3A_276 = tpu.memref_squeeze %dma_start3A_275 : memref<1x80xi32, #tpu.memory_space<vmem>> -> memref<80xi32, #tpu.memory_space<vmem>>
      %dma_start3A_277 = arith.constant 0 : i32
      %dma_start3A_278 = arith.constant 0 : i32
      %dma_start3A_279 = tpu.memref_slice %arg6[%dma_start3A_277, %dma_start3A_278] : memref<10112x128xf32, #tpu.memory_space<vmem_shared>> -> memref<10112x128xf32, #tpu.memory_space<vmem_shared>>
      tpu.enqueue_indirect_dma source(%arg7 : memref<80x128xf32, #tpu.memory_space<vmem>>) target(%dma_start3A_279 : memref<10112x128xf32, #tpu.memory_space<vmem_shared>>) offsets(%dma_start3A_276 : memref<80xi32, #tpu.memory_space<vmem>>) semaphore(%arg13 : memref<!tpu.dma_semaphore, #tpu.memory_space<semaphore_mem>>) {add = true}
      %mul3A_280 = arith.constant 2 : i32
      %mul3A_281 = arith.muli %mul3A_280, %scan3A_243 : i32
      %add3A_282 = arith.constant 1 : i32
      %add3A_283 = arith.addi %mul3A_281, %add3A_282 : i32
      %dma_wait3A_284 = arith.constant 0 : i32
      %dma_wait3A_285 = arith.constant 0 : i32
      %dma_wait3A_286 = tpu.memref_slice %arg9[%dma_wait3A_284, %dma_wait3A_285] : memref<50x80xi32, #tpu.memory_space<vmem>> -> memref<1x80xi32, #tpu.memory_space<vmem>>
      %dma_wait3A_287 = tpu.memref_squeeze %dma_wait3A_286 : memref<1x80xi32, #tpu.memory_space<vmem>> -> memref<80xi32, #tpu.memory_space<vmem>>
      %dma_wait3A_288 = arith.constant 0 : i32
      %dma_wait3A_289 = arith.constant 0 : i32
      %dma_wait3A_290 = tpu.memref_slice %arg3[%dma_wait3A_288, %dma_wait3A_289] : memref<20000x128xf32, #tpu.memory_space<hbm>> -> memref<20000x128xf32, #tpu.memory_space<hbm>>
      tpu.wait_indirect_dma semaphore(%arg12 : memref<!tpu.dma_semaphore, #tpu.memory_space<semaphore_mem>>) src(%dma_wait3A_290 : memref<20000x128xf32, #tpu.memory_space<hbm>>) dst(%arg8 : memref<80x128xf32, #tpu.memory_space<vmem>>)
      %dma_wait3A_291 = arith.constant 0 : i32
      %dma_wait3A_292 = arith.constant 0 : i32
      %dma_wait3A_293 = tpu.memref_slice %arg4[%dma_wait3A_291, %dma_wait3A_292] : memref<10112x128xf32, #tpu.memory_space<hbm>> -> memref<80x128xf32, #tpu.memory_space<hbm>>
      %dma_wait3A_294 = arith.constant 0 : i32
      %dma_wait3A_295 = arith.constant 0 : i32
      %dma_wait3A_296 = tpu.memref_slice %arg4[%dma_wait3A_294, %dma_wait3A_295] : memref<10112x128xf32, #tpu.memory_space<hbm>> -> memref<80x128xf32, #tpu.memory_space<hbm>>
      tpu.wait_dma2 semaphore(%arg13 : memref<!tpu.dma_semaphore, #tpu.memory_space<semaphore_mem>>) src(%dma_wait3A_296 : memref<80x128xf32, #tpu.memory_space<hbm>>) dst(%arg7 : memref<80x128xf32, #tpu.memory_space<vmem>>)
      %add3A_297 = arith.constant 1 : i32
      %add3A_298 = arith.addi %add3A_283, %add3A_297 : i32
      %mul3A_299 = arith.constant 2 : i32
      %mul3A_300 = arith.muli %mul3A_299, %add3A_298 : i32
      %dma_start3A_301 = arith.constant 0 : i32
      %dma_start3A_302 = tpu.memref_slice %arg9[%mul3A_300, %dma_start3A_301] : memref<50x80xi32, #tpu.memory_space<vmem>> -> memref<1x80xi32, #tpu.memory_space<vmem>>
      %dma_start3A_303 = tpu.memref_squeeze %dma_start3A_302 : memref<1x80xi32, #tpu.memory_space<vmem>> -> memref<80xi32, #tpu.memory_space<vmem>>
      %dma_start3A_304 = arith.constant 0 : i32
      %dma_start3A_305 = arith.constant 0 : i32
      %dma_start3A_306 = tpu.memref_slice %arg3[%dma_start3A_304, %dma_start3A_305] : memref<20000x128xf32, #tpu.memory_space<hbm>> -> memref<20000x128xf32, #tpu.memory_space<hbm>>
      tpu.enqueue_indirect_dma source(%dma_start3A_306 : memref<20000x128xf32, #tpu.memory_space<hbm>>) target(%arg7 : memref<80x128xf32, #tpu.memory_space<vmem>>) offsets(%dma_start3A_303 : memref<80xi32, #tpu.memory_space<vmem>>) semaphore(%arg12 : memref<!tpu.dma_semaphore, #tpu.memory_space<semaphore_mem>>)
      %mul3A_307 = arith.constant 2 : i32
      %mul3A_308 = arith.muli %mul3A_307, %add3A_283 : i32
      %add3A_309 = arith.constant 1 : i32
      %add3A_310 = arith.addi %mul3A_308, %add3A_309 : i32
      %dma_start3A_311 = arith.constant 0 : i32
      %dma_start3A_312 = tpu.memref_slice %arg9[%add3A_310, %dma_start3A_311] : memref<50x80xi32, #tpu.memory_space<vmem>> -> memref<1x80xi32, #tpu.memory_space<vmem>>
      %dma_start3A_313 = tpu.memref_squeeze %dma_start3A_312 : memref<1x80xi32, #tpu.memory_space<vmem>> -> memref<80xi32, #tpu.memory_space<vmem>>
      %dma_start3A_314 = arith.constant 0 : i32
      %dma_start3A_315 = arith.constant 0 : i32
      %dma_start3A_316 = tpu.memref_slice %arg6[%dma_start3A_314, %dma_start3A_315] : memref<10112x128xf32, #tpu.memory_space<vmem_shared>> -> memref<10112x128xf32, #tpu.memory_space<vmem_shared>>
      tpu.enqueue_indirect_dma source(%arg8 : memref<80x128xf32, #tpu.memory_space<vmem>>) target(%dma_start3A_316 : memref<10112x128xf32, #tpu.memory_space<vmem_shared>>) offsets(%dma_start3A_313 : memref<80xi32, #tpu.memory_space<vmem>>) semaphore(%arg13 : memref<!tpu.dma_semaphore, #tpu.memory_space<semaphore_mem>>) {add = true}
    }
    %scan3A_29 = arith.constant 12 : i32
    %dma_wait3A = arith.constant 0 : i32
    %dma_wait3A_30 = arith.constant 0 : i32
    %dma_wait3A_31 = tpu.memref_slice %arg9[%dma_wait3A, %dma_wait3A_30] : memref<50x80xi32, #tpu.memory_space<vmem>> -> memref<1x80xi32, #tpu.memory_space<vmem>>
    %dma_wait3A_32 = tpu.memref_squeeze %dma_wait3A_31 : memref<1x80xi32, #tpu.memory_space<vmem>> -> memref<80xi32, #tpu.memory_space<vmem>>
    %dma_wait3A_33 = arith.constant 0 : i32
    %dma_wait3A_34 = arith.constant 0 : i32
    %dma_wait3A_35 = tpu.memref_slice %arg3[%dma_wait3A_33, %dma_wait3A_34] : memref<20000x128xf32, #tpu.memory_space<hbm>> -> memref<20000x128xf32, #tpu.memory_space<hbm>>
    tpu.wait_indirect_dma semaphore(%arg12 : memref<!tpu.dma_semaphore, #tpu.memory_space<semaphore_mem>>) src(%dma_wait3A_35 : memref<20000x128xf32, #tpu.memory_space<hbm>>) dst(%arg7 : memref<80x128xf32, #tpu.memory_space<vmem>>)
    %dma_wait3A_36 = arith.constant 0 : i32
    %dma_wait3A_37 = arith.constant 0 : i32
    %dma_wait3A_38 = tpu.memref_slice %arg4[%dma_wait3A_36, %dma_wait3A_37] : memref<10112x128xf32, #tpu.memory_space<hbm>> -> memref<80x128xf32, #tpu.memory_space<hbm>>
    %dma_wait3A_39 = arith.constant 0 : i32
    %dma_wait3A_40 = arith.constant 0 : i32
    %dma_wait3A_41 = tpu.memref_slice %arg4[%dma_wait3A_39, %dma_wait3A_40] : memref<10112x128xf32, #tpu.memory_space<hbm>> -> memref<80x128xf32, #tpu.memory_space<hbm>>
    tpu.wait_dma2 semaphore(%arg13 : memref<!tpu.dma_semaphore, #tpu.memory_space<semaphore_mem>>) src(%dma_wait3A_41 : memref<80x128xf32, #tpu.memory_space<hbm>>) dst(%arg8 : memref<80x128xf32, #tpu.memory_space<vmem>>)
    %dma_wait3A_42 = arith.constant 0 : i32
    %dma_wait3A_43 = arith.constant 0 : i32
    %dma_wait3A_44 = arith.constant 0 : i32
    %dma_wait3A_45 = tpu.memref_slice %arg2[%arg0, %arg1, %dma_wait3A_42, %dma_wait3A_43, %dma_wait3A_44] : memref<2x16x5x50x80xi32, #tpu.memory_space<hbm>> -> memref<1x1x1x50x80xi32, #tpu.memory_space<hbm>>
    %dma_wait3A_46 = tpu.memref_squeeze %dma_wait3A_45 : memref<1x1x1x50x80xi32, #tpu.memory_space<hbm>> -> memref<50x80xi32, #tpu.memory_space<hbm>>
    %dma_wait3A_47 = arith.constant 0 : i32
    %dma_wait3A_48 = arith.constant 0 : i32
    %dma_wait3A_49 = tpu.memref_slice %arg2[%arg0, %arg1, %dma_wait3A_42, %dma_wait3A_47, %dma_wait3A_48] : memref<2x16x5x50x80xi32, #tpu.memory_space<hbm>> -> memref<1x1x1x50x80xi32, #tpu.memory_space<hbm>>
    %dma_wait3A_50 = tpu.memref_squeeze %dma_wait3A_49 : memref<1x1x1x50x80xi32, #tpu.memory_space<hbm>> -> memref<50x80xi32, #tpu.memory_space<hbm>>
    tpu.wait_dma2 semaphore(%arg14 : memref<!tpu.dma_semaphore, #tpu.memory_space<semaphore_mem>>) src(%dma_wait3A_50 : memref<50x80xi32, #tpu.memory_space<hbm>>) dst(%arg10 : memref<50x80xi32, #tpu.memory_space<vmem>>)
    %dma_start3A_51 = arith.constant 2 : i32
    %dma_start3A_52 = arith.constant 0 : i32
    %dma_start3A_53 = arith.constant 0 : i32
    %dma_start3A_54 = tpu.memref_slice %arg2[%arg0, %arg1, %dma_start3A_51, %dma_start3A_52, %dma_start3A_53] : memref<2x16x5x50x80xi32, #tpu.memory_space<hbm>> -> memref<1x1x1x50x80xi32, #tpu.memory_space<hbm>>
    %dma_start3A_55 = tpu.memref_squeeze %dma_start3A_54 : memref<1x1x1x50x80xi32, #tpu.memory_space<hbm>> -> memref<50x80xi32, #tpu.memory_space<hbm>>
    %dma_start3A_56 = arith.constant 0 : i32
    %dma_start3A_57 = arith.constant 0 : i32
    %dma_start3A_58 = tpu.memref_slice %arg2[%arg0, %arg1, %dma_start3A_51, %dma_start3A_56, %dma_start3A_57] : memref<2x16x5x50x80xi32, #tpu.memory_space<hbm>> -> memref<1x1x1x50x80xi32, #tpu.memory_space<hbm>>
    %dma_start3A_59 = tpu.memref_squeeze %dma_start3A_58 : memref<1x1x1x50x80xi32, #tpu.memory_space<hbm>> -> memref<50x80xi32, #tpu.memory_space<hbm>>
    tpu.enqueue_dma source(%dma_start3A_59 : memref<50x80xi32, #tpu.memory_space<hbm>>) target(%arg11 : memref<50x80xi32, #tpu.memory_space<vmem>>) target_semaphore(%arg14 : memref<!tpu.dma_semaphore, #tpu.memory_space<semaphore_mem>>)
    %dma_start3A_60 = arith.constant 0 : i32
    %dma_start3A_61 = arith.constant 0 : i32
    %dma_start3A_62 = tpu.memref_slice %arg10[%dma_start3A_60, %dma_start3A_61] : memref<50x80xi32, #tpu.memory_space<vmem>> -> memref<1x80xi32, #tpu.memory_space<vmem>>
    %dma_start3A_63 = tpu.memref_squeeze %dma_start3A_62 : memref<1x80xi32, #tpu.memory_space<vmem>> -> memref<80xi32, #tpu.memory_space<vmem>>
    %dma_start3A_64 = arith.constant 0 : i32
    %dma_start3A_65 = arith.constant 0 : i32
    %dma_start3A_66 = tpu.memref_slice %arg3[%dma_start3A_64, %dma_start3A_65] : memref<20000x128xf32, #tpu.memory_space<hbm>> -> memref<20000x128xf32, #tpu.memory_space<hbm>>
    tpu.enqueue_indirect_dma source(%dma_start3A_66 : memref<20000x128xf32, #tpu.memory_space<hbm>>) target(%arg8 : memref<80x128xf32, #tpu.memory_space<vmem>>) offsets(%dma_start3A_63 : memref<80xi32, #tpu.memory_space<vmem>>) semaphore(%arg12 : memref<!tpu.dma_semaphore, #tpu.memory_space<semaphore_mem>>)
    %dma_start3A_67 = arith.constant 49 : i32
    %dma_start3A_68 = arith.constant 0 : i32
    %dma_start3A_69 = tpu.memref_slice %arg9[%dma_start3A_67, %dma_start3A_68] : memref<50x80xi32, #tpu.memory_space<vmem>> -> memref<1x80xi32, #tpu.memory_space<vmem>>
    %dma_start3A_70 = tpu.memref_squeeze %dma_start3A_69 : memref<1x80xi32, #tpu.memory_space<vmem>> -> memref<80xi32, #tpu.memory_space<vmem>>
    %dma_start3A_71 = arith.constant 0 : i32
    %dma_start3A_72 = arith.constant 0 : i32
    %dma_start3A_73 = tpu.memref_slice %arg6[%dma_start3A_71, %dma_start3A_72] : memref<10112x128xf32, #tpu.memory_space<vmem_shared>> -> memref<10112x128xf32, #tpu.memory_space<vmem_shared>>
    tpu.enqueue_indirect_dma source(%arg7 : memref<80x128xf32, #tpu.memory_space<vmem>>) target(%dma_start3A_73 : memref<10112x128xf32, #tpu.memory_space<vmem_shared>>) offsets(%dma_start3A_70 : memref<80xi32, #tpu.memory_space<vmem>>) semaphore(%arg13 : memref<!tpu.dma_semaphore, #tpu.memory_space<semaphore_mem>>) {add = true}
    %scan3A_74 = arith.constant 0 : i32
    %scan3A_75 = arith.constant 0 : i32
    %scan3A_76 = arith.constant 12 : i32
    %scan3A_77 = arith.addi %scan3A_75, %scan3A_76 : i32
    %scan3A_78 = arith.constant 1 : i32
    scf.for %scan3A_243 = %scan3A_75 to %scan3A_77 step %scan3A_78  : i32 {
      %mul3A_244 = arith.constant 2 : i32
      %mul3A_245 = arith.muli %mul3A_244, %scan3A_243 : i32
      %add3A = arith.constant 0 : i32
      %add3A_246 = arith.addi %mul3A_245, %add3A : i32
      %dma_wait3A_247 = arith.constant 0 : i32
      %dma_wait3A_248 = arith.constant 0 : i32
      %dma_wait3A_249 = tpu.memref_slice %arg9[%dma_wait3A_247, %dma_wait3A_248] : memref<50x80xi32, #tpu.memory_space<vmem>> -> memref<1x80xi32, #tpu.memory_space<vmem>>
      %dma_wait3A_250 = tpu.memref_squeeze %dma_wait3A_249 : memref<1x80xi32, #tpu.memory_space<vmem>> -> memref<80xi32, #tpu.memory_space<vmem>>
      %dma_wait3A_251 = arith.constant 0 : i32
      %dma_wait3A_252 = arith.constant 0 : i32
      %dma_wait3A_253 = tpu.memref_slice %arg3[%dma_wait3A_251, %dma_wait3A_252] : memref<20000x128xf32, #tpu.memory_space<hbm>> -> memref<20000x128xf32, #tpu.memory_space<hbm>>
      tpu.wait_indirect_dma semaphore(%arg12 : memref<!tpu.dma_semaphore, #tpu.memory_space<semaphore_mem>>) src(%dma_wait3A_253 : memref<20000x128xf32, #tpu.memory_space<hbm>>) dst(%arg8 : memref<80x128xf32, #tpu.memory_space<vmem>>)
      %dma_wait3A_254 = arith.constant 0 : i32
      %dma_wait3A_255 = arith.constant 0 : i32
      %dma_wait3A_256 = tpu.memref_slice %arg4[%dma_wait3A_254, %dma_wait3A_255] : memref<10112x128xf32, #tpu.memory_space<hbm>> -> memref<80x128xf32, #tpu.memory_space<hbm>>
      %dma_wait3A_257 = arith.constant 0 : i32
      %dma_wait3A_258 = arith.constant 0 : i32
      %dma_wait3A_259 = tpu.memref_slice %arg4[%dma_wait3A_257, %dma_wait3A_258] : memref<10112x128xf32, #tpu.memory_space<hbm>> -> memref<80x128xf32, #tpu.memory_space<hbm>>
      tpu.wait_dma2 semaphore(%arg13 : memref<!tpu.dma_semaphore, #tpu.memory_space<semaphore_mem>>) src(%dma_wait3A_259 : memref<80x128xf32, #tpu.memory_space<hbm>>) dst(%arg7 : memref<80x128xf32, #tpu.memory_space<vmem>>)
      %add3A_260 = arith.constant 1 : i32
      %add3A_261 = arith.addi %add3A_246, %add3A_260 : i32
      %mul3A_262 = arith.constant 2 : i32
      %mul3A_263 = arith.muli %mul3A_262, %add3A_261 : i32
      %dma_start3A_264 = arith.constant 0 : i32
      %dma_start3A_265 = tpu.memref_slice %arg10[%mul3A_263, %dma_start3A_264] : memref<50x80xi32, #tpu.memory_space<vmem>> -> memref<1x80xi32, #tpu.memory_space<vmem>>
      %dma_start3A_266 = tpu.memref_squeeze %dma_start3A_265 : memref<1x80xi32, #tpu.memory_space<vmem>> -> memref<80xi32, #tpu.memory_space<vmem>>
      %dma_start3A_267 = arith.constant 0 : i32
      %dma_start3A_268 = arith.constant 0 : i32
      %dma_start3A_269 = tpu.memref_slice %arg3[%dma_start3A_267, %dma_start3A_268] : memref<20000x128xf32, #tpu.memory_space<hbm>> -> memref<20000x128xf32, #tpu.memory_space<hbm>>
      tpu.enqueue_indirect_dma source(%dma_start3A_269 : memref<20000x128xf32, #tpu.memory_space<hbm>>) target(%arg7 : memref<80x128xf32, #tpu.memory_space<vmem>>) offsets(%dma_start3A_266 : memref<80xi32, #tpu.memory_space<vmem>>) semaphore(%arg12 : memref<!tpu.dma_semaphore, #tpu.memory_space<semaphore_mem>>)
      %mul3A_270 = arith.constant 2 : i32
      %mul3A_271 = arith.muli %mul3A_270, %add3A_246 : i32
      %add3A_272 = arith.constant 1 : i32
      %add3A_273 = arith.addi %mul3A_271, %add3A_272 : i32
      %dma_start3A_274 = arith.constant 0 : i32
      %dma_start3A_275 = tpu.memref_slice %arg10[%add3A_273, %dma_start3A_274] : memref<50x80xi32, #tpu.memory_space<vmem>> -> memref<1x80xi32, #tpu.memory_space<vmem>>
      %dma_start3A_276 = tpu.memref_squeeze %dma_start3A_275 : memref<1x80xi32, #tpu.memory_space<vmem>> -> memref<80xi32, #tpu.memory_space<vmem>>
      %dma_start3A_277 = arith.constant 0 : i32
      %dma_start3A_278 = arith.constant 0 : i32
      %dma_start3A_279 = tpu.memref_slice %arg6[%dma_start3A_277, %dma_start3A_278] : memref<10112x128xf32, #tpu.memory_space<vmem_shared>> -> memref<10112x128xf32, #tpu.memory_space<vmem_shared>>
      tpu.enqueue_indirect_dma source(%arg8 : memref<80x128xf32, #tpu.memory_space<vmem>>) target(%dma_start3A_279 : memref<10112x128xf32, #tpu.memory_space<vmem_shared>>) offsets(%dma_start3A_276 : memref<80xi32, #tpu.memory_space<vmem>>) semaphore(%arg13 : memref<!tpu.dma_semaphore, #tpu.memory_space<semaphore_mem>>) {add = true}
      %mul3A_280 = arith.constant 2 : i32
      %mul3A_281 = arith.muli %mul3A_280, %scan3A_243 : i32
      %add3A_282 = arith.constant 1 : i32
      %add3A_283 = arith.addi %mul3A_281, %add3A_282 : i32
      %dma_wait3A_284 = arith.constant 0 : i32
      %dma_wait3A_285 = arith.constant 0 : i32
      %dma_wait3A_286 = tpu.memref_slice %arg9[%dma_wait3A_284, %dma_wait3A_285] : memref<50x80xi32, #tpu.memory_space<vmem>> -> memref<1x80xi32, #tpu.memory_space<vmem>>
      %dma_wait3A_287 = tpu.memref_squeeze %dma_wait3A_286 : memref<1x80xi32, #tpu.memory_space<vmem>> -> memref<80xi32, #tpu.memory_space<vmem>>
      %dma_wait3A_288 = arith.constant 0 : i32
      %dma_wait3A_289 = arith.constant 0 : i32
      %dma_wait3A_290 = tpu.memref_slice %arg3[%dma_wait3A_288, %dma_wait3A_289] : memref<20000x128xf32, #tpu.memory_space<hbm>> -> memref<20000x128xf32, #tpu.memory_space<hbm>>
      tpu.wait_indirect_dma semaphore(%arg12 : memref<!tpu.dma_semaphore, #tpu.memory_space<semaphore_mem>>) src(%dma_wait3A_290 : memref<20000x128xf32, #tpu.memory_space<hbm>>) dst(%arg7 : memref<80x128xf32, #tpu.memory_space<vmem>>)
      %dma_wait3A_291 = arith.constant 0 : i32
      %dma_wait3A_292 = arith.constant 0 : i32
      %dma_wait3A_293 = tpu.memref_slice %arg4[%dma_wait3A_291, %dma_wait3A_292] : memref<10112x128xf32, #tpu.memory_space<hbm>> -> memref<80x128xf32, #tpu.memory_space<hbm>>
      %dma_wait3A_294 = arith.constant 0 : i32
      %dma_wait3A_295 = arith.constant 0 : i32
      %dma_wait3A_296 = tpu.memref_slice %arg4[%dma_wait3A_294, %dma_wait3A_295] : memref<10112x128xf32, #tpu.memory_space<hbm>> -> memref<80x128xf32, #tpu.memory_space<hbm>>
      tpu.wait_dma2 semaphore(%arg13 : memref<!tpu.dma_semaphore, #tpu.memory_space<semaphore_mem>>) src(%dma_wait3A_296 : memref<80x128xf32, #tpu.memory_space<hbm>>) dst(%arg8 : memref<80x128xf32, #tpu.memory_space<vmem>>)
      %add3A_297 = arith.constant 1 : i32
      %add3A_298 = arith.addi %add3A_283, %add3A_297 : i32
      %mul3A_299 = arith.constant 2 : i32
      %mul3A_300 = arith.muli %mul3A_299, %add3A_298 : i32
      %dma_start3A_301 = arith.constant 0 : i32
      %dma_start3A_302 = tpu.memref_slice %arg10[%mul3A_300, %dma_start3A_301] : memref<50x80xi32, #tpu.memory_space<vmem>> -> memref<1x80xi32, #tpu.memory_space<vmem>>
      %dma_start3A_303 = tpu.memref_squeeze %dma_start3A_302 : memref<1x80xi32, #tpu.memory_space<vmem>> -> memref<80xi32, #tpu.memory_space<vmem>>
      %dma_start3A_304 = arith.constant 0 : i32
      %dma_start3A_305 = arith.constant 0 : i32
      %dma_start3A_306 = tpu.memref_slice %arg3[%dma_start3A_304, %dma_start3A_305] : memref<20000x128xf32, #tpu.memory_space<hbm>> -> memref<20000x128xf32, #tpu.memory_space<hbm>>
      tpu.enqueue_indirect_dma source(%dma_start3A_306 : memref<20000x128xf32, #tpu.memory_space<hbm>>) target(%arg8 : memref<80x128xf32, #tpu.memory_space<vmem>>) offsets(%dma_start3A_303 : memref<80xi32, #tpu.memory_space<vmem>>) semaphore(%arg12 : memref<!tpu.dma_semaphore, #tpu.memory_space<semaphore_mem>>)
      %mul3A_307 = arith.constant 2 : i32
      %mul3A_308 = arith.muli %mul3A_307, %add3A_283 : i32
      %add3A_309 = arith.constant 1 : i32
      %add3A_310 = arith.addi %mul3A_308, %add3A_309 : i32
      %dma_start3A_311 = arith.constant 0 : i32
      %dma_start3A_312 = tpu.memref_slice %arg10[%add3A_310, %dma_start3A_311] : memref<50x80xi32, #tpu.memory_space<vmem>> -> memref<1x80xi32, #tpu.memory_space<vmem>>
      %dma_start3A_313 = tpu.memref_squeeze %dma_start3A_312 : memref<1x80xi32, #tpu.memory_space<vmem>> -> memref<80xi32, #tpu.memory_space<vmem>>
      %dma_start3A_314 = arith.constant 0 : i32
      %dma_start3A_315 = arith.constant 0 : i32
      %dma_start3A_316 = tpu.memref_slice %arg6[%dma_start3A_314, %dma_start3A_315] : memref<10112x128xf32, #tpu.memory_space<vmem_shared>> -> memref<10112x128xf32, #tpu.memory_space<vmem_shared>>
      tpu.enqueue_indirect_dma source(%arg7 : memref<80x128xf32, #tpu.memory_space<vmem>>) target(%dma_start3A_316 : memref<10112x128xf32, #tpu.memory_space<vmem_shared>>) offsets(%dma_start3A_313 : memref<80xi32, #tpu.memory_space<vmem>>) semaphore(%arg13 : memref<!tpu.dma_semaphore, #tpu.memory_space<semaphore_mem>>) {add = true}
    }
    %scan3A_79 = arith.constant 12 : i32
    %dma_wait3A_80 = arith.constant 0 : i32
    %dma_wait3A_81 = arith.constant 0 : i32
    %dma_wait3A_82 = tpu.memref_slice %arg9[%dma_wait3A_80, %dma_wait3A_81] : memref<50x80xi32, #tpu.memory_space<vmem>> -> memref<1x80xi32, #tpu.memory_space<vmem>>
    %dma_wait3A_83 = tpu.memref_squeeze %dma_wait3A_82 : memref<1x80xi32, #tpu.memory_space<vmem>> -> memref<80xi32, #tpu.memory_space<vmem>>
    %dma_wait3A_84 = arith.constant 0 : i32
    %dma_wait3A_85 = arith.constant 0 : i32
    %dma_wait3A_86 = tpu.memref_slice %arg3[%dma_wait3A_84, %dma_wait3A_85] : memref<20000x128xf32, #tpu.memory_space<hbm>> -> memref<20000x128xf32, #tpu.memory_space<hbm>>
    tpu.wait_indirect_dma semaphore(%arg12 : memref<!tpu.dma_semaphore, #tpu.memory_space<semaphore_mem>>) src(%dma_wait3A_86 : memref<20000x128xf32, #tpu.memory_space<hbm>>) dst(%arg8 : memref<80x128xf32, #tpu.memory_space<vmem>>)
    %dma_wait3A_87 = arith.constant 0 : i32
    %dma_wait3A_88 = arith.constant 0 : i32
    %dma_wait3A_89 = tpu.memref_slice %arg4[%dma_wait3A_87, %dma_wait3A_88] : memref<10112x128xf32, #tpu.memory_space<hbm>> -> memref<80x128xf32, #tpu.memory_space<hbm>>
    %dma_wait3A_90 = arith.constant 0 : i32
    %dma_wait3A_91 = arith.constant 0 : i32
    %dma_wait3A_92 = tpu.memref_slice %arg4[%dma_wait3A_90, %dma_wait3A_91] : memref<10112x128xf32, #tpu.memory_space<hbm>> -> memref<80x128xf32, #tpu.memory_space<hbm>>
    tpu.wait_dma2 semaphore(%arg13 : memref<!tpu.dma_semaphore, #tpu.memory_space<semaphore_mem>>) src(%dma_wait3A_92 : memref<80x128xf32, #tpu.memory_space<hbm>>) dst(%arg7 : memref<80x128xf32, #tpu.memory_space<vmem>>)
    %dma_wait3A_93 = arith.constant 0 : i32
    %dma_wait3A_94 = arith.constant 0 : i32
    %dma_wait3A_95 = arith.constant 0 : i32
    %dma_wait3A_96 = tpu.memref_slice %arg2[%arg0, %arg1, %dma_wait3A_93, %dma_wait3A_94, %dma_wait3A_95] : memref<2x16x5x50x80xi32, #tpu.memory_space<hbm>> -> memref<1x1x1x50x80xi32, #tpu.memory_space<hbm>>
    %dma_wait3A_97 = tpu.memref_squeeze %dma_wait3A_96 : memref<1x1x1x50x80xi32, #tpu.memory_space<hbm>> -> memref<50x80xi32, #tpu.memory_space<hbm>>
    %dma_wait3A_98 = arith.constant 0 : i32
    %dma_wait3A_99 = arith.constant 0 : i32
    %dma_wait3A_100 = tpu.memref_slice %arg2[%arg0, %arg1, %dma_wait3A_93, %dma_wait3A_98, %dma_wait3A_99] : memref<2x16x5x50x80xi32, #tpu.memory_space<hbm>> -> memref<1x1x1x50x80xi32, #tpu.memory_space<hbm>>
    %dma_wait3A_101 = tpu.memref_squeeze %dma_wait3A_100 : memref<1x1x1x50x80xi32, #tpu.memory_space<hbm>> -> memref<50x80xi32, #tpu.memory_space<hbm>>
    tpu.wait_dma2 semaphore(%arg14 : memref<!tpu.dma_semaphore, #tpu.memory_space<semaphore_mem>>) src(%dma_wait3A_101 : memref<50x80xi32, #tpu.memory_space<hbm>>) dst(%arg11 : memref<50x80xi32, #tpu.memory_space<vmem>>)
    %dma_start3A_102 = arith.constant 3 : i32
    %dma_start3A_103 = arith.constant 0 : i32
    %dma_start3A_104 = arith.constant 0 : i32
    %dma_start3A_105 = tpu.memref_slice %arg2[%arg0, %arg1, %dma_start3A_102, %dma_start3A_103, %dma_start3A_104] : memref<2x16x5x50x80xi32, #tpu.memory_space<hbm>> -> memref<1x1x1x50x80xi32, #tpu.memory_space<hbm>>
    %dma_start3A_106 = tpu.memref_squeeze %dma_start3A_105 : memref<1x1x1x50x80xi32, #tpu.memory_space<hbm>> -> memref<50x80xi32, #tpu.memory_space<hbm>>
    %dma_start3A_107 = arith.constant 0 : i32
    %dma_start3A_108 = arith.constant 0 : i32
    %dma_start3A_109 = tpu.memref_slice %arg2[%arg0, %arg1, %dma_start3A_102, %dma_start3A_107, %dma_start3A_108] : memref<2x16x5x50x80xi32, #tpu.memory_space<hbm>> -> memref<1x1x1x50x80xi32, #tpu.memory_space<hbm>>
    %dma_start3A_110 = tpu.memref_squeeze %dma_start3A_109 : memref<1x1x1x50x80xi32, #tpu.memory_space<hbm>> -> memref<50x80xi32, #tpu.memory_space<hbm>>
    tpu.enqueue_dma source(%dma_start3A_110 : memref<50x80xi32, #tpu.memory_space<hbm>>) target(%arg9 : memref<50x80xi32, #tpu.memory_space<vmem>>) target_semaphore(%arg14 : memref<!tpu.dma_semaphore, #tpu.memory_space<semaphore_mem>>)
    %dma_start3A_111 = arith.constant 0 : i32
    %dma_start3A_112 = arith.constant 0 : i32
    %dma_start3A_113 = tpu.memref_slice %arg11[%dma_start3A_111, %dma_start3A_112] : memref<50x80xi32, #tpu.memory_space<vmem>> -> memref<1x80xi32, #tpu.memory_space<vmem>>
    %dma_start3A_114 = tpu.memref_squeeze %dma_start3A_113 : memref<1x80xi32, #tpu.memory_space<vmem>> -> memref<80xi32, #tpu.memory_space<vmem>>
    %dma_start3A_115 = arith.constant 0 : i32
    %dma_start3A_116 = arith.constant 0 : i32
    %dma_start3A_117 = tpu.memref_slice %arg3[%dma_start3A_115, %dma_start3A_116] : memref<20000x128xf32, #tpu.memory_space<hbm>> -> memref<20000x128xf32, #tpu.memory_space<hbm>>
    tpu.enqueue_indirect_dma source(%dma_start3A_117 : memref<20000x128xf32, #tpu.memory_space<hbm>>) target(%arg7 : memref<80x128xf32, #tpu.memory_space<vmem>>) offsets(%dma_start3A_114 : memref<80xi32, #tpu.memory_space<vmem>>) semaphore(%arg12 : memref<!tpu.dma_semaphore, #tpu.memory_space<semaphore_mem>>)
    %dma_start3A_118 = arith.constant 49 : i32
    %dma_start3A_119 = arith.constant 0 : i32
    %dma_start3A_120 = tpu.memref_slice %arg10[%dma_start3A_118, %dma_start3A_119] : memref<50x80xi32, #tpu.memory_space<vmem>> -> memref<1x80xi32, #tpu.memory_space<vmem>>
    %dma_start3A_121 = tpu.memref_squeeze %dma_start3A_120 : memref<1x80xi32, #tpu.memory_space<vmem>> -> memref<80xi32, #tpu.memory_space<vmem>>
    %dma_start3A_122 = arith.constant 0 : i32
    %dma_start3A_123 = arith.constant 0 : i32
    %dma_start3A_124 = tpu.memref_slice %arg6[%dma_start3A_122, %dma_start3A_123] : memref<10112x128xf32, #tpu.memory_space<vmem_shared>> -> memref<10112x128xf32, #tpu.memory_space<vmem_shared>>
    tpu.enqueue_indirect_dma source(%arg8 : memref<80x128xf32, #tpu.memory_space<vmem>>) target(%dma_start3A_124 : memref<10112x128xf32, #tpu.memory_space<vmem_shared>>) offsets(%dma_start3A_121 : memref<80xi32, #tpu.memory_space<vmem>>) semaphore(%arg13 : memref<!tpu.dma_semaphore, #tpu.memory_space<semaphore_mem>>) {add = true}
    %scan3A_125 = arith.constant 0 : i32
    %scan3A_126 = arith.constant 0 : i32
    %scan3A_127 = arith.constant 12 : i32
    %scan3A_128 = arith.addi %scan3A_126, %scan3A_127 : i32
    %scan3A_129 = arith.constant 1 : i32
    scf.for %scan3A_243 = %scan3A_126 to %scan3A_128 step %scan3A_129  : i32 {
      %mul3A_244 = arith.constant 2 : i32
      %mul3A_245 = arith.muli %mul3A_244, %scan3A_243 : i32
      %add3A = arith.constant 0 : i32
      %add3A_246 = arith.addi %mul3A_245, %add3A : i32
      %dma_wait3A_247 = arith.constant 0 : i32
      %dma_wait3A_248 = arith.constant 0 : i32
      %dma_wait3A_249 = tpu.memref_slice %arg9[%dma_wait3A_247, %dma_wait3A_248] : memref<50x80xi32, #tpu.memory_space<vmem>> -> memref<1x80xi32, #tpu.memory_space<vmem>>
      %dma_wait3A_250 = tpu.memref_squeeze %dma_wait3A_249 : memref<1x80xi32, #tpu.memory_space<vmem>> -> memref<80xi32, #tpu.memory_space<vmem>>
      %dma_wait3A_251 = arith.constant 0 : i32
      %dma_wait3A_252 = arith.constant 0 : i32
      %dma_wait3A_253 = tpu.memref_slice %arg3[%dma_wait3A_251, %dma_wait3A_252] : memref<20000x128xf32, #tpu.memory_space<hbm>> -> memref<20000x128xf32, #tpu.memory_space<hbm>>
      tpu.wait_indirect_dma semaphore(%arg12 : memref<!tpu.dma_semaphore, #tpu.memory_space<semaphore_mem>>) src(%dma_wait3A_253 : memref<20000x128xf32, #tpu.memory_space<hbm>>) dst(%arg7 : memref<80x128xf32, #tpu.memory_space<vmem>>)
      %dma_wait3A_254 = arith.constant 0 : i32
      %dma_wait3A_255 = arith.constant 0 : i32
      %dma_wait3A_256 = tpu.memref_slice %arg4[%dma_wait3A_254, %dma_wait3A_255] : memref<10112x128xf32, #tpu.memory_space<hbm>> -> memref<80x128xf32, #tpu.memory_space<hbm>>
      %dma_wait3A_257 = arith.constant 0 : i32
      %dma_wait3A_258 = arith.constant 0 : i32
      %dma_wait3A_259 = tpu.memref_slice %arg4[%dma_wait3A_257, %dma_wait3A_258] : memref<10112x128xf32, #tpu.memory_space<hbm>> -> memref<80x128xf32, #tpu.memory_space<hbm>>
      tpu.wait_dma2 semaphore(%arg13 : memref<!tpu.dma_semaphore, #tpu.memory_space<semaphore_mem>>) src(%dma_wait3A_259 : memref<80x128xf32, #tpu.memory_space<hbm>>) dst(%arg8 : memref<80x128xf32, #tpu.memory_space<vmem>>)
      %add3A_260 = arith.constant 1 : i32
      %add3A_261 = arith.addi %add3A_246, %add3A_260 : i32
      %mul3A_262 = arith.constant 2 : i32
      %mul3A_263 = arith.muli %mul3A_262, %add3A_261 : i32
      %dma_start3A_264 = arith.constant 0 : i32
      %dma_start3A_265 = tpu.memref_slice %arg11[%mul3A_263, %dma_start3A_264] : memref<50x80xi32, #tpu.memory_space<vmem>> -> memref<1x80xi32, #tpu.memory_space<vmem>>
      %dma_start3A_266 = tpu.memref_squeeze %dma_start3A_265 : memref<1x80xi32, #tpu.memory_space<vmem>> -> memref<80xi32, #tpu.memory_space<vmem>>
      %dma_start3A_267 = arith.constant 0 : i32
      %dma_start3A_268 = arith.constant 0 : i32
      %dma_start3A_269 = tpu.memref_slice %arg3[%dma_start3A_267, %dma_start3A_268] : memref<20000x128xf32, #tpu.memory_space<hbm>> -> memref<20000x128xf32, #tpu.memory_space<hbm>>
      tpu.enqueue_indirect_dma source(%dma_start3A_269 : memref<20000x128xf32, #tpu.memory_space<hbm>>) target(%arg8 : memref<80x128xf32, #tpu.memory_space<vmem>>) offsets(%dma_start3A_266 : memref<80xi32, #tpu.memory_space<vmem>>) semaphore(%arg12 : memref<!tpu.dma_semaphore, #tpu.memory_space<semaphore_mem>>)
      %mul3A_270 = arith.constant 2 : i32
      %mul3A_271 = arith.muli %mul3A_270, %add3A_246 : i32
      %add3A_272 = arith.constant 1 : i32
      %add3A_273 = arith.addi %mul3A_271, %add3A_272 : i32
      %dma_start3A_274 = arith.constant 0 : i32
      %dma_start3A_275 = tpu.memref_slice %arg11[%add3A_273, %dma_start3A_274] : memref<50x80xi32, #tpu.memory_space<vmem>> -> memref<1x80xi32, #tpu.memory_space<vmem>>
      %dma_start3A_276 = tpu.memref_squeeze %dma_start3A_275 : memref<1x80xi32, #tpu.memory_space<vmem>> -> memref<80xi32, #tpu.memory_space<vmem>>
      %dma_start3A_277 = arith.constant 0 : i32
      %dma_start3A_278 = arith.constant 0 : i32
      %dma_start3A_279 = tpu.memref_slice %arg6[%dma_start3A_277, %dma_start3A_278] : memref<10112x128xf32, #tpu.memory_space<vmem_shared>> -> memref<10112x128xf32, #tpu.memory_space<vmem_shared>>
      tpu.enqueue_indirect_dma source(%arg7 : memref<80x128xf32, #tpu.memory_space<vmem>>) target(%dma_start3A_279 : memref<10112x128xf32, #tpu.memory_space<vmem_shared>>) offsets(%dma_start3A_276 : memref<80xi32, #tpu.memory_space<vmem>>) semaphore(%arg13 : memref<!tpu.dma_semaphore, #tpu.memory_space<semaphore_mem>>) {add = true}
      %mul3A_280 = arith.constant 2 : i32
      %mul3A_281 = arith.muli %mul3A_280, %scan3A_243 : i32
      %add3A_282 = arith.constant 1 : i32
      %add3A_283 = arith.addi %mul3A_281, %add3A_282 : i32
      %dma_wait3A_284 = arith.constant 0 : i32
      %dma_wait3A_285 = arith.constant 0 : i32
      %dma_wait3A_286 = tpu.memref_slice %arg9[%dma_wait3A_284, %dma_wait3A_285] : memref<50x80xi32, #tpu.memory_space<vmem>> -> memref<1x80xi32, #tpu.memory_space<vmem>>
      %dma_wait3A_287 = tpu.memref_squeeze %dma_wait3A_286 : memref<1x80xi32, #tpu.memory_space<vmem>> -> memref<80xi32, #tpu.memory_space<vmem>>
      %dma_wait3A_288 = arith.constant 0 : i32
      %dma_wait3A_289 = arith.constant 0 : i32
      %dma_wait3A_290 = tpu.memref_slice %arg3[%dma_wait3A_288, %dma_wait3A_289] : memref<20000x128xf32, #tpu.memory_space<hbm>> -> memref<20000x128xf32, #tpu.memory_space<hbm>>
      tpu.wait_indirect_dma semaphore(%arg12 : memref<!tpu.dma_semaphore, #tpu.memory_space<semaphore_mem>>) src(%dma_wait3A_290 : memref<20000x128xf32, #tpu.memory_space<hbm>>) dst(%arg8 : memref<80x128xf32, #tpu.memory_space<vmem>>)
      %dma_wait3A_291 = arith.constant 0 : i32
      %dma_wait3A_292 = arith.constant 0 : i32
      %dma_wait3A_293 = tpu.memref_slice %arg4[%dma_wait3A_291, %dma_wait3A_292] : memref<10112x128xf32, #tpu.memory_space<hbm>> -> memref<80x128xf32, #tpu.memory_space<hbm>>
      %dma_wait3A_294 = arith.constant 0 : i32
      %dma_wait3A_295 = arith.constant 0 : i32
      %dma_wait3A_296 = tpu.memref_slice %arg4[%dma_wait3A_294, %dma_wait3A_295] : memref<10112x128xf32, #tpu.memory_space<hbm>> -> memref<80x128xf32, #tpu.memory_space<hbm>>
      tpu.wait_dma2 semaphore(%arg13 : memref<!tpu.dma_semaphore, #tpu.memory_space<semaphore_mem>>) src(%dma_wait3A_296 : memref<80x128xf32, #tpu.memory_space<hbm>>) dst(%arg7 : memref<80x128xf32, #tpu.memory_space<vmem>>)
      %add3A_297 = arith.constant 1 : i32
      %add3A_298 = arith.addi %add3A_283, %add3A_297 : i32
      %mul3A_299 = arith.constant 2 : i32
      %mul3A_300 = arith.muli %mul3A_299, %add3A_298 : i32
      %dma_start3A_301 = arith.constant 0 : i32
      %dma_start3A_302 = tpu.memref_slice %arg11[%mul3A_300, %dma_start3A_301] : memref<50x80xi32, #tpu.memory_space<vmem>> -> memref<1x80xi32, #tpu.memory_space<vmem>>
      %dma_start3A_303 = tpu.memref_squeeze %dma_start3A_302 : memref<1x80xi32, #tpu.memory_space<vmem>> -> memref<80xi32, #tpu.memory_space<vmem>>
      %dma_start3A_304 = arith.constant 0 : i32
      %dma_start3A_305 = arith.constant 0 : i32
      %dma_start3A_306 = tpu.memref_slice %arg3[%dma_start3A_304, %dma_start3A_305] : memref<20000x128xf32, #tpu.memory_space<hbm>> -> memref<20000x128xf32, #tpu.memory_space<hbm>>
      tpu.enqueue_indirect_dma source(%dma_start3A_306 : memref<20000x128xf32, #tpu.memory_space<hbm>>) target(%arg7 : memref<80x128xf32, #tpu.memory_space<vmem>>) offsets(%dma_start3A_303 : memref<80xi32, #tpu.memory_space<vmem>>) semaphore(%arg12 : memref<!tpu.dma_semaphore, #tpu.memory_space<semaphore_mem>>)
      %mul3A_307 = arith.constant 2 : i32
      %mul3A_308 = arith.muli %mul3A_307, %add3A_283 : i32
      %add3A_309 = arith.constant 1 : i32
      %add3A_310 = arith.addi %mul3A_308, %add3A_309 : i32
      %dma_start3A_311 = arith.constant 0 : i32
      %dma_start3A_312 = tpu.memref_slice %arg11[%add3A_310, %dma_start3A_311] : memref<50x80xi32, #tpu.memory_space<vmem>> -> memref<1x80xi32, #tpu.memory_space<vmem>>
      %dma_start3A_313 = tpu.memref_squeeze %dma_start3A_312 : memref<1x80xi32, #tpu.memory_space<vmem>> -> memref<80xi32, #tpu.memory_space<vmem>>
      %dma_start3A_314 = arith.constant 0 : i32
      %dma_start3A_315 = arith.constant 0 : i32
      %dma_start3A_316 = tpu.memref_slice %arg6[%dma_start3A_314, %dma_start3A_315] : memref<10112x128xf32, #tpu.memory_space<vmem_shared>> -> memref<10112x128xf32, #tpu.memory_space<vmem_shared>>
      tpu.enqueue_indirect_dma source(%arg8 : memref<80x128xf32, #tpu.memory_space<vmem>>) target(%dma_start3A_316 : memref<10112x128xf32, #tpu.memory_space<vmem_shared>>) offsets(%dma_start3A_313 : memref<80xi32, #tpu.memory_space<vmem>>) semaphore(%arg13 : memref<!tpu.dma_semaphore, #tpu.memory_space<semaphore_mem>>) {add = true}
    }
    %scan3A_130 = arith.constant 12 : i32
    %dma_wait3A_131 = arith.constant 0 : i32
    %dma_wait3A_132 = arith.constant 0 : i32
    %dma_wait3A_133 = tpu.memref_slice %arg9[%dma_wait3A_131, %dma_wait3A_132] : memref<50x80xi32, #tpu.memory_space<vmem>> -> memref<1x80xi32, #tpu.memory_space<vmem>>
    %dma_wait3A_134 = tpu.memref_squeeze %dma_wait3A_133 : memref<1x80xi32, #tpu.memory_space<vmem>> -> memref<80xi32, #tpu.memory_space<vmem>>
    %dma_wait3A_135 = arith.constant 0 : i32
    %dma_wait3A_136 = arith.constant 0 : i32
    %dma_wait3A_137 = tpu.memref_slice %arg3[%dma_wait3A_135, %dma_wait3A_136] : memref<20000x128xf32, #tpu.memory_space<hbm>> -> memref<20000x128xf32, #tpu.memory_space<hbm>>
    tpu.wait_indirect_dma semaphore(%arg12 : memref<!tpu.dma_semaphore, #tpu.memory_space<semaphore_mem>>) src(%dma_wait3A_137 : memref<20000x128xf32, #tpu.memory_space<hbm>>) dst(%arg7 : memref<80x128xf32, #tpu.memory_space<vmem>>)
    %dma_wait3A_138 = arith.constant 0 : i32
    %dma_wait3A_139 = arith.constant 0 : i32
    %dma_wait3A_140 = tpu.memref_slice %arg4[%dma_wait3A_138, %dma_wait3A_139] : memref<10112x128xf32, #tpu.memory_space<hbm>> -> memref<80x128xf32, #tpu.memory_space<hbm>>
    %dma_wait3A_141 = arith.constant 0 : i32
    %dma_wait3A_142 = arith.constant 0 : i32
    %dma_wait3A_143 = tpu.memref_slice %arg4[%dma_wait3A_141, %dma_wait3A_142] : memref<10112x128xf32, #tpu.memory_space<hbm>> -> memref<80x128xf32, #tpu.memory_space<hbm>>
    tpu.wait_dma2 semaphore(%arg13 : memref<!tpu.dma_semaphore, #tpu.memory_space<semaphore_mem>>) src(%dma_wait3A_143 : memref<80x128xf32, #tpu.memory_space<hbm>>) dst(%arg8 : memref<80x128xf32, #tpu.memory_space<vmem>>)
    %dma_wait3A_144 = arith.constant 0 : i32
    %dma_wait3A_145 = arith.constant 0 : i32
    %dma_wait3A_146 = arith.constant 0 : i32
    %dma_wait3A_147 = tpu.memref_slice %arg2[%arg0, %arg1, %dma_wait3A_144, %dma_wait3A_145, %dma_wait3A_146] : memref<2x16x5x50x80xi32, #tpu.memory_space<hbm>> -> memref<1x1x1x50x80xi32, #tpu.memory_space<hbm>>
    %dma_wait3A_148 = tpu.memref_squeeze %dma_wait3A_147 : memref<1x1x1x50x80xi32, #tpu.memory_space<hbm>> -> memref<50x80xi32, #tpu.memory_space<hbm>>
    %dma_wait3A_149 = arith.constant 0 : i32
    %dma_wait3A_150 = arith.constant 0 : i32
    %dma_wait3A_151 = tpu.memref_slice %arg2[%arg0, %arg1, %dma_wait3A_144, %dma_wait3A_149, %dma_wait3A_150] : memref<2x16x5x50x80xi32, #tpu.memory_space<hbm>> -> memref<1x1x1x50x80xi32, #tpu.memory_space<hbm>>
    %dma_wait3A_152 = tpu.memref_squeeze %dma_wait3A_151 : memref<1x1x1x50x80xi32, #tpu.memory_space<hbm>> -> memref<50x80xi32, #tpu.memory_space<hbm>>
    tpu.wait_dma2 semaphore(%arg14 : memref<!tpu.dma_semaphore, #tpu.memory_space<semaphore_mem>>) src(%dma_wait3A_152 : memref<50x80xi32, #tpu.memory_space<hbm>>) dst(%arg9 : memref<50x80xi32, #tpu.memory_space<vmem>>)
    %dma_start3A_153 = arith.constant 4 : i32
    %dma_start3A_154 = arith.constant 0 : i32
    %dma_start3A_155 = arith.constant 0 : i32
    %dma_start3A_156 = tpu.memref_slice %arg2[%arg0, %arg1, %dma_start3A_153, %dma_start3A_154, %dma_start3A_155] : memref<2x16x5x50x80xi32, #tpu.memory_space<hbm>> -> memref<1x1x1x50x80xi32, #tpu.memory_space<hbm>>
    %dma_start3A_157 = tpu.memref_squeeze %dma_start3A_156 : memref<1x1x1x50x80xi32, #tpu.memory_space<hbm>> -> memref<50x80xi32, #tpu.memory_space<hbm>>
    %dma_start3A_158 = arith.constant 0 : i32
    %dma_start3A_159 = arith.constant 0 : i32
    %dma_start3A_160 = tpu.memref_slice %arg2[%arg0, %arg1, %dma_start3A_153, %dma_start3A_158, %dma_start3A_159] : memref<2x16x5x50x80xi32, #tpu.memory_space<hbm>> -> memref<1x1x1x50x80xi32, #tpu.memory_space<hbm>>
    %dma_start3A_161 = tpu.memref_squeeze %dma_start3A_160 : memref<1x1x1x50x80xi32, #tpu.memory_space<hbm>> -> memref<50x80xi32, #tpu.memory_space<hbm>>
    tpu.enqueue_dma source(%dma_start3A_161 : memref<50x80xi32, #tpu.memory_space<hbm>>) target(%arg10 : memref<50x80xi32, #tpu.memory_space<vmem>>) target_semaphore(%arg14 : memref<!tpu.dma_semaphore, #tpu.memory_space<semaphore_mem>>)
    %dma_start3A_162 = arith.constant 0 : i32
    %dma_start3A_163 = arith.constant 0 : i32
    %dma_start3A_164 = tpu.memref_slice %arg9[%dma_start3A_162, %dma_start3A_163] : memref<50x80xi32, #tpu.memory_space<vmem>> -> memref<1x80xi32, #tpu.memory_space<vmem>>
    %dma_start3A_165 = tpu.memref_squeeze %dma_start3A_164 : memref<1x80xi32, #tpu.memory_space<vmem>> -> memref<80xi32, #tpu.memory_space<vmem>>
    %dma_start3A_166 = arith.constant 0 : i32
    %dma_start3A_167 = arith.constant 0 : i32
    %dma_start3A_168 = tpu.memref_slice %arg3[%dma_start3A_166, %dma_start3A_167] : memref<20000x128xf32, #tpu.memory_space<hbm>> -> memref<20000x128xf32, #tpu.memory_space<hbm>>
    tpu.enqueue_indirect_dma source(%dma_start3A_168 : memref<20000x128xf32, #tpu.memory_space<hbm>>) target(%arg8 : memref<80x128xf32, #tpu.memory_space<vmem>>) offsets(%dma_start3A_165 : memref<80xi32, #tpu.memory_space<vmem>>) semaphore(%arg12 : memref<!tpu.dma_semaphore, #tpu.memory_space<semaphore_mem>>)
    %dma_start3A_169 = arith.constant 49 : i32
    %dma_start3A_170 = arith.constant 0 : i32
    %dma_start3A_171 = tpu.memref_slice %arg11[%dma_start3A_169, %dma_start3A_170] : memref<50x80xi32, #tpu.memory_space<vmem>> -> memref<1x80xi32, #tpu.memory_space<vmem>>
    %dma_start3A_172 = tpu.memref_squeeze %dma_start3A_171 : memref<1x80xi32, #tpu.memory_space<vmem>> -> memref<80xi32, #tpu.memory_space<vmem>>
    %dma_start3A_173 = arith.constant 0 : i32
    %dma_start3A_174 = arith.constant 0 : i32
    %dma_start3A_175 = tpu.memref_slice %arg6[%dma_start3A_173, %dma_start3A_174] : memref<10112x128xf32, #tpu.memory_space<vmem_shared>> -> memref<10112x128xf32, #tpu.memory_space<vmem_shared>>
    tpu.enqueue_indirect_dma source(%arg7 : memref<80x128xf32, #tpu.memory_space<vmem>>) target(%dma_start3A_175 : memref<10112x128xf32, #tpu.memory_space<vmem_shared>>) offsets(%dma_start3A_172 : memref<80xi32, #tpu.memory_space<vmem>>) semaphore(%arg13 : memref<!tpu.dma_semaphore, #tpu.memory_space<semaphore_mem>>) {add = true}
    %scan3A_176 = arith.constant 0 : i32
    %scan3A_177 = arith.constant 0 : i32
    %scan3A_178 = arith.constant 12 : i32
    %scan3A_179 = arith.addi %scan3A_177, %scan3A_178 : i32
    %scan3A_180 = arith.constant 1 : i32
    scf.for %scan3A_243 = %scan3A_177 to %scan3A_179 step %scan3A_180  : i32 {
      %mul3A_244 = arith.constant 2 : i32
      %mul3A_245 = arith.muli %mul3A_244, %scan3A_243 : i32
      %add3A = arith.constant 0 : i32
      %add3A_246 = arith.addi %mul3A_245, %add3A : i32
      %dma_wait3A_247 = arith.constant 0 : i32
      %dma_wait3A_248 = arith.constant 0 : i32
      %dma_wait3A_249 = tpu.memref_slice %arg9[%dma_wait3A_247, %dma_wait3A_248] : memref<50x80xi32, #tpu.memory_space<vmem>> -> memref<1x80xi32, #tpu.memory_space<vmem>>
      %dma_wait3A_250 = tpu.memref_squeeze %dma_wait3A_249 : memref<1x80xi32, #tpu.memory_space<vmem>> -> memref<80xi32, #tpu.memory_space<vmem>>
      %dma_wait3A_251 = arith.constant 0 : i32
      %dma_wait3A_252 = arith.constant 0 : i32
      %dma_wait3A_253 = tpu.memref_slice %arg3[%dma_wait3A_251, %dma_wait3A_252] : memref<20000x128xf32, #tpu.memory_space<hbm>> -> memref<20000x128xf32, #tpu.memory_space<hbm>>
      tpu.wait_indirect_dma semaphore(%arg12 : memref<!tpu.dma_semaphore, #tpu.memory_space<semaphore_mem>>) src(%dma_wait3A_253 : memref<20000x128xf32, #tpu.memory_space<hbm>>) dst(%arg8 : memref<80x128xf32, #tpu.memory_space<vmem>>)
      %dma_wait3A_254 = arith.constant 0 : i32
      %dma_wait3A_255 = arith.constant 0 : i32
      %dma_wait3A_256 = tpu.memref_slice %arg4[%dma_wait3A_254, %dma_wait3A_255] : memref<10112x128xf32, #tpu.memory_space<hbm>> -> memref<80x128xf32, #tpu.memory_space<hbm>>
      %dma_wait3A_257 = arith.constant 0 : i32
      %dma_wait3A_258 = arith.constant 0 : i32
      %dma_wait3A_259 = tpu.memref_slice %arg4[%dma_wait3A_257, %dma_wait3A_258] : memref<10112x128xf32, #tpu.memory_space<hbm>> -> memref<80x128xf32, #tpu.memory_space<hbm>>
      tpu.wait_dma2 semaphore(%arg13 : memref<!tpu.dma_semaphore, #tpu.memory_space<semaphore_mem>>) src(%dma_wait3A_259 : memref<80x128xf32, #tpu.memory_space<hbm>>) dst(%arg7 : memref<80x128xf32, #tpu.memory_space<vmem>>)
      %add3A_260 = arith.constant 1 : i32
      %add3A_261 = arith.addi %add3A_246, %add3A_260 : i32
      %mul3A_262 = arith.constant 2 : i32
      %mul3A_263 = arith.muli %mul3A_262, %add3A_261 : i32
      %dma_start3A_264 = arith.constant 0 : i32
      %dma_start3A_265 = tpu.memref_slice %arg9[%mul3A_263, %dma_start3A_264] : memref<50x80xi32, #tpu.memory_space<vmem>> -> memref<1x80xi32, #tpu.memory_space<vmem>>
      %dma_start3A_266 = tpu.memref_squeeze %dma_start3A_265 : memref<1x80xi32, #tpu.memory_space<vmem>> -> memref<80xi32, #tpu.memory_space<vmem>>
      %dma_start3A_267 = arith.constant 0 : i32
      %dma_start3A_268 = arith.constant 0 : i32
      %dma_start3A_269 = tpu.memref_slice %arg3[%dma_start3A_267, %dma_start3A_268] : memref<20000x128xf32, #tpu.memory_space<hbm>> -> memref<20000x128xf32, #tpu.memory_space<hbm>>
      tpu.enqueue_indirect_dma source(%dma_start3A_269 : memref<20000x128xf32, #tpu.memory_space<hbm>>) target(%arg7 : memref<80x128xf32, #tpu.memory_space<vmem>>) offsets(%dma_start3A_266 : memref<80xi32, #tpu.memory_space<vmem>>) semaphore(%arg12 : memref<!tpu.dma_semaphore, #tpu.memory_space<semaphore_mem>>)
      %mul3A_270 = arith.constant 2 : i32
      %mul3A_271 = arith.muli %mul3A_270, %add3A_246 : i32
      %add3A_272 = arith.constant 1 : i32
      %add3A_273 = arith.addi %mul3A_271, %add3A_272 : i32
      %dma_start3A_274 = arith.constant 0 : i32
      %dma_start3A_275 = tpu.memref_slice %arg9[%add3A_273, %dma_start3A_274] : memref<50x80xi32, #tpu.memory_space<vmem>> -> memref<1x80xi32, #tpu.memory_space<vmem>>
      %dma_start3A_276 = tpu.memref_squeeze %dma_start3A_275 : memref<1x80xi32, #tpu.memory_space<vmem>> -> memref<80xi32, #tpu.memory_space<vmem>>
      %dma_start3A_277 = arith.constant 0 : i32
      %dma_start3A_278 = arith.constant 0 : i32
      %dma_start3A_279 = tpu.memref_slice %arg6[%dma_start3A_277, %dma_start3A_278] : memref<10112x128xf32, #tpu.memory_space<vmem_shared>> -> memref<10112x128xf32, #tpu.memory_space<vmem_shared>>
      tpu.enqueue_indirect_dma source(%arg8 : memref<80x128xf32, #tpu.memory_space<vmem>>) target(%dma_start3A_279 : memref<10112x128xf32, #tpu.memory_space<vmem_shared>>) offsets(%dma_start3A_276 : memref<80xi32, #tpu.memory_space<vmem>>) semaphore(%arg13 : memref<!tpu.dma_semaphore, #tpu.memory_space<semaphore_mem>>) {add = true}
      %mul3A_280 = arith.constant 2 : i32
      %mul3A_281 = arith.muli %mul3A_280, %scan3A_243 : i32
      %add3A_282 = arith.constant 1 : i32
      %add3A_283 = arith.addi %mul3A_281, %add3A_282 : i32
      %dma_wait3A_284 = arith.constant 0 : i32
      %dma_wait3A_285 = arith.constant 0 : i32
      %dma_wait3A_286 = tpu.memref_slice %arg9[%dma_wait3A_284, %dma_wait3A_285] : memref<50x80xi32, #tpu.memory_space<vmem>> -> memref<1x80xi32, #tpu.memory_space<vmem>>
      %dma_wait3A_287 = tpu.memref_squeeze %dma_wait3A_286 : memref<1x80xi32, #tpu.memory_space<vmem>> -> memref<80xi32, #tpu.memory_space<vmem>>
      %dma_wait3A_288 = arith.constant 0 : i32
      %dma_wait3A_289 = arith.constant 0 : i32
      %dma_wait3A_290 = tpu.memref_slice %arg3[%dma_wait3A_288, %dma_wait3A_289] : memref<20000x128xf32, #tpu.memory_space<hbm>> -> memref<20000x128xf32, #tpu.memory_space<hbm>>
      tpu.wait_indirect_dma semaphore(%arg12 : memref<!tpu.dma_semaphore, #tpu.memory_space<semaphore_mem>>) src(%dma_wait3A_290 : memref<20000x128xf32, #tpu.memory_space<hbm>>) dst(%arg7 : memref<80x128xf32, #tpu.memory_space<vmem>>)
      %dma_wait3A_291 = arith.constant 0 : i32
      %dma_wait3A_292 = arith.constant 0 : i32
      %dma_wait3A_293 = tpu.memref_slice %arg4[%dma_wait3A_291, %dma_wait3A_292] : memref<10112x128xf32, #tpu.memory_space<hbm>> -> memref<80x128xf32, #tpu.memory_space<hbm>>
      %dma_wait3A_294 = arith.constant 0 : i32
      %dma_wait3A_295 = arith.constant 0 : i32
      %dma_wait3A_296 = tpu.memref_slice %arg4[%dma_wait3A_294, %dma_wait3A_295] : memref<10112x128xf32, #tpu.memory_space<hbm>> -> memref<80x128xf32, #tpu.memory_space<hbm>>
      tpu.wait_dma2 semaphore(%arg13 : memref<!tpu.dma_semaphore, #tpu.memory_space<semaphore_mem>>) src(%dma_wait3A_296 : memref<80x128xf32, #tpu.memory_space<hbm>>) dst(%arg8 : memref<80x128xf32, #tpu.memory_space<vmem>>)
      %add3A_297 = arith.constant 1 : i32
      %add3A_298 = arith.addi %add3A_283, %add3A_297 : i32
      %mul3A_299 = arith.constant 2 : i32
      %mul3A_300 = arith.muli %mul3A_299, %add3A_298 : i32
      %dma_start3A_301 = arith.constant 0 : i32
      %dma_start3A_302 = tpu.memref_slice %arg9[%mul3A_300, %dma_start3A_301] : memref<50x80xi32, #tpu.memory_space<vmem>> -> memref<1x80xi32, #tpu.memory_space<vmem>>
      %dma_start3A_303 = tpu.memref_squeeze %dma_start3A_302 : memref<1x80xi32, #tpu.memory_space<vmem>> -> memref<80xi32, #tpu.memory_space<vmem>>
      %dma_start3A_304 = arith.constant 0 : i32
      %dma_start3A_305 = arith.constant 0 : i32
      %dma_start3A_306 = tpu.memref_slice %arg3[%dma_start3A_304, %dma_start3A_305] : memref<20000x128xf32, #tpu.memory_space<hbm>> -> memref<20000x128xf32, #tpu.memory_space<hbm>>
      tpu.enqueue_indirect_dma source(%dma_start3A_306 : memref<20000x128xf32, #tpu.memory_space<hbm>>) target(%arg8 : memref<80x128xf32, #tpu.memory_space<vmem>>) offsets(%dma_start3A_303 : memref<80xi32, #tpu.memory_space<vmem>>) semaphore(%arg12 : memref<!tpu.dma_semaphore, #tpu.memory_space<semaphore_mem>>)
      %mul3A_307 = arith.constant 2 : i32
      %mul3A_308 = arith.muli %mul3A_307, %add3A_283 : i32
      %add3A_309 = arith.constant 1 : i32
      %add3A_310 = arith.addi %mul3A_308, %add3A_309 : i32
      %dma_start3A_311 = arith.constant 0 : i32
      %dma_start3A_312 = tpu.memref_slice %arg9[%add3A_310, %dma_start3A_311] : memref<50x80xi32, #tpu.memory_space<vmem>> -> memref<1x80xi32, #tpu.memory_space<vmem>>
      %dma_start3A_313 = tpu.memref_squeeze %dma_start3A_312 : memref<1x80xi32, #tpu.memory_space<vmem>> -> memref<80xi32, #tpu.memory_space<vmem>>
      %dma_start3A_314 = arith.constant 0 : i32
      %dma_start3A_315 = arith.constant 0 : i32
      %dma_start3A_316 = tpu.memref_slice %arg6[%dma_start3A_314, %dma_start3A_315] : memref<10112x128xf32, #tpu.memory_space<vmem_shared>> -> memref<10112x128xf32, #tpu.memory_space<vmem_shared>>
      tpu.enqueue_indirect_dma source(%arg7 : memref<80x128xf32, #tpu.memory_space<vmem>>) target(%dma_start3A_316 : memref<10112x128xf32, #tpu.memory_space<vmem_shared>>) offsets(%dma_start3A_313 : memref<80xi32, #tpu.memory_space<vmem>>) semaphore(%arg13 : memref<!tpu.dma_semaphore, #tpu.memory_space<semaphore_mem>>) {add = true}
    }
    %scan3A_181 = arith.constant 12 : i32
    %dma_wait3A_182 = arith.constant 0 : i32
    %dma_wait3A_183 = arith.constant 0 : i32
    %dma_wait3A_184 = tpu.memref_slice %arg9[%dma_wait3A_182, %dma_wait3A_183] : memref<50x80xi32, #tpu.memory_space<vmem>> -> memref<1x80xi32, #tpu.memory_space<vmem>>
    %dma_wait3A_185 = tpu.memref_squeeze %dma_wait3A_184 : memref<1x80xi32, #tpu.memory_space<vmem>> -> memref<80xi32, #tpu.memory_space<vmem>>
    %dma_wait3A_186 = arith.constant 0 : i32
    %dma_wait3A_187 = arith.constant 0 : i32
    %dma_wait3A_188 = tpu.memref_slice %arg3[%dma_wait3A_186, %dma_wait3A_187] : memref<20000x128xf32, #tpu.memory_space<hbm>> -> memref<20000x128xf32, #tpu.memory_space<hbm>>
    tpu.wait_indirect_dma semaphore(%arg12 : memref<!tpu.dma_semaphore, #tpu.memory_space<semaphore_mem>>) src(%dma_wait3A_188 : memref<20000x128xf32, #tpu.memory_space<hbm>>) dst(%arg8 : memref<80x128xf32, #tpu.memory_space<vmem>>)
    %dma_wait3A_189 = arith.constant 0 : i32
    %dma_wait3A_190 = arith.constant 0 : i32
    %dma_wait3A_191 = tpu.memref_slice %arg4[%dma_wait3A_189, %dma_wait3A_190] : memref<10112x128xf32, #tpu.memory_space<hbm>> -> memref<80x128xf32, #tpu.memory_space<hbm>>
    %dma_wait3A_192 = arith.constant 0 : i32
    %dma_wait3A_193 = arith.constant 0 : i32
    %dma_wait3A_194 = tpu.memref_slice %arg4[%dma_wait3A_192, %dma_wait3A_193] : memref<10112x128xf32, #tpu.memory_space<hbm>> -> memref<80x128xf32, #tpu.memory_space<hbm>>
    tpu.wait_dma2 semaphore(%arg13 : memref<!tpu.dma_semaphore, #tpu.memory_space<semaphore_mem>>) src(%dma_wait3A_194 : memref<80x128xf32, #tpu.memory_space<hbm>>) dst(%arg7 : memref<80x128xf32, #tpu.memory_space<vmem>>)
    %dma_wait3A_195 = arith.constant 0 : i32
    %dma_wait3A_196 = arith.constant 0 : i32
    %dma_wait3A_197 = arith.constant 0 : i32
    %dma_wait3A_198 = tpu.memref_slice %arg2[%arg0, %arg1, %dma_wait3A_195, %dma_wait3A_196, %dma_wait3A_197] : memref<2x16x5x50x80xi32, #tpu.memory_space<hbm>> -> memref<1x1x1x50x80xi32, #tpu.memory_space<hbm>>
    %dma_wait3A_199 = tpu.memref_squeeze %dma_wait3A_198 : memref<1x1x1x50x80xi32, #tpu.memory_space<hbm>> -> memref<50x80xi32, #tpu.memory_space<hbm>>
    %dma_wait3A_200 = arith.constant 0 : i32
    %dma_wait3A_201 = arith.constant 0 : i32
    %dma_wait3A_202 = tpu.memref_slice %arg2[%arg0, %arg1, %dma_wait3A_195, %dma_wait3A_200, %dma_wait3A_201] : memref<2x16x5x50x80xi32, #tpu.memory_space<hbm>> -> memref<1x1x1x50x80xi32, #tpu.memory_space<hbm>>
    %dma_wait3A_203 = tpu.memref_squeeze %dma_wait3A_202 : memref<1x1x1x50x80xi32, #tpu.memory_space<hbm>> -> memref<50x80xi32, #tpu.memory_space<hbm>>
    tpu.wait_dma2 semaphore(%arg14 : memref<!tpu.dma_semaphore, #tpu.memory_space<semaphore_mem>>) src(%dma_wait3A_203 : memref<50x80xi32, #tpu.memory_space<hbm>>) dst(%arg10 : memref<50x80xi32, #tpu.memory_space<vmem>>)
    %dma_start3A_204 = arith.constant 0 : i32
    %dma_start3A_205 = arith.constant 0 : i32
    %dma_start3A_206 = tpu.memref_slice %arg10[%dma_start3A_204, %dma_start3A_205] : memref<50x80xi32, #tpu.memory_space<vmem>> -> memref<1x80xi32, #tpu.memory_space<vmem>>
    %dma_start3A_207 = tpu.memref_squeeze %dma_start3A_206 : memref<1x80xi32, #tpu.memory_space<vmem>> -> memref<80xi32, #tpu.memory_space<vmem>>
    %dma_start3A_208 = arith.constant 0 : i32
    %dma_start3A_209 = arith.constant 0 : i32
    %dma_start3A_210 = tpu.memref_slice %arg3[%dma_start3A_208, %dma_start3A_209] : memref<20000x128xf32, #tpu.memory_space<hbm>> -> memref<20000x128xf32, #tpu.memory_space<hbm>>
    tpu.enqueue_indirect_dma source(%dma_start3A_210 : memref<20000x128xf32, #tpu.memory_space<hbm>>) target(%arg7 : memref<80x128xf32, #tpu.memory_space<vmem>>) offsets(%dma_start3A_207 : memref<80xi32, #tpu.memory_space<vmem>>) semaphore(%arg12 : memref<!tpu.dma_semaphore, #tpu.memory_space<semaphore_mem>>)
    %dma_start3A_211 = arith.constant 49 : i32
    %dma_start3A_212 = arith.constant 0 : i32
    %dma_start3A_213 = tpu.memref_slice %arg9[%dma_start3A_211, %dma_start3A_212] : memref<50x80xi32, #tpu.memory_space<vmem>> -> memref<1x80xi32, #tpu.memory_space<vmem>>
    %dma_start3A_214 = tpu.memref_squeeze %dma_start3A_213 : memref<1x80xi32, #tpu.memory_space<vmem>> -> memref<80xi32, #tpu.memory_space<vmem>>
    %dma_start3A_215 = arith.constant 0 : i32
    %dma_start3A_216 = arith.constant 0 : i32
    %dma_start3A_217 = tpu.memref_slice %arg6[%dma_start3A_215, %dma_start3A_216] : memref<10112x128xf32, #tpu.memory_space<vmem_shared>> -> memref<10112x128xf32, #tpu.memory_space<vmem_shared>>
    tpu.enqueue_indirect_dma source(%arg8 : memref<80x128xf32, #tpu.memory_space<vmem>>) target(%dma_start3A_217 : memref<10112x128xf32, #tpu.memory_space<vmem_shared>>) offsets(%dma_start3A_214 : memref<80xi32, #tpu.memory_space<vmem>>) semaphore(%arg13 : memref<!tpu.dma_semaphore, #tpu.memory_space<semaphore_mem>>) {add = true}
    %scan3A_218 = arith.constant 0 : i32
    %scan3A_219 = arith.constant 0 : i32
    %scan3A_220 = arith.constant 12 : i32
    %scan3A_221 = arith.addi %scan3A_219, %scan3A_220 : i32
    %scan3A_222 = arith.constant 1 : i32
    scf.for %scan3A_243 = %scan3A_219 to %scan3A_221 step %scan3A_222  : i32 {
      %mul3A_244 = arith.constant 2 : i32
      %mul3A_245 = arith.muli %mul3A_244, %scan3A_243 : i32
      %add3A = arith.constant 0 : i32
      %add3A_246 = arith.addi %mul3A_245, %add3A : i32
      %dma_wait3A_247 = arith.constant 0 : i32
      %dma_wait3A_248 = arith.constant 0 : i32
      %dma_wait3A_249 = tpu.memref_slice %arg9[%dma_wait3A_247, %dma_wait3A_248] : memref<50x80xi32, #tpu.memory_space<vmem>> -> memref<1x80xi32, #tpu.memory_space<vmem>>
      %dma_wait3A_250 = tpu.memref_squeeze %dma_wait3A_249 : memref<1x80xi32, #tpu.memory_space<vmem>> -> memref<80xi32, #tpu.memory_space<vmem>>
      %dma_wait3A_251 = arith.constant 0 : i32
      %dma_wait3A_252 = arith.constant 0 : i32
      %dma_wait3A_253 = tpu.memref_slice %arg3[%dma_wait3A_251, %dma_wait3A_252] : memref<20000x128xf32, #tpu.memory_space<hbm>> -> memref<20000x128xf32, #tpu.memory_space<hbm>>
      tpu.wait_indirect_dma semaphore(%arg12 : memref<!tpu.dma_semaphore, #tpu.memory_space<semaphore_mem>>) src(%dma_wait3A_253 : memref<20000x128xf32, #tpu.memory_space<hbm>>) dst(%arg7 : memref<80x128xf32, #tpu.memory_space<vmem>>)
      %dma_wait3A_254 = arith.constant 0 : i32
      %dma_wait3A_255 = arith.constant 0 : i32
      %dma_wait3A_256 = tpu.memref_slice %arg4[%dma_wait3A_254, %dma_wait3A_255] : memref<10112x128xf32, #tpu.memory_space<hbm>> -> memref<80x128xf32, #tpu.memory_space<hbm>>
      %dma_wait3A_257 = arith.constant 0 : i32
      %dma_wait3A_258 = arith.constant 0 : i32
      %dma_wait3A_259 = tpu.memref_slice %arg4[%dma_wait3A_257, %dma_wait3A_258] : memref<10112x128xf32, #tpu.memory_space<hbm>> -> memref<80x128xf32, #tpu.memory_space<hbm>>
      tpu.wait_dma2 semaphore(%arg13 : memref<!tpu.dma_semaphore, #tpu.memory_space<semaphore_mem>>) src(%dma_wait3A_259 : memref<80x128xf32, #tpu.memory_space<hbm>>) dst(%arg8 : memref<80x128xf32, #tpu.memory_space<vmem>>)
      %add3A_260 = arith.constant 1 : i32
      %add3A_261 = arith.addi %add3A_246, %add3A_260 : i32
      %mul3A_262 = arith.constant 2 : i32
      %mul3A_263 = arith.muli %mul3A_262, %add3A_261 : i32
      %dma_start3A_264 = arith.constant 0 : i32
      %dma_start3A_265 = tpu.memref_slice %arg10[%mul3A_263, %dma_start3A_264] : memref<50x80xi32, #tpu.memory_space<vmem>> -> memref<1x80xi32, #tpu.memory_space<vmem>>
      %dma_start3A_266 = tpu.memref_squeeze %dma_start3A_265 : memref<1x80xi32, #tpu.memory_space<vmem>> -> memref<80xi32, #tpu.memory_space<vmem>>
      %dma_start3A_267 = arith.constant 0 : i32
      %dma_start3A_268 = arith.constant 0 : i32
      %dma_start3A_269 = tpu.memref_slice %arg3[%dma_start3A_267, %dma_start3A_268] : memref<20000x128xf32, #tpu.memory_space<hbm>> -> memref<20000x128xf32, #tpu.memory_space<hbm>>
      tpu.enqueue_indirect_dma source(%dma_start3A_269 : memref<20000x128xf32, #tpu.memory_space<hbm>>) target(%arg8 : memref<80x128xf32, #tpu.memory_space<vmem>>) offsets(%dma_start3A_266 : memref<80xi32, #tpu.memory_space<vmem>>) semaphore(%arg12 : memref<!tpu.dma_semaphore, #tpu.memory_space<semaphore_mem>>)
      %mul3A_270 = arith.constant 2 : i32
      %mul3A_271 = arith.muli %mul3A_270, %add3A_246 : i32
      %add3A_272 = arith.constant 1 : i32
      %add3A_273 = arith.addi %mul3A_271, %add3A_272 : i32
      %dma_start3A_274 = arith.constant 0 : i32
      %dma_start3A_275 = tpu.memref_slice %arg10[%add3A_273, %dma_start3A_274] : memref<50x80xi32, #tpu.memory_space<vmem>> -> memref<1x80xi32, #tpu.memory_space<vmem>>
      %dma_start3A_276 = tpu.memref_squeeze %dma_start3A_275 : memref<1x80xi32, #tpu.memory_space<vmem>> -> memref<80xi32, #tpu.memory_space<vmem>>
      %dma_start3A_277 = arith.constant 0 : i32
      %dma_start3A_278 = arith.constant 0 : i32
      %dma_start3A_279 = tpu.memref_slice %arg6[%dma_start3A_277, %dma_start3A_278] : memref<10112x128xf32, #tpu.memory_space<vmem_shared>> -> memref<10112x128xf32, #tpu.memory_space<vmem_shared>>
      tpu.enqueue_indirect_dma source(%arg7 : memref<80x128xf32, #tpu.memory_space<vmem>>) target(%dma_start3A_279 : memref<10112x128xf32, #tpu.memory_space<vmem_shared>>) offsets(%dma_start3A_276 : memref<80xi32, #tpu.memory_space<vmem>>) semaphore(%arg13 : memref<!tpu.dma_semaphore, #tpu.memory_space<semaphore_mem>>) {add = true}
      %mul3A_280 = arith.constant 2 : i32
      %mul3A_281 = arith.muli %mul3A_280, %scan3A_243 : i32
      %add3A_282 = arith.constant 1 : i32
      %add3A_283 = arith.addi %mul3A_281, %add3A_282 : i32
      %dma_wait3A_284 = arith.constant 0 : i32
      %dma_wait3A_285 = arith.constant 0 : i32
      %dma_wait3A_286 = tpu.memref_slice %arg9[%dma_wait3A_284, %dma_wait3A_285] : memref<50x80xi32, #tpu.memory_space<vmem>> -> memref<1x80xi32, #tpu.memory_space<vmem>>
      %dma_wait3A_287 = tpu.memref_squeeze %dma_wait3A_286 : memref<1x80xi32, #tpu.memory_space<vmem>> -> memref<80xi32, #tpu.memory_space<vmem>>
      %dma_wait3A_288 = arith.constant 0 : i32
      %dma_wait3A_289 = arith.constant 0 : i32
      %dma_wait3A_290 = tpu.memref_slice %arg3[%dma_wait3A_288, %dma_wait3A_289] : memref<20000x128xf32, #tpu.memory_space<hbm>> -> memref<20000x128xf32, #tpu.memory_space<hbm>>
      tpu.wait_indirect_dma semaphore(%arg12 : memref<!tpu.dma_semaphore, #tpu.memory_space<semaphore_mem>>) src(%dma_wait3A_290 : memref<20000x128xf32, #tpu.memory_space<hbm>>) dst(%arg8 : memref<80x128xf32, #tpu.memory_space<vmem>>)
      %dma_wait3A_291 = arith.constant 0 : i32
      %dma_wait3A_292 = arith.constant 0 : i32
      %dma_wait3A_293 = tpu.memref_slice %arg4[%dma_wait3A_291, %dma_wait3A_292] : memref<10112x128xf32, #tpu.memory_space<hbm>> -> memref<80x128xf32, #tpu.memory_space<hbm>>
      %dma_wait3A_294 = arith.constant 0 : i32
      %dma_wait3A_295 = arith.constant 0 : i32
      %dma_wait3A_296 = tpu.memref_slice %arg4[%dma_wait3A_294, %dma_wait3A_295] : memref<10112x128xf32, #tpu.memory_space<hbm>> -> memref<80x128xf32, #tpu.memory_space<hbm>>
      tpu.wait_dma2 semaphore(%arg13 : memref<!tpu.dma_semaphore, #tpu.memory_space<semaphore_mem>>) src(%dma_wait3A_296 : memref<80x128xf32, #tpu.memory_space<hbm>>) dst(%arg7 : memref<80x128xf32, #tpu.memory_space<vmem>>)
      %add3A_297 = arith.constant 1 : i32
      %add3A_298 = arith.addi %add3A_283, %add3A_297 : i32
      %mul3A_299 = arith.constant 2 : i32
      %mul3A_300 = arith.muli %mul3A_299, %add3A_298 : i32
      %dma_start3A_301 = arith.constant 0 : i32
      %dma_start3A_302 = tpu.memref_slice %arg10[%mul3A_300, %dma_start3A_301] : memref<50x80xi32, #tpu.memory_space<vmem>> -> memref<1x80xi32, #tpu.memory_space<vmem>>
      %dma_start3A_303 = tpu.memref_squeeze %dma_start3A_302 : memref<1x80xi32, #tpu.memory_space<vmem>> -> memref<80xi32, #tpu.memory_space<vmem>>
      %dma_start3A_304 = arith.constant 0 : i32
      %dma_start3A_305 = arith.constant 0 : i32
      %dma_start3A_306 = tpu.memref_slice %arg3[%dma_start3A_304, %dma_start3A_305] : memref<20000x128xf32, #tpu.memory_space<hbm>> -> memref<20000x128xf32, #tpu.memory_space<hbm>>
      tpu.enqueue_indirect_dma source(%dma_start3A_306 : memref<20000x128xf32, #tpu.memory_space<hbm>>) target(%arg7 : memref<80x128xf32, #tpu.memory_space<vmem>>) offsets(%dma_start3A_303 : memref<80xi32, #tpu.memory_space<vmem>>) semaphore(%arg12 : memref<!tpu.dma_semaphore, #tpu.memory_space<semaphore_mem>>)
      %mul3A_307 = arith.constant 2 : i32
      %mul3A_308 = arith.muli %mul3A_307, %add3A_283 : i32
      %add3A_309 = arith.constant 1 : i32
      %add3A_310 = arith.addi %mul3A_308, %add3A_309 : i32
      %dma_start3A_311 = arith.constant 0 : i32
      %dma_start3A_312 = tpu.memref_slice %arg10[%add3A_310, %dma_start3A_311] : memref<50x80xi32, #tpu.memory_space<vmem>> -> memref<1x80xi32, #tpu.memory_space<vmem>>
      %dma_start3A_313 = tpu.memref_squeeze %dma_start3A_312 : memref<1x80xi32, #tpu.memory_space<vmem>> -> memref<80xi32, #tpu.memory_space<vmem>>
      %dma_start3A_314 = arith.constant 0 : i32
      %dma_start3A_315 = arith.constant 0 : i32
      %dma_start3A_316 = tpu.memref_slice %arg6[%dma_start3A_314, %dma_start3A_315] : memref<10112x128xf32, #tpu.memory_space<vmem_shared>> -> memref<10112x128xf32, #tpu.memory_space<vmem_shared>>
      tpu.enqueue_indirect_dma source(%arg8 : memref<80x128xf32, #tpu.memory_space<vmem>>) target(%dma_start3A_316 : memref<10112x128xf32, #tpu.memory_space<vmem_shared>>) offsets(%dma_start3A_313 : memref<80xi32, #tpu.memory_space<vmem>>) semaphore(%arg13 : memref<!tpu.dma_semaphore, #tpu.memory_space<semaphore_mem>>) {add = true}
    }
    %scan3A_223 = arith.constant 12 : i32
    %dma_wait3A_224 = arith.constant 0 : i32
    %dma_wait3A_225 = arith.constant 0 : i32
    %dma_wait3A_226 = tpu.memref_slice %arg9[%dma_wait3A_224, %dma_wait3A_225] : memref<50x80xi32, #tpu.memory_space<vmem>> -> memref<1x80xi32, #tpu.memory_space<vmem>>
    %dma_wait3A_227 = tpu.memref_squeeze %dma_wait3A_226 : memref<1x80xi32, #tpu.memory_space<vmem>> -> memref<80xi32, #tpu.memory_space<vmem>>
    %dma_wait3A_228 = arith.constant 0 : i32
    %dma_wait3A_229 = arith.constant 0 : i32
    %dma_wait3A_230 = tpu.memref_slice %arg3[%dma_wait3A_228, %dma_wait3A_229] : memref<20000x128xf32, #tpu.memory_space<hbm>> -> memref<20000x128xf32, #tpu.memory_space<hbm>>
    tpu.wait_indirect_dma semaphore(%arg12 : memref<!tpu.dma_semaphore, #tpu.memory_space<semaphore_mem>>) src(%dma_wait3A_230 : memref<20000x128xf32, #tpu.memory_space<hbm>>) dst(%arg7 : memref<80x128xf32, #tpu.memory_space<vmem>>)
    %dma_wait3A_231 = arith.constant 0 : i32
    %dma_wait3A_232 = arith.constant 0 : i32
    %dma_wait3A_233 = tpu.memref_slice %arg4[%dma_wait3A_231, %dma_wait3A_232] : memref<10112x128xf32, #tpu.memory_space<hbm>> -> memref<80x128xf32, #tpu.memory_space<hbm>>
    %dma_wait3A_234 = arith.constant 0 : i32
    %dma_wait3A_235 = arith.constant 0 : i32
    %dma_wait3A_236 = tpu.memref_slice %arg4[%dma_wait3A_234, %dma_wait3A_235] : memref<10112x128xf32, #tpu.memory_space<hbm>> -> memref<80x128xf32, #tpu.memory_space<hbm>>
    tpu.wait_dma2 semaphore(%arg13 : memref<!tpu.dma_semaphore, #tpu.memory_space<semaphore_mem>>) src(%dma_wait3A_236 : memref<80x128xf32, #tpu.memory_space<hbm>>) dst(%arg8 : memref<80x128xf32, #tpu.memory_space<vmem>>)
    %run_scoped3A_237 = arith.constant 49 : i32
    "tpu.region"() ({
      %run_scoped3A_243 = tpu.sem_alloc : memref<!tpu.dma_semaphore, #tpu.memory_space<semaphore_mem>>
      %dma_start3A_244 = arith.constant 0 : i32
      %dma_start3A_245 = tpu.memref_slice %arg10[%run_scoped3A_237, %dma_start3A_244] : memref<50x80xi32, #tpu.memory_space<vmem>> -> memref<1x80xi32, #tpu.memory_space<vmem>>
      %dma_start3A_246 = tpu.memref_squeeze %dma_start3A_245 : memref<1x80xi32, #tpu.memory_space<vmem>> -> memref<80xi32, #tpu.memory_space<vmem>>
      %dma_start3A_247 = arith.constant 0 : i32
      %dma_start3A_248 = arith.constant 0 : i32
      %dma_start3A_249 = tpu.memref_slice %arg6[%dma_start3A_247, %dma_start3A_248] : memref<10112x128xf32, #tpu.memory_space<vmem_shared>> -> memref<10112x128xf32, #tpu.memory_space<vmem_shared>>
      tpu.enqueue_indirect_dma source(%arg7 : memref<80x128xf32, #tpu.memory_space<vmem>>) target(%dma_start3A_249 : memref<10112x128xf32, #tpu.memory_space<vmem_shared>>) offsets(%dma_start3A_246 : memref<80xi32, #tpu.memory_space<vmem>>) semaphore(%run_scoped3A_243 : memref<!tpu.dma_semaphore, #tpu.memory_space<semaphore_mem>>) {add = true}
      %dma_wait3A_250 = arith.constant 0 : i32
      %dma_wait3A_251 = tpu.memref_slice %arg10[%run_scoped3A_237, %dma_wait3A_250] : memref<50x80xi32, #tpu.memory_space<vmem>> -> memref<1x80xi32, #tpu.memory_space<vmem>>
      %dma_wait3A_252 = tpu.memref_squeeze %dma_wait3A_251 : memref<1x80xi32, #tpu.memory_space<vmem>> -> memref<80xi32, #tpu.memory_space<vmem>>
      %dma_wait3A_253 = arith.constant 0 : i32
      %dma_wait3A_254 = arith.constant 0 : i32
      %dma_wait3A_255 = tpu.memref_slice %arg6[%dma_wait3A_253, %dma_wait3A_254] : memref<10112x128xf32, #tpu.memory_space<vmem_shared>> -> memref<10112x128xf32, #tpu.memory_space<vmem_shared>>
      tpu.wait_indirect_dma semaphore(%run_scoped3A_243 : memref<!tpu.dma_semaphore, #tpu.memory_space<semaphore_mem>>) src(%arg7 : memref<80x128xf32, #tpu.memory_space<vmem>>) dst(%dma_wait3A_255 : memref<10112x128xf32, #tpu.memory_space<vmem_shared>>)
      tpu.yield
    }) : () -> ()
    %barrier3A_238 = arith.constant 0 : index
    tpu.barrier barrier_id(%barrier3A_238)
    %mul3A_239 = arith.constant 632 : i32
    %mul3A_240 = arith.muli %arg1, %mul3A_239 : i32
    %mul3A_241 = arith.constant 632 : i32
    %mul3A_242 = arith.muli %arg1, %mul3A_241 : i32
    "tpu.region"() ({
      %run_scoped3A_243 = tpu.sem_alloc : memref<!tpu.dma_semaphore, #tpu.memory_space<semaphore_mem>>
      %dma_start3A_244 = arith.constant 0 : i32
      %dma_start3A_245 = tpu.memref_slice %arg5[%arg0, %mul3A_242, %dma_start3A_244] : memref<2x10112x128xf32, #tpu.memory_space<hbm>> -> memref<1x632x128xf32, #tpu.memory_space<hbm>>
      %dma_start3A_246 = tpu.memref_squeeze %dma_start3A_245 : memref<1x632x128xf32, #tpu.memory_space<hbm>> -> memref<632x128xf32, #tpu.memory_space<hbm>>
      %dma_start3A_247 = arith.constant 0 : i32
      %dma_start3A_248 = tpu.memref_slice %arg6[%mul3A_240, %dma_start3A_247] : memref<10112x128xf32, #tpu.memory_space<vmem_shared>> -> memref<632x128xf32, #tpu.memory_space<vmem_shared>>
      tpu.enqueue_dma source(%dma_start3A_248 : memref<632x128xf32, #tpu.memory_space<vmem_shared>>) target(%dma_start3A_246 : memref<632x128xf32, #tpu.memory_space<hbm>>) target_semaphore(%run_scoped3A_243 : memref<!tpu.dma_semaphore, #tpu.memory_space<semaphore_mem>>)
      %dma_wait3A_249 = arith.constant 0 : i32
      %dma_wait3A_250 = tpu.memref_slice %arg5[%arg0, %mul3A_242, %dma_wait3A_249] : memref<2x10112x128xf32, #tpu.memory_space<hbm>> -> memref<1x632x128xf32, #tpu.memory_space<hbm>>
      %dma_wait3A_251 = tpu.memref_squeeze %dma_wait3A_250 : memref<1x632x128xf32, #tpu.memory_space<hbm>> -> memref<632x128xf32, #tpu.memory_space<hbm>>
      %dma_wait3A_252 = arith.constant 0 : i32
      %dma_wait3A_253 = tpu.memref_slice %arg6[%mul3A_240, %dma_wait3A_252] : memref<10112x128xf32, #tpu.memory_space<vmem_shared>> -> memref<632x128xf32, #tpu.memory_space<vmem_shared>>
      tpu.wait_dma2 semaphore(%run_scoped3A_243 : memref<!tpu.dma_semaphore, #tpu.memory_space<semaphore_mem>>) src(%dma_wait3A_253 : memref<632x128xf32, #tpu.memory_space<vmem_shared>>) dst(%dma_wait3A_251 : memref<632x128xf32, #tpu.memory_space<hbm>>)
      tpu.yield
    }) : () -> ()
    return
  }
}

#map = affine_map<(d0, d1) -> (0, 0, 0, 0)>
#map1 = affine_map<(d0, d1) -> (0, 0)>
#map2 = affine_map<(d0, d1) -> (0, 0, 0)>
module attributes {stable_mosaic.version = 14 : i64} {
  func.func @deg_kernel(%arg0: i32, %arg1: i32, %arg2: memref<2x16x125x40xi32, #tpu.memory_space<hbm>>, %arg3: memref<10112x128xf32, #tpu.memory_space<hbm>>, %arg4: memref<40x128xf32, #tpu.memory_space<hbm>>, %arg5: memref<2x10112x128xf32, #tpu.memory_space<hbm>>, %arg6: memref<10112x128xf32, #tpu.memory_space<vmem_shared>>, %arg7: memref<40x128xf32, #tpu.memory_space<vmem>>, %arg8: memref<125x40xi32, #tpu.memory_space<vmem>>, %arg9: memref<!tpu.dma_semaphore, #tpu.memory_space<semaphore_mem>>) attributes {dimension_semantics = [#tpu.dimension_semantics<core_parallel>, #tpu.dimension_semantics<subcore_parallel>], iteration_bounds = array<i64: 2, 16>, scalar_prefetch = 0 : i64, scratch_operands = 4 : i64, tpu.core_type = #tpu.core_type<sc_vector_subcore>, window_params = [{transform_indices = #map}, {transform_indices = #map1}, {transform_indices = #map1}, {transform_indices = #map2}]} {
    %mul3A = arith.constant 632 : i32
    %mul3A_0 = arith.muli %arg1, %mul3A : i32
    %mul3A_1 = arith.constant 632 : i32
    %mul3A_2 = arith.muli %arg1, %mul3A_1 : i32
    "tpu.region"() ({
      %run_scoped3A = tpu.sem_alloc : memref<!tpu.dma_semaphore, #tpu.memory_space<semaphore_mem>>
      %dma_start3A_89 = arith.constant 0 : i32
      %dma_start3A_90 = tpu.memref_slice %arg6[%mul3A_2, %dma_start3A_89] : memref<10112x128xf32, #tpu.memory_space<vmem_shared>> -> memref<632x128xf32, #tpu.memory_space<vmem_shared>>
      %dma_start3A_91 = arith.constant 0 : i32
      %dma_start3A_92 = tpu.memref_slice %arg3[%mul3A_0, %dma_start3A_91] : memref<10112x128xf32, #tpu.memory_space<hbm>> -> memref<632x128xf32, #tpu.memory_space<hbm>>
      tpu.enqueue_dma source(%dma_start3A_92 : memref<632x128xf32, #tpu.memory_space<hbm>>) target(%dma_start3A_90 : memref<632x128xf32, #tpu.memory_space<vmem_shared>>) target_semaphore(%run_scoped3A : memref<!tpu.dma_semaphore, #tpu.memory_space<semaphore_mem>>)
      %dma_wait3A_93 = arith.constant 0 : i32
      %dma_wait3A_94 = tpu.memref_slice %arg6[%mul3A_2, %dma_wait3A_93] : memref<10112x128xf32, #tpu.memory_space<vmem_shared>> -> memref<632x128xf32, #tpu.memory_space<vmem_shared>>
      %dma_wait3A_95 = arith.constant 0 : i32
      %dma_wait3A_96 = tpu.memref_slice %arg3[%mul3A_0, %dma_wait3A_95] : memref<10112x128xf32, #tpu.memory_space<hbm>> -> memref<632x128xf32, #tpu.memory_space<hbm>>
      tpu.wait_dma2 semaphore(%run_scoped3A : memref<!tpu.dma_semaphore, #tpu.memory_space<semaphore_mem>>) src(%dma_wait3A_96 : memref<632x128xf32, #tpu.memory_space<hbm>>) dst(%dma_wait3A_94 : memref<632x128xf32, #tpu.memory_space<vmem_shared>>)
      tpu.yield
    }) : () -> ()
    "tpu.region"() ({
      %run_scoped3A = tpu.sem_alloc : memref<!tpu.dma_semaphore, #tpu.memory_space<semaphore_mem>>
      tpu.enqueue_dma source(%arg4 : memref<40x128xf32, #tpu.memory_space<hbm>>) target(%arg7 : memref<40x128xf32, #tpu.memory_space<vmem>>) target_semaphore(%run_scoped3A : memref<!tpu.dma_semaphore, #tpu.memory_space<semaphore_mem>>)
      tpu.wait_dma2 semaphore(%run_scoped3A : memref<!tpu.dma_semaphore, #tpu.memory_space<semaphore_mem>>) src(%arg4 : memref<40x128xf32, #tpu.memory_space<hbm>>) dst(%arg7 : memref<40x128xf32, #tpu.memory_space<vmem>>)
      tpu.yield
    }) : () -> ()
    "tpu.region"() ({
      %run_scoped3A = tpu.sem_alloc : memref<!tpu.dma_semaphore, #tpu.memory_space<semaphore_mem>>
      %dma_start3A_89 = arith.constant 0 : i32
      %dma_start3A_90 = arith.constant 0 : i32
      %dma_start3A_91 = tpu.memref_slice %arg2[%arg0, %arg1, %dma_start3A_89, %dma_start3A_90] : memref<2x16x125x40xi32, #tpu.memory_space<hbm>> -> memref<1x1x125x40xi32, #tpu.memory_space<hbm>>
      %dma_start3A_92 = tpu.memref_squeeze %dma_start3A_91 : memref<1x1x125x40xi32, #tpu.memory_space<hbm>> -> memref<125x40xi32, #tpu.memory_space<hbm>>
      %dma_start3A_93 = arith.constant 0 : i32
      %dma_start3A_94 = arith.constant 0 : i32
      %dma_start3A_95 = tpu.memref_slice %arg2[%arg0, %arg1, %dma_start3A_93, %dma_start3A_94] : memref<2x16x125x40xi32, #tpu.memory_space<hbm>> -> memref<1x1x125x40xi32, #tpu.memory_space<hbm>>
      %dma_start3A_96 = tpu.memref_squeeze %dma_start3A_95 : memref<1x1x125x40xi32, #tpu.memory_space<hbm>> -> memref<125x40xi32, #tpu.memory_space<hbm>>
      tpu.enqueue_dma source(%dma_start3A_96 : memref<125x40xi32, #tpu.memory_space<hbm>>) target(%arg8 : memref<125x40xi32, #tpu.memory_space<vmem>>) target_semaphore(%run_scoped3A : memref<!tpu.dma_semaphore, #tpu.memory_space<semaphore_mem>>)
      %dma_wait3A_97 = arith.constant 0 : i32
      %dma_wait3A_98 = arith.constant 0 : i32
      %dma_wait3A_99 = tpu.memref_slice %arg2[%arg0, %arg1, %dma_wait3A_97, %dma_wait3A_98] : memref<2x16x125x40xi32, #tpu.memory_space<hbm>> -> memref<1x1x125x40xi32, #tpu.memory_space<hbm>>
      %dma_wait3A_100 = tpu.memref_squeeze %dma_wait3A_99 : memref<1x1x125x40xi32, #tpu.memory_space<hbm>> -> memref<125x40xi32, #tpu.memory_space<hbm>>
      %dma_wait3A_101 = arith.constant 0 : i32
      %dma_wait3A_102 = arith.constant 0 : i32
      %dma_wait3A_103 = tpu.memref_slice %arg2[%arg0, %arg1, %dma_wait3A_101, %dma_wait3A_102] : memref<2x16x125x40xi32, #tpu.memory_space<hbm>> -> memref<1x1x125x40xi32, #tpu.memory_space<hbm>>
      %dma_wait3A_104 = tpu.memref_squeeze %dma_wait3A_103 : memref<1x1x125x40xi32, #tpu.memory_space<hbm>> -> memref<125x40xi32, #tpu.memory_space<hbm>>
      tpu.wait_dma2 semaphore(%run_scoped3A : memref<!tpu.dma_semaphore, #tpu.memory_space<semaphore_mem>>) src(%dma_wait3A_104 : memref<125x40xi32, #tpu.memory_space<hbm>>) dst(%arg8 : memref<125x40xi32, #tpu.memory_space<vmem>>)
      tpu.yield
    }) : () -> ()
    %barrier3A = arith.constant 0 : index
    tpu.barrier barrier_id(%barrier3A)
    %dma_start3A = arith.constant 0 : i32
    %dma_start3A_3 = arith.constant 0 : i32
    %dma_start3A_4 = tpu.memref_slice %arg8[%dma_start3A, %dma_start3A_3] : memref<125x40xi32, #tpu.memory_space<vmem>> -> memref<1x40xi32, #tpu.memory_space<vmem>>
    %dma_start3A_5 = tpu.memref_squeeze %dma_start3A_4 : memref<1x40xi32, #tpu.memory_space<vmem>> -> memref<40xi32, #tpu.memory_space<vmem>>
    %dma_start3A_6 = arith.constant 0 : i32
    %dma_start3A_7 = arith.constant 0 : i32
    %dma_start3A_8 = tpu.memref_slice %arg6[%dma_start3A_6, %dma_start3A_7] : memref<10112x128xf32, #tpu.memory_space<vmem_shared>> -> memref<10112x128xf32, #tpu.memory_space<vmem_shared>>
    tpu.enqueue_indirect_dma source(%arg7 : memref<40x128xf32, #tpu.memory_space<vmem>>) target(%dma_start3A_8 : memref<10112x128xf32, #tpu.memory_space<vmem_shared>>) offsets(%dma_start3A_5 : memref<40xi32, #tpu.memory_space<vmem>>) semaphore(%arg9 : memref<!tpu.dma_semaphore, #tpu.memory_space<semaphore_mem>>) {add = true}
    %dma_start3A_9 = arith.constant 1 : i32
    %dma_start3A_10 = arith.constant 0 : i32
    %dma_start3A_11 = tpu.memref_slice %arg8[%dma_start3A_9, %dma_start3A_10] : memref<125x40xi32, #tpu.memory_space<vmem>> -> memref<1x40xi32, #tpu.memory_space<vmem>>
    %dma_start3A_12 = tpu.memref_squeeze %dma_start3A_11 : memref<1x40xi32, #tpu.memory_space<vmem>> -> memref<40xi32, #tpu.memory_space<vmem>>
    %dma_start3A_13 = arith.constant 0 : i32
    %dma_start3A_14 = arith.constant 0 : i32
    %dma_start3A_15 = tpu.memref_slice %arg6[%dma_start3A_13, %dma_start3A_14] : memref<10112x128xf32, #tpu.memory_space<vmem_shared>> -> memref<10112x128xf32, #tpu.memory_space<vmem_shared>>
    tpu.enqueue_indirect_dma source(%arg7 : memref<40x128xf32, #tpu.memory_space<vmem>>) target(%dma_start3A_15 : memref<10112x128xf32, #tpu.memory_space<vmem_shared>>) offsets(%dma_start3A_12 : memref<40xi32, #tpu.memory_space<vmem>>) semaphore(%arg9 : memref<!tpu.dma_semaphore, #tpu.memory_space<semaphore_mem>>) {add = true}
    %dma_start3A_16 = arith.constant 2 : i32
    %dma_start3A_17 = arith.constant 0 : i32
    %dma_start3A_18 = tpu.memref_slice %arg8[%dma_start3A_16, %dma_start3A_17] : memref<125x40xi32, #tpu.memory_space<vmem>> -> memref<1x40xi32, #tpu.memory_space<vmem>>
    %dma_start3A_19 = tpu.memref_squeeze %dma_start3A_18 : memref<1x40xi32, #tpu.memory_space<vmem>> -> memref<40xi32, #tpu.memory_space<vmem>>
    %dma_start3A_20 = arith.constant 0 : i32
    %dma_start3A_21 = arith.constant 0 : i32
    %dma_start3A_22 = tpu.memref_slice %arg6[%dma_start3A_20, %dma_start3A_21] : memref<10112x128xf32, #tpu.memory_space<vmem_shared>> -> memref<10112x128xf32, #tpu.memory_space<vmem_shared>>
    tpu.enqueue_indirect_dma source(%arg7 : memref<40x128xf32, #tpu.memory_space<vmem>>) target(%dma_start3A_22 : memref<10112x128xf32, #tpu.memory_space<vmem_shared>>) offsets(%dma_start3A_19 : memref<40xi32, #tpu.memory_space<vmem>>) semaphore(%arg9 : memref<!tpu.dma_semaphore, #tpu.memory_space<semaphore_mem>>) {add = true}
    %dma_start3A_23 = arith.constant 3 : i32
    %dma_start3A_24 = arith.constant 0 : i32
    %dma_start3A_25 = tpu.memref_slice %arg8[%dma_start3A_23, %dma_start3A_24] : memref<125x40xi32, #tpu.memory_space<vmem>> -> memref<1x40xi32, #tpu.memory_space<vmem>>
    %dma_start3A_26 = tpu.memref_squeeze %dma_start3A_25 : memref<1x40xi32, #tpu.memory_space<vmem>> -> memref<40xi32, #tpu.memory_space<vmem>>
    %dma_start3A_27 = arith.constant 0 : i32
    %dma_start3A_28 = arith.constant 0 : i32
    %dma_start3A_29 = tpu.memref_slice %arg6[%dma_start3A_27, %dma_start3A_28] : memref<10112x128xf32, #tpu.memory_space<vmem_shared>> -> memref<10112x128xf32, #tpu.memory_space<vmem_shared>>
    tpu.enqueue_indirect_dma source(%arg7 : memref<40x128xf32, #tpu.memory_space<vmem>>) target(%dma_start3A_29 : memref<10112x128xf32, #tpu.memory_space<vmem_shared>>) offsets(%dma_start3A_26 : memref<40xi32, #tpu.memory_space<vmem>>) semaphore(%arg9 : memref<!tpu.dma_semaphore, #tpu.memory_space<semaphore_mem>>) {add = true}
    %dma_start3A_30 = arith.constant 4 : i32
    %dma_start3A_31 = arith.constant 0 : i32
    %dma_start3A_32 = tpu.memref_slice %arg8[%dma_start3A_30, %dma_start3A_31] : memref<125x40xi32, #tpu.memory_space<vmem>> -> memref<1x40xi32, #tpu.memory_space<vmem>>
    %dma_start3A_33 = tpu.memref_squeeze %dma_start3A_32 : memref<1x40xi32, #tpu.memory_space<vmem>> -> memref<40xi32, #tpu.memory_space<vmem>>
    %dma_start3A_34 = arith.constant 0 : i32
    %dma_start3A_35 = arith.constant 0 : i32
    %dma_start3A_36 = tpu.memref_slice %arg6[%dma_start3A_34, %dma_start3A_35] : memref<10112x128xf32, #tpu.memory_space<vmem_shared>> -> memref<10112x128xf32, #tpu.memory_space<vmem_shared>>
    tpu.enqueue_indirect_dma source(%arg7 : memref<40x128xf32, #tpu.memory_space<vmem>>) target(%dma_start3A_36 : memref<10112x128xf32, #tpu.memory_space<vmem_shared>>) offsets(%dma_start3A_33 : memref<40xi32, #tpu.memory_space<vmem>>) semaphore(%arg9 : memref<!tpu.dma_semaphore, #tpu.memory_space<semaphore_mem>>) {add = true}
    %dma_start3A_37 = arith.constant 5 : i32
    %dma_start3A_38 = arith.constant 0 : i32
    %dma_start3A_39 = tpu.memref_slice %arg8[%dma_start3A_37, %dma_start3A_38] : memref<125x40xi32, #tpu.memory_space<vmem>> -> memref<1x40xi32, #tpu.memory_space<vmem>>
    %dma_start3A_40 = tpu.memref_squeeze %dma_start3A_39 : memref<1x40xi32, #tpu.memory_space<vmem>> -> memref<40xi32, #tpu.memory_space<vmem>>
    %dma_start3A_41 = arith.constant 0 : i32
    %dma_start3A_42 = arith.constant 0 : i32
    %dma_start3A_43 = tpu.memref_slice %arg6[%dma_start3A_41, %dma_start3A_42] : memref<10112x128xf32, #tpu.memory_space<vmem_shared>> -> memref<10112x128xf32, #tpu.memory_space<vmem_shared>>
    tpu.enqueue_indirect_dma source(%arg7 : memref<40x128xf32, #tpu.memory_space<vmem>>) target(%dma_start3A_43 : memref<10112x128xf32, #tpu.memory_space<vmem_shared>>) offsets(%dma_start3A_40 : memref<40xi32, #tpu.memory_space<vmem>>) semaphore(%arg9 : memref<!tpu.dma_semaphore, #tpu.memory_space<semaphore_mem>>) {add = true}
    %scan3A = arith.constant 0 : i32
    %scan3A_44 = arith.constant 0 : i32
    %scan3A_45 = arith.constant 119 : i32
    %scan3A_46 = arith.addi %scan3A_44, %scan3A_45 : i32
    %scan3A_47 = arith.constant 1 : i32
    scf.for %scan3A_89 = %scan3A_44 to %scan3A_46 step %scan3A_47  : i32 {
      %dma_wait3A_90 = arith.constant 0 : i32
      %dma_wait3A_91 = arith.constant 0 : i32
      %dma_wait3A_92 = tpu.memref_slice %arg3[%dma_wait3A_90, %dma_wait3A_91] : memref<10112x128xf32, #tpu.memory_space<hbm>> -> memref<40x128xf32, #tpu.memory_space<hbm>>
      %dma_wait3A_93 = arith.constant 0 : i32
      %dma_wait3A_94 = arith.constant 0 : i32
      %dma_wait3A_95 = tpu.memref_slice %arg3[%dma_wait3A_93, %dma_wait3A_94] : memref<10112x128xf32, #tpu.memory_space<hbm>> -> memref<40x128xf32, #tpu.memory_space<hbm>>
      tpu.wait_dma2 semaphore(%arg9 : memref<!tpu.dma_semaphore, #tpu.memory_space<semaphore_mem>>) src(%dma_wait3A_95 : memref<40x128xf32, #tpu.memory_space<hbm>>) dst(%arg7 : memref<40x128xf32, #tpu.memory_space<vmem>>)
      %add3A = arith.constant 6 : i32
      %add3A_96 = arith.addi %scan3A_89, %add3A : i32
      %dma_start3A_97 = arith.constant 0 : i32
      %dma_start3A_98 = tpu.memref_slice %arg8[%add3A_96, %dma_start3A_97] : memref<125x40xi32, #tpu.memory_space<vmem>> -> memref<1x40xi32, #tpu.memory_space<vmem>>
      %dma_start3A_99 = tpu.memref_squeeze %dma_start3A_98 : memref<1x40xi32, #tpu.memory_space<vmem>> -> memref<40xi32, #tpu.memory_space<vmem>>
      %dma_start3A_100 = arith.constant 0 : i32
      %dma_start3A_101 = arith.constant 0 : i32
      %dma_start3A_102 = tpu.memref_slice %arg6[%dma_start3A_100, %dma_start3A_101] : memref<10112x128xf32, #tpu.memory_space<vmem_shared>> -> memref<10112x128xf32, #tpu.memory_space<vmem_shared>>
      tpu.enqueue_indirect_dma source(%arg7 : memref<40x128xf32, #tpu.memory_space<vmem>>) target(%dma_start3A_102 : memref<10112x128xf32, #tpu.memory_space<vmem_shared>>) offsets(%dma_start3A_99 : memref<40xi32, #tpu.memory_space<vmem>>) semaphore(%arg9 : memref<!tpu.dma_semaphore, #tpu.memory_space<semaphore_mem>>) {add = true}
    }
    %scan3A_48 = arith.constant 119 : i32
    %dma_wait3A = arith.constant 0 : i32
    %dma_wait3A_49 = arith.constant 0 : i32
    %dma_wait3A_50 = tpu.memref_slice %arg3[%dma_wait3A, %dma_wait3A_49] : memref<10112x128xf32, #tpu.memory_space<hbm>> -> memref<40x128xf32, #tpu.memory_space<hbm>>
    %dma_wait3A_51 = arith.constant 0 : i32
    %dma_wait3A_52 = arith.constant 0 : i32
    %dma_wait3A_53 = tpu.memref_slice %arg3[%dma_wait3A_51, %dma_wait3A_52] : memref<10112x128xf32, #tpu.memory_space<hbm>> -> memref<40x128xf32, #tpu.memory_space<hbm>>
    tpu.wait_dma2 semaphore(%arg9 : memref<!tpu.dma_semaphore, #tpu.memory_space<semaphore_mem>>) src(%dma_wait3A_53 : memref<40x128xf32, #tpu.memory_space<hbm>>) dst(%arg7 : memref<40x128xf32, #tpu.memory_space<vmem>>)
    %dma_wait3A_54 = arith.constant 0 : i32
    %dma_wait3A_55 = arith.constant 0 : i32
    %dma_wait3A_56 = tpu.memref_slice %arg3[%dma_wait3A_54, %dma_wait3A_55] : memref<10112x128xf32, #tpu.memory_space<hbm>> -> memref<40x128xf32, #tpu.memory_space<hbm>>
    %dma_wait3A_57 = arith.constant 0 : i32
    %dma_wait3A_58 = arith.constant 0 : i32
    %dma_wait3A_59 = tpu.memref_slice %arg3[%dma_wait3A_57, %dma_wait3A_58] : memref<10112x128xf32, #tpu.memory_space<hbm>> -> memref<40x128xf32, #tpu.memory_space<hbm>>
    tpu.wait_dma2 semaphore(%arg9 : memref<!tpu.dma_semaphore, #tpu.memory_space<semaphore_mem>>) src(%dma_wait3A_59 : memref<40x128xf32, #tpu.memory_space<hbm>>) dst(%arg7 : memref<40x128xf32, #tpu.memory_space<vmem>>)
    %dma_wait3A_60 = arith.constant 0 : i32
    %dma_wait3A_61 = arith.constant 0 : i32
    %dma_wait3A_62 = tpu.memref_slice %arg3[%dma_wait3A_60, %dma_wait3A_61] : memref<10112x128xf32, #tpu.memory_space<hbm>> -> memref<40x128xf32, #tpu.memory_space<hbm>>
    %dma_wait3A_63 = arith.constant 0 : i32
    %dma_wait3A_64 = arith.constant 0 : i32
    %dma_wait3A_65 = tpu.memref_slice %arg3[%dma_wait3A_63, %dma_wait3A_64] : memref<10112x128xf32, #tpu.memory_space<hbm>> -> memref<40x128xf32, #tpu.memory_space<hbm>>
    tpu.wait_dma2 semaphore(%arg9 : memref<!tpu.dma_semaphore, #tpu.memory_space<semaphore_mem>>) src(%dma_wait3A_65 : memref<40x128xf32, #tpu.memory_space<hbm>>) dst(%arg7 : memref<40x128xf32, #tpu.memory_space<vmem>>)
    %dma_wait3A_66 = arith.constant 0 : i32
    %dma_wait3A_67 = arith.constant 0 : i32
    %dma_wait3A_68 = tpu.memref_slice %arg3[%dma_wait3A_66, %dma_wait3A_67] : memref<10112x128xf32, #tpu.memory_space<hbm>> -> memref<40x128xf32, #tpu.memory_space<hbm>>
    %dma_wait3A_69 = arith.constant 0 : i32
    %dma_wait3A_70 = arith.constant 0 : i32
    %dma_wait3A_71 = tpu.memref_slice %arg3[%dma_wait3A_69, %dma_wait3A_70] : memref<10112x128xf32, #tpu.memory_space<hbm>> -> memref<40x128xf32, #tpu.memory_space<hbm>>
    tpu.wait_dma2 semaphore(%arg9 : memref<!tpu.dma_semaphore, #tpu.memory_space<semaphore_mem>>) src(%dma_wait3A_71 : memref<40x128xf32, #tpu.memory_space<hbm>>) dst(%arg7 : memref<40x128xf32, #tpu.memory_space<vmem>>)
    %dma_wait3A_72 = arith.constant 0 : i32
    %dma_wait3A_73 = arith.constant 0 : i32
    %dma_wait3A_74 = tpu.memref_slice %arg3[%dma_wait3A_72, %dma_wait3A_73] : memref<10112x128xf32, #tpu.memory_space<hbm>> -> memref<40x128xf32, #tpu.memory_space<hbm>>
    %dma_wait3A_75 = arith.constant 0 : i32
    %dma_wait3A_76 = arith.constant 0 : i32
    %dma_wait3A_77 = tpu.memref_slice %arg3[%dma_wait3A_75, %dma_wait3A_76] : memref<10112x128xf32, #tpu.memory_space<hbm>> -> memref<40x128xf32, #tpu.memory_space<hbm>>
    tpu.wait_dma2 semaphore(%arg9 : memref<!tpu.dma_semaphore, #tpu.memory_space<semaphore_mem>>) src(%dma_wait3A_77 : memref<40x128xf32, #tpu.memory_space<hbm>>) dst(%arg7 : memref<40x128xf32, #tpu.memory_space<vmem>>)
    %dma_wait3A_78 = arith.constant 0 : i32
    %dma_wait3A_79 = arith.constant 0 : i32
    %dma_wait3A_80 = tpu.memref_slice %arg3[%dma_wait3A_78, %dma_wait3A_79] : memref<10112x128xf32, #tpu.memory_space<hbm>> -> memref<40x128xf32, #tpu.memory_space<hbm>>
    %dma_wait3A_81 = arith.constant 0 : i32
    %dma_wait3A_82 = arith.constant 0 : i32
    %dma_wait3A_83 = tpu.memref_slice %arg3[%dma_wait3A_81, %dma_wait3A_82] : memref<10112x128xf32, #tpu.memory_space<hbm>> -> memref<40x128xf32, #tpu.memory_space<hbm>>
    tpu.wait_dma2 semaphore(%arg9 : memref<!tpu.dma_semaphore, #tpu.memory_space<semaphore_mem>>) src(%dma_wait3A_83 : memref<40x128xf32, #tpu.memory_space<hbm>>) dst(%arg7 : memref<40x128xf32, #tpu.memory_space<vmem>>)
    %barrier3A_84 = arith.constant 0 : index
    tpu.barrier barrier_id(%barrier3A_84)
    %mul3A_85 = arith.constant 632 : i32
    %mul3A_86 = arith.muli %arg1, %mul3A_85 : i32
    %mul3A_87 = arith.constant 632 : i32
    %mul3A_88 = arith.muli %arg1, %mul3A_87 : i32
    "tpu.region"() ({
      %run_scoped3A = tpu.sem_alloc : memref<!tpu.dma_semaphore, #tpu.memory_space<semaphore_mem>>
      %dma_start3A_89 = arith.constant 0 : i32
      %dma_start3A_90 = tpu.memref_slice %arg5[%arg0, %mul3A_88, %dma_start3A_89] : memref<2x10112x128xf32, #tpu.memory_space<hbm>> -> memref<1x632x128xf32, #tpu.memory_space<hbm>>
      %dma_start3A_91 = tpu.memref_squeeze %dma_start3A_90 : memref<1x632x128xf32, #tpu.memory_space<hbm>> -> memref<632x128xf32, #tpu.memory_space<hbm>>
      %dma_start3A_92 = arith.constant 0 : i32
      %dma_start3A_93 = tpu.memref_slice %arg6[%mul3A_86, %dma_start3A_92] : memref<10112x128xf32, #tpu.memory_space<vmem_shared>> -> memref<632x128xf32, #tpu.memory_space<vmem_shared>>
      tpu.enqueue_dma source(%dma_start3A_93 : memref<632x128xf32, #tpu.memory_space<vmem_shared>>) target(%dma_start3A_91 : memref<632x128xf32, #tpu.memory_space<hbm>>) target_semaphore(%run_scoped3A : memref<!tpu.dma_semaphore, #tpu.memory_space<semaphore_mem>>)
      %dma_wait3A_94 = arith.constant 0 : i32
      %dma_wait3A_95 = tpu.memref_slice %arg5[%arg0, %mul3A_88, %dma_wait3A_94] : memref<2x10112x128xf32, #tpu.memory_space<hbm>> -> memref<1x632x128xf32, #tpu.memory_space<hbm>>
      %dma_wait3A_96 = tpu.memref_squeeze %dma_wait3A_95 : memref<1x632x128xf32, #tpu.memory_space<hbm>> -> memref<632x128xf32, #tpu.memory_space<hbm>>
      %dma_wait3A_97 = arith.constant 0 : i32
      %dma_wait3A_98 = tpu.memref_slice %arg6[%mul3A_86, %dma_wait3A_97] : memref<10112x128xf32, #tpu.memory_space<vmem_shared>> -> memref<632x128xf32, #tpu.memory_space<vmem_shared>>
      tpu.wait_dma2 semaphore(%run_scoped3A : memref<!tpu.dma_semaphore, #tpu.memory_space<semaphore_mem>>) src(%dma_wait3A_98 : memref<632x128xf32, #tpu.memory_space<vmem_shared>>) dst(%dma_wait3A_96 : memref<632x128xf32, #tpu.memory_space<hbm>>)
      tpu.yield
    }) : () -> ()
    return
  }
}

#map = affine_map<(d0, d1) -> (0, 0, 0, 0, 0)>
#map1 = affine_map<(d0, d1) -> (0, 0)>
#map2 = affine_map<(d0, d1) -> (0, 0, 0)>
module attributes {stable_mosaic.version = 14 : i64} {
  func.func @scat_kernel(%arg0: i32, %arg1: i32, %arg2: memref<2x16x5x50x80xi32, #tpu.memory_space<hbm>>, %arg3: memref<20000x128xf32, #tpu.memory_space<hbm>>, %arg4: memref<10112x128xf32, #tpu.memory_space<hbm>>, %arg5: memref<2x10112x128xf32, #tpu.memory_space<hbm>>, %arg6: memref<10112x128xf32, #tpu.memory_space<vmem_shared>>, %arg7: memref<80x128xf32, #tpu.memory_space<vmem>>, %arg8: memref<80x128xf32, #tpu.memory_space<vmem>>, %arg9: memref<50x80xi32, #tpu.memory_space<vmem>>, %arg10: memref<50x80xi32, #tpu.memory_space<vmem>>, %arg11: memref<50x80xi32, #tpu.memory_space<vmem>>, %arg12: memref<!tpu.dma_semaphore, #tpu.memory_space<semaphore_mem>>, %arg13: memref<!tpu.dma_semaphore, #tpu.memory_space<semaphore_mem>>, %arg14: memref<!tpu.dma_semaphore, #tpu.memory_space<semaphore_mem>>) attributes {dimension_semantics = [#tpu.dimension_semantics<core_parallel>, #tpu.dimension_semantics<subcore_parallel>], iteration_bounds = array<i64: 2, 16>, scalar_prefetch = 0 : i64, scratch_operands = 9 : i64, tpu.core_type = #tpu.core_type<sc_vector_subcore>, window_params = [{transform_indices = #map}, {transform_indices = #map1}, {transform_indices = #map1}, {transform_indices = #map2}]} {
    %mul3A = arith.constant 632 : i32
    %mul3A_0 = arith.muli %arg1, %mul3A : i32
    %mul3A_1 = arith.constant 632 : i32
    %mul3A_2 = arith.muli %arg1, %mul3A_1 : i32
    "tpu.region"() ({
      %run_scoped3A_243 = tpu.sem_alloc : memref<!tpu.dma_semaphore, #tpu.memory_space<semaphore_mem>>
      %dma_start3A_244 = arith.constant 0 : i32
      %dma_start3A_245 = tpu.memref_slice %arg6[%mul3A_2, %dma_start3A_244] : memref<10112x128xf32, #tpu.memory_space<vmem_shared>> -> memref<632x128xf32, #tpu.memory_space<vmem_shared>>
      %dma_start3A_246 = arith.constant 0 : i32
      %dma_start3A_247 = tpu.memref_slice %arg4[%mul3A_0, %dma_start3A_246] : memref<10112x128xf32, #tpu.memory_space<hbm>> -> memref<632x128xf32, #tpu.memory_space<hbm>>
      tpu.enqueue_dma source(%dma_start3A_247 : memref<632x128xf32, #tpu.memory_space<hbm>>) target(%dma_start3A_245 : memref<632x128xf32, #tpu.memory_space<vmem_shared>>) target_semaphore(%run_scoped3A_243 : memref<!tpu.dma_semaphore, #tpu.memory_space<semaphore_mem>>)
      %dma_wait3A_248 = arith.constant 0 : i32
      %dma_wait3A_249 = tpu.memref_slice %arg6[%mul3A_2, %dma_wait3A_248] : memref<10112x128xf32, #tpu.memory_space<vmem_shared>> -> memref<632x128xf32, #tpu.memory_space<vmem_shared>>
      %dma_wait3A_250 = arith.constant 0 : i32
      %dma_wait3A_251 = tpu.memref_slice %arg4[%mul3A_0, %dma_wait3A_250] : memref<10112x128xf32, #tpu.memory_space<hbm>> -> memref<632x128xf32, #tpu.memory_space<hbm>>
      tpu.wait_dma2 semaphore(%run_scoped3A_243 : memref<!tpu.dma_semaphore, #tpu.memory_space<semaphore_mem>>) src(%dma_wait3A_251 : memref<632x128xf32, #tpu.memory_space<hbm>>) dst(%dma_wait3A_249 : memref<632x128xf32, #tpu.memory_space<vmem_shared>>)
      tpu.yield
    }) : () -> ()
    %barrier3A = arith.constant 0 : index
    tpu.barrier barrier_id(%barrier3A)
    %run_scoped3A = arith.constant 0 : i32
    "tpu.region"() ({
      %run_scoped3A_243 = tpu.sem_alloc : memref<!tpu.dma_semaphore, #tpu.memory_space<semaphore_mem>>
      %dma_start3A_244 = arith.constant 0 : i32
      %dma_start3A_245 = arith.constant 0 : i32
      %dma_start3A_246 = tpu.memref_slice %arg2[%arg0, %arg1, %run_scoped3A, %dma_start3A_244, %dma_start3A_245] : memref<2x16x5x50x80xi32, #tpu.memory_space<hbm>> -> memref<1x1x1x50x80xi32, #tpu.memory_space<hbm>>
      %dma_start3A_247 = tpu.memref_squeeze %dma_start3A_246 : memref<1x1x1x50x80xi32, #tpu.memory_space<hbm>> -> memref<50x80xi32, #tpu.memory_space<hbm>>
      %dma_start3A_248 = arith.constant 0 : i32
      %dma_start3A_249 = arith.constant 0 : i32
      %dma_start3A_250 = tpu.memref_slice %arg2[%arg0, %arg1, %run_scoped3A, %dma_start3A_248, %dma_start3A_249] : memref<2x16x5x50x80xi32, #tpu.memory_space<hbm>> -> memref<1x1x1x50x80xi32, #tpu.memory_space<hbm>>
      %dma_start3A_251 = tpu.memref_squeeze %dma_start3A_250 : memref<1x1x1x50x80xi32, #tpu.memory_space<hbm>> -> memref<50x80xi32, #tpu.memory_space<hbm>>
      tpu.enqueue_dma source(%dma_start3A_251 : memref<50x80xi32, #tpu.memory_space<hbm>>) target(%arg9 : memref<50x80xi32, #tpu.memory_space<vmem>>) target_semaphore(%run_scoped3A_243 : memref<!tpu.dma_semaphore, #tpu.memory_space<semaphore_mem>>)
      %dma_wait3A_252 = arith.constant 0 : i32
      %dma_wait3A_253 = arith.constant 0 : i32
      %dma_wait3A_254 = tpu.memref_slice %arg2[%arg0, %arg1, %run_scoped3A, %dma_wait3A_252, %dma_wait3A_253] : memref<2x16x5x50x80xi32, #tpu.memory_space<hbm>> -> memref<1x1x1x50x80xi32, #tpu.memory_space<hbm>>
      %dma_wait3A_255 = tpu.memref_squeeze %dma_wait3A_254 : memref<1x1x1x50x80xi32, #tpu.memory_space<hbm>> -> memref<50x80xi32, #tpu.memory_space<hbm>>
      %dma_wait3A_256 = arith.constant 0 : i32
      %dma_wait3A_257 = arith.constant 0 : i32
      %dma_wait3A_258 = tpu.memref_slice %arg2[%arg0, %arg1, %run_scoped3A, %dma_wait3A_256, %dma_wait3A_257] : memref<2x16x5x50x80xi32, #tpu.memory_space<hbm>> -> memref<1x1x1x50x80xi32, #tpu.memory_space<hbm>>
      %dma_wait3A_259 = tpu.memref_squeeze %dma_wait3A_258 : memref<1x1x1x50x80xi32, #tpu.memory_space<hbm>> -> memref<50x80xi32, #tpu.memory_space<hbm>>
      tpu.wait_dma2 semaphore(%run_scoped3A_243 : memref<!tpu.dma_semaphore, #tpu.memory_space<semaphore_mem>>) src(%dma_wait3A_259 : memref<50x80xi32, #tpu.memory_space<hbm>>) dst(%arg9 : memref<50x80xi32, #tpu.memory_space<vmem>>)
      tpu.yield
    }) : () -> ()
    %dma_start3A = arith.constant 1 : i32
    %dma_start3A_3 = arith.constant 0 : i32
    %dma_start3A_4 = arith.constant 0 : i32
    %dma_start3A_5 = tpu.memref_slice %arg2[%arg0, %arg1, %dma_start3A, %dma_start3A_3, %dma_start3A_4] : memref<2x16x5x50x80xi32, #tpu.memory_space<hbm>> -> memref<1x1x1x50x80xi32, #tpu.memory_space<hbm>>
    %dma_start3A_6 = tpu.memref_squeeze %dma_start3A_5 : memref<1x1x1x50x80xi32, #tpu.memory_space<hbm>> -> memref<50x80xi32, #tpu.memory_space<hbm>>
    %dma_start3A_7 = arith.constant 0 : i32
    %dma_start3A_8 = arith.constant 0 : i32
    %dma_start3A_9 = tpu.memref_slice %arg2[%arg0, %arg1, %dma_start3A, %dma_start3A_7, %dma_start3A_8] : memref<2x16x5x50x80xi32, #tpu.memory_space<hbm>> -> memref<1x1x1x50x80xi32, #tpu.memory_space<hbm>>
    %dma_start3A_10 = tpu.memref_squeeze %dma_start3A_9 : memref<1x1x1x50x80xi32, #tpu.memory_space<hbm>> -> memref<50x80xi32, #tpu.memory_space<hbm>>
    tpu.enqueue_dma source(%dma_start3A_10 : memref<50x80xi32, #tpu.memory_space<hbm>>) target(%arg10 : memref<50x80xi32, #tpu.memory_space<vmem>>) target_semaphore(%arg14 : memref<!tpu.dma_semaphore, #tpu.memory_space<semaphore_mem>>)
    %dma_start3A_11 = arith.constant 0 : i32
    %dma_start3A_12 = arith.constant 0 : i32
    %dma_start3A_13 = tpu.memref_slice %arg9[%dma_start3A_11, %dma_start3A_12] : memref<50x80xi32, #tpu.memory_space<vmem>> -> memref<1x80xi32, #tpu.memory_space<vmem>>
    %dma_start3A_14 = tpu.memref_squeeze %dma_start3A_13 : memref<1x80xi32, #tpu.memory_space<vmem>> -> memref<80xi32, #tpu.memory_space<vmem>>
    %dma_start3A_15 = arith.constant 0 : i32
    %dma_start3A_16 = arith.constant 0 : i32
    %dma_start3A_17 = tpu.memref_slice %arg3[%dma_start3A_15, %dma_start3A_16] : memref<20000x128xf32, #tpu.memory_space<hbm>> -> memref<20000x128xf32, #tpu.memory_space<hbm>>
    tpu.enqueue_indirect_dma source(%dma_start3A_17 : memref<20000x128xf32, #tpu.memory_space<hbm>>) target(%arg7 : memref<80x128xf32, #tpu.memory_space<vmem>>) offsets(%dma_start3A_14 : memref<80xi32, #tpu.memory_space<vmem>>) semaphore(%arg12 : memref<!tpu.dma_semaphore, #tpu.memory_space<semaphore_mem>>)
    "tpu.region"() ({
      %run_scoped3A_243 = tpu.sem_alloc : memref<!tpu.dma_semaphore, #tpu.memory_space<semaphore_mem>>
      %dma_start3A_244 = arith.constant 0 : i32
      %dma_start3A_245 = arith.constant 0 : i32
      %dma_start3A_246 = tpu.memref_slice %arg4[%dma_start3A_244, %dma_start3A_245] : memref<10112x128xf32, #tpu.memory_space<hbm>> -> memref<80x128xf32, #tpu.memory_space<hbm>>
      %dma_start3A_247 = arith.constant 0 : i32
      %dma_start3A_248 = arith.constant 0 : i32
      %dma_start3A_249 = tpu.memref_slice %arg4[%dma_start3A_247, %dma_start3A_248] : memref<10112x128xf32, #tpu.memory_space<hbm>> -> memref<80x128xf32, #tpu.memory_space<hbm>>
      tpu.enqueue_dma source(%dma_start3A_249 : memref<80x128xf32, #tpu.memory_space<hbm>>) target(%arg8 : memref<80x128xf32, #tpu.memory_space<vmem>>) target_semaphore(%run_scoped3A_243 : memref<!tpu.dma_semaphore, #tpu.memory_space<semaphore_mem>>)
      %dma_wait3A_250 = arith.constant 0 : i32
      %dma_wait3A_251 = arith.constant 0 : i32
      %dma_wait3A_252 = tpu.memref_slice %arg4[%dma_wait3A_250, %dma_wait3A_251] : memref<10112x128xf32, #tpu.memory_space<hbm>> -> memref<80x128xf32, #tpu.memory_space<hbm>>
      %dma_wait3A_253 = arith.constant 0 : i32
      %dma_wait3A_254 = arith.constant 0 : i32
      %dma_wait3A_255 = tpu.memref_slice %arg4[%dma_wait3A_253, %dma_wait3A_254] : memref<10112x128xf32, #tpu.memory_space<hbm>> -> memref<80x128xf32, #tpu.memory_space<hbm>>
      tpu.wait_dma2 semaphore(%run_scoped3A_243 : memref<!tpu.dma_semaphore, #tpu.memory_space<semaphore_mem>>) src(%dma_wait3A_255 : memref<80x128xf32, #tpu.memory_space<hbm>>) dst(%arg8 : memref<80x128xf32, #tpu.memory_space<vmem>>)
      tpu.yield
    }) : () -> ()
    %dma_start3A_18 = arith.constant 1 : i32
    %dma_start3A_19 = arith.constant 0 : i32
    %dma_start3A_20 = tpu.memref_slice %arg9[%dma_start3A_18, %dma_start3A_19] : memref<50x80xi32, #tpu.memory_space<vmem>> -> memref<1x80xi32, #tpu.memory_space<vmem>>
    %dma_start3A_21 = tpu.memref_squeeze %dma_start3A_20 : memref<1x80xi32, #tpu.memory_space<vmem>> -> memref<80xi32, #tpu.memory_space<vmem>>
    %dma_start3A_22 = arith.constant 0 : i32
    %dma_start3A_23 = arith.constant 0 : i32
    %dma_start3A_24 = tpu.memref_slice %arg6[%dma_start3A_22, %dma_start3A_23] : memref<10112x128xf32, #tpu.memory_space<vmem_shared>> -> memref<10112x128xf32, #tpu.memory_space<vmem_shared>>
    tpu.enqueue_indirect_dma source(%arg8 : memref<80x128xf32, #tpu.memory_space<vmem>>) target(%dma_start3A_24 : memref<10112x128xf32, #tpu.memory_space<vmem_shared>>) offsets(%dma_start3A_21 : memref<80xi32, #tpu.memory_space<vmem>>) semaphore(%arg13 : memref<!tpu.dma_semaphore, #tpu.memory_space<semaphore_mem>>) {add = true}
    %scan3A = arith.constant 0 : i32
    %scan3A_25 = arith.constant 0 : i32
    %scan3A_26 = arith.constant 12 : i32
    %scan3A_27 = arith.addi %scan3A_25, %scan3A_26 : i32
    %scan3A_28 = arith.constant 1 : i32
    scf.for %scan3A_243 = %scan3A_25 to %scan3A_27 step %scan3A_28  : i32 {
      %mul3A_244 = arith.constant 2 : i32
      %mul3A_245 = arith.muli %mul3A_244, %scan3A_243 : i32
      %add3A = arith.constant 0 : i32
      %add3A_246 = arith.addi %mul3A_245, %add3A : i32
      %dma_wait3A_247 = arith.constant 0 : i32
      %dma_wait3A_248 = arith.constant 0 : i32
      %dma_wait3A_249 = tpu.memref_slice %arg9[%dma_wait3A_247, %dma_wait3A_248] : memref<50x80xi32, #tpu.memory_space<vmem>> -> memref<1x80xi32, #tpu.memory_space<vmem>>
      %dma_wait3A_250 = tpu.memref_squeeze %dma_wait3A_249 : memref<1x80xi32, #tpu.memory_space<vmem>> -> memref<80xi32, #tpu.memory_space<vmem>>
      %dma_wait3A_251 = arith.constant 0 : i32
      %dma_wait3A_252 = arith.constant 0 : i32
      %dma_wait3A_253 = tpu.memref_slice %arg3[%dma_wait3A_251, %dma_wait3A_252] : memref<20000x128xf32, #tpu.memory_space<hbm>> -> memref<20000x128xf32, #tpu.memory_space<hbm>>
      tpu.wait_indirect_dma semaphore(%arg12 : memref<!tpu.dma_semaphore, #tpu.memory_space<semaphore_mem>>) src(%dma_wait3A_253 : memref<20000x128xf32, #tpu.memory_space<hbm>>) dst(%arg7 : memref<80x128xf32, #tpu.memory_space<vmem>>)
      %dma_wait3A_254 = arith.constant 0 : i32
      %dma_wait3A_255 = arith.constant 0 : i32
      %dma_wait3A_256 = tpu.memref_slice %arg4[%dma_wait3A_254, %dma_wait3A_255] : memref<10112x128xf32, #tpu.memory_space<hbm>> -> memref<80x128xf32, #tpu.memory_space<hbm>>
      %dma_wait3A_257 = arith.constant 0 : i32
      %dma_wait3A_258 = arith.constant 0 : i32
      %dma_wait3A_259 = tpu.memref_slice %arg4[%dma_wait3A_257, %dma_wait3A_258] : memref<10112x128xf32, #tpu.memory_space<hbm>> -> memref<80x128xf32, #tpu.memory_space<hbm>>
      tpu.wait_dma2 semaphore(%arg13 : memref<!tpu.dma_semaphore, #tpu.memory_space<semaphore_mem>>) src(%dma_wait3A_259 : memref<80x128xf32, #tpu.memory_space<hbm>>) dst(%arg8 : memref<80x128xf32, #tpu.memory_space<vmem>>)
      %add3A_260 = arith.constant 1 : i32
      %add3A_261 = arith.addi %add3A_246, %add3A_260 : i32
      %mul3A_262 = arith.constant 2 : i32
      %mul3A_263 = arith.muli %mul3A_262, %add3A_261 : i32
      %dma_start3A_264 = arith.constant 0 : i32
      %dma_start3A_265 = tpu.memref_slice %arg9[%mul3A_263, %dma_start3A_264] : memref<50x80xi32, #tpu.memory_space<vmem>> -> memref<1x80xi32, #tpu.memory_space<vmem>>
      %dma_start3A_266 = tpu.memref_squeeze %dma_start3A_265 : memref<1x80xi32, #tpu.memory_space<vmem>> -> memref<80xi32, #tpu.memory_space<vmem>>
      %dma_start3A_267 = arith.constant 0 : i32
      %dma_start3A_268 = arith.constant 0 : i32
      %dma_start3A_269 = tpu.memref_slice %arg3[%dma_start3A_267, %dma_start3A_268] : memref<20000x128xf32, #tpu.memory_space<hbm>> -> memref<20000x128xf32, #tpu.memory_space<hbm>>
      tpu.enqueue_indirect_dma source(%dma_start3A_269 : memref<20000x128xf32, #tpu.memory_space<hbm>>) target(%arg8 : memref<80x128xf32, #tpu.memory_space<vmem>>) offsets(%dma_start3A_266 : memref<80xi32, #tpu.memory_space<vmem>>) semaphore(%arg12 : memref<!tpu.dma_semaphore, #tpu.memory_space<semaphore_mem>>)
      %mul3A_270 = arith.constant 2 : i32
      %mul3A_271 = arith.muli %mul3A_270, %add3A_246 : i32
      %add3A_272 = arith.constant 1 : i32
      %add3A_273 = arith.addi %mul3A_271, %add3A_272 : i32
      %dma_start3A_274 = arith.constant 0 : i32
      %dma_start3A_275 = tpu.memref_slice %arg9[%add3A_273, %dma_start3A_274] : memref<50x80xi32, #tpu.memory_space<vmem>> -> memref<1x80xi32, #tpu.memory_space<vmem>>
      %dma_start3A_276 = tpu.memref_squeeze %dma_start3A_275 : memref<1x80xi32, #tpu.memory_space<vmem>> -> memref<80xi32, #tpu.memory_space<vmem>>
      %dma_start3A_277 = arith.constant 0 : i32
      %dma_start3A_278 = arith.constant 0 : i32
      %dma_start3A_279 = tpu.memref_slice %arg6[%dma_start3A_277, %dma_start3A_278] : memref<10112x128xf32, #tpu.memory_space<vmem_shared>> -> memref<10112x128xf32, #tpu.memory_space<vmem_shared>>
      tpu.enqueue_indirect_dma source(%arg7 : memref<80x128xf32, #tpu.memory_space<vmem>>) target(%dma_start3A_279 : memref<10112x128xf32, #tpu.memory_space<vmem_shared>>) offsets(%dma_start3A_276 : memref<80xi32, #tpu.memory_space<vmem>>) semaphore(%arg13 : memref<!tpu.dma_semaphore, #tpu.memory_space<semaphore_mem>>) {add = true}
      %mul3A_280 = arith.constant 2 : i32
      %mul3A_281 = arith.muli %mul3A_280, %scan3A_243 : i32
      %add3A_282 = arith.constant 1 : i32
      %add3A_283 = arith.addi %mul3A_281, %add3A_282 : i32
      %dma_wait3A_284 = arith.constant 0 : i32
      %dma_wait3A_285 = arith.constant 0 : i32
      %dma_wait3A_286 = tpu.memref_slice %arg9[%dma_wait3A_284, %dma_wait3A_285] : memref<50x80xi32, #tpu.memory_space<vmem>> -> memref<1x80xi32, #tpu.memory_space<vmem>>
      %dma_wait3A_287 = tpu.memref_squeeze %dma_wait3A_286 : memref<1x80xi32, #tpu.memory_space<vmem>> -> memref<80xi32, #tpu.memory_space<vmem>>
      %dma_wait3A_288 = arith.constant 0 : i32
      %dma_wait3A_289 = arith.constant 0 : i32
      %dma_wait3A_290 = tpu.memref_slice %arg3[%dma_wait3A_288, %dma_wait3A_289] : memref<20000x128xf32, #tpu.memory_space<hbm>> -> memref<20000x128xf32, #tpu.memory_space<hbm>>
      tpu.wait_indirect_dma semaphore(%arg12 : memref<!tpu.dma_semaphore, #tpu.memory_space<semaphore_mem>>) src(%dma_wait3A_290 : memref<20000x128xf32, #tpu.memory_space<hbm>>) dst(%arg8 : memref<80x128xf32, #tpu.memory_space<vmem>>)
      %dma_wait3A_291 = arith.constant 0 : i32
      %dma_wait3A_292 = arith.constant 0 : i32
      %dma_wait3A_293 = tpu.memref_slice %arg4[%dma_wait3A_291, %dma_wait3A_292] : memref<10112x128xf32, #tpu.memory_space<hbm>> -> memref<80x128xf32, #tpu.memory_space<hbm>>
      %dma_wait3A_294 = arith.constant 0 : i32
      %dma_wait3A_295 = arith.constant 0 : i32
      %dma_wait3A_296 = tpu.memref_slice %arg4[%dma_wait3A_294, %dma_wait3A_295] : memref<10112x128xf32, #tpu.memory_space<hbm>> -> memref<80x128xf32, #tpu.memory_space<hbm>>
      tpu.wait_dma2 semaphore(%arg13 : memref<!tpu.dma_semaphore, #tpu.memory_space<semaphore_mem>>) src(%dma_wait3A_296 : memref<80x128xf32, #tpu.memory_space<hbm>>) dst(%arg7 : memref<80x128xf32, #tpu.memory_space<vmem>>)
      %add3A_297 = arith.constant 1 : i32
      %add3A_298 = arith.addi %add3A_283, %add3A_297 : i32
      %mul3A_299 = arith.constant 2 : i32
      %mul3A_300 = arith.muli %mul3A_299, %add3A_298 : i32
      %dma_start3A_301 = arith.constant 0 : i32
      %dma_start3A_302 = tpu.memref_slice %arg9[%mul3A_300, %dma_start3A_301] : memref<50x80xi32, #tpu.memory_space<vmem>> -> memref<1x80xi32, #tpu.memory_space<vmem>>
      %dma_start3A_303 = tpu.memref_squeeze %dma_start3A_302 : memref<1x80xi32, #tpu.memory_space<vmem>> -> memref<80xi32, #tpu.memory_space<vmem>>
      %dma_start3A_304 = arith.constant 0 : i32
      %dma_start3A_305 = arith.constant 0 : i32
      %dma_start3A_306 = tpu.memref_slice %arg3[%dma_start3A_304, %dma_start3A_305] : memref<20000x128xf32, #tpu.memory_space<hbm>> -> memref<20000x128xf32, #tpu.memory_space<hbm>>
      tpu.enqueue_indirect_dma source(%dma_start3A_306 : memref<20000x128xf32, #tpu.memory_space<hbm>>) target(%arg7 : memref<80x128xf32, #tpu.memory_space<vmem>>) offsets(%dma_start3A_303 : memref<80xi32, #tpu.memory_space<vmem>>) semaphore(%arg12 : memref<!tpu.dma_semaphore, #tpu.memory_space<semaphore_mem>>)
      %mul3A_307 = arith.constant 2 : i32
      %mul3A_308 = arith.muli %mul3A_307, %add3A_283 : i32
      %add3A_309 = arith.constant 1 : i32
      %add3A_310 = arith.addi %mul3A_308, %add3A_309 : i32
      %dma_start3A_311 = arith.constant 0 : i32
      %dma_start3A_312 = tpu.memref_slice %arg9[%add3A_310, %dma_start3A_311] : memref<50x80xi32, #tpu.memory_space<vmem>> -> memref<1x80xi32, #tpu.memory_space<vmem>>
      %dma_start3A_313 = tpu.memref_squeeze %dma_start3A_312 : memref<1x80xi32, #tpu.memory_space<vmem>> -> memref<80xi32, #tpu.memory_space<vmem>>
      %dma_start3A_314 = arith.constant 0 : i32
      %dma_start3A_315 = arith.constant 0 : i32
      %dma_start3A_316 = tpu.memref_slice %arg6[%dma_start3A_314, %dma_start3A_315] : memref<10112x128xf32, #tpu.memory_space<vmem_shared>> -> memref<10112x128xf32, #tpu.memory_space<vmem_shared>>
      tpu.enqueue_indirect_dma source(%arg8 : memref<80x128xf32, #tpu.memory_space<vmem>>) target(%dma_start3A_316 : memref<10112x128xf32, #tpu.memory_space<vmem_shared>>) offsets(%dma_start3A_313 : memref<80xi32, #tpu.memory_space<vmem>>) semaphore(%arg13 : memref<!tpu.dma_semaphore, #tpu.memory_space<semaphore_mem>>) {add = true}
    }
    %scan3A_29 = arith.constant 12 : i32
    %dma_wait3A = arith.constant 0 : i32
    %dma_wait3A_30 = arith.constant 0 : i32
    %dma_wait3A_31 = tpu.memref_slice %arg9[%dma_wait3A, %dma_wait3A_30] : memref<50x80xi32, #tpu.memory_space<vmem>> -> memref<1x80xi32, #tpu.memory_space<vmem>>
    %dma_wait3A_32 = tpu.memref_squeeze %dma_wait3A_31 : memref<1x80xi32, #tpu.memory_space<vmem>> -> memref<80xi32, #tpu.memory_space<vmem>>
    %dma_wait3A_33 = arith.constant 0 : i32
    %dma_wait3A_34 = arith.constant 0 : i32
    %dma_wait3A_35 = tpu.memref_slice %arg3[%dma_wait3A_33, %dma_wait3A_34] : memref<20000x128xf32, #tpu.memory_space<hbm>> -> memref<20000x128xf32, #tpu.memory_space<hbm>>
    tpu.wait_indirect_dma semaphore(%arg12 : memref<!tpu.dma_semaphore, #tpu.memory_space<semaphore_mem>>) src(%dma_wait3A_35 : memref<20000x128xf32, #tpu.memory_space<hbm>>) dst(%arg7 : memref<80x128xf32, #tpu.memory_space<vmem>>)
    %dma_wait3A_36 = arith.constant 0 : i32
    %dma_wait3A_37 = arith.constant 0 : i32
    %dma_wait3A_38 = tpu.memref_slice %arg4[%dma_wait3A_36, %dma_wait3A_37] : memref<10112x128xf32, #tpu.memory_space<hbm>> -> memref<80x128xf32, #tpu.memory_space<hbm>>
    %dma_wait3A_39 = arith.constant 0 : i32
    %dma_wait3A_40 = arith.constant 0 : i32
    %dma_wait3A_41 = tpu.memref_slice %arg4[%dma_wait3A_39, %dma_wait3A_40] : memref<10112x128xf32, #tpu.memory_space<hbm>> -> memref<80x128xf32, #tpu.memory_space<hbm>>
    tpu.wait_dma2 semaphore(%arg13 : memref<!tpu.dma_semaphore, #tpu.memory_space<semaphore_mem>>) src(%dma_wait3A_41 : memref<80x128xf32, #tpu.memory_space<hbm>>) dst(%arg8 : memref<80x128xf32, #tpu.memory_space<vmem>>)
    %dma_wait3A_42 = arith.constant 0 : i32
    %dma_wait3A_43 = arith.constant 0 : i32
    %dma_wait3A_44 = arith.constant 0 : i32
    %dma_wait3A_45 = tpu.memref_slice %arg2[%arg0, %arg1, %dma_wait3A_42, %dma_wait3A_43, %dma_wait3A_44] : memref<2x16x5x50x80xi32, #tpu.memory_space<hbm>> -> memref<1x1x1x50x80xi32, #tpu.memory_space<hbm>>
    %dma_wait3A_46 = tpu.memref_squeeze %dma_wait3A_45 : memref<1x1x1x50x80xi32, #tpu.memory_space<hbm>> -> memref<50x80xi32, #tpu.memory_space<hbm>>
    %dma_wait3A_47 = arith.constant 0 : i32
    %dma_wait3A_48 = arith.constant 0 : i32
    %dma_wait3A_49 = tpu.memref_slice %arg2[%arg0, %arg1, %dma_wait3A_42, %dma_wait3A_47, %dma_wait3A_48] : memref<2x16x5x50x80xi32, #tpu.memory_space<hbm>> -> memref<1x1x1x50x80xi32, #tpu.memory_space<hbm>>
    %dma_wait3A_50 = tpu.memref_squeeze %dma_wait3A_49 : memref<1x1x1x50x80xi32, #tpu.memory_space<hbm>> -> memref<50x80xi32, #tpu.memory_space<hbm>>
    tpu.wait_dma2 semaphore(%arg14 : memref<!tpu.dma_semaphore, #tpu.memory_space<semaphore_mem>>) src(%dma_wait3A_50 : memref<50x80xi32, #tpu.memory_space<hbm>>) dst(%arg10 : memref<50x80xi32, #tpu.memory_space<vmem>>)
    %dma_start3A_51 = arith.constant 2 : i32
    %dma_start3A_52 = arith.constant 0 : i32
    %dma_start3A_53 = arith.constant 0 : i32
    %dma_start3A_54 = tpu.memref_slice %arg2[%arg0, %arg1, %dma_start3A_51, %dma_start3A_52, %dma_start3A_53] : memref<2x16x5x50x80xi32, #tpu.memory_space<hbm>> -> memref<1x1x1x50x80xi32, #tpu.memory_space<hbm>>
    %dma_start3A_55 = tpu.memref_squeeze %dma_start3A_54 : memref<1x1x1x50x80xi32, #tpu.memory_space<hbm>> -> memref<50x80xi32, #tpu.memory_space<hbm>>
    %dma_start3A_56 = arith.constant 0 : i32
    %dma_start3A_57 = arith.constant 0 : i32
    %dma_start3A_58 = tpu.memref_slice %arg2[%arg0, %arg1, %dma_start3A_51, %dma_start3A_56, %dma_start3A_57] : memref<2x16x5x50x80xi32, #tpu.memory_space<hbm>> -> memref<1x1x1x50x80xi32, #tpu.memory_space<hbm>>
    %dma_start3A_59 = tpu.memref_squeeze %dma_start3A_58 : memref<1x1x1x50x80xi32, #tpu.memory_space<hbm>> -> memref<50x80xi32, #tpu.memory_space<hbm>>
    tpu.enqueue_dma source(%dma_start3A_59 : memref<50x80xi32, #tpu.memory_space<hbm>>) target(%arg11 : memref<50x80xi32, #tpu.memory_space<vmem>>) target_semaphore(%arg14 : memref<!tpu.dma_semaphore, #tpu.memory_space<semaphore_mem>>)
    %dma_start3A_60 = arith.constant 0 : i32
    %dma_start3A_61 = arith.constant 0 : i32
    %dma_start3A_62 = tpu.memref_slice %arg10[%dma_start3A_60, %dma_start3A_61] : memref<50x80xi32, #tpu.memory_space<vmem>> -> memref<1x80xi32, #tpu.memory_space<vmem>>
    %dma_start3A_63 = tpu.memref_squeeze %dma_start3A_62 : memref<1x80xi32, #tpu.memory_space<vmem>> -> memref<80xi32, #tpu.memory_space<vmem>>
    %dma_start3A_64 = arith.constant 0 : i32
    %dma_start3A_65 = arith.constant 0 : i32
    %dma_start3A_66 = tpu.memref_slice %arg3[%dma_start3A_64, %dma_start3A_65] : memref<20000x128xf32, #tpu.memory_space<hbm>> -> memref<20000x128xf32, #tpu.memory_space<hbm>>
    tpu.enqueue_indirect_dma source(%dma_start3A_66 : memref<20000x128xf32, #tpu.memory_space<hbm>>) target(%arg8 : memref<80x128xf32, #tpu.memory_space<vmem>>) offsets(%dma_start3A_63 : memref<80xi32, #tpu.memory_space<vmem>>) semaphore(%arg12 : memref<!tpu.dma_semaphore, #tpu.memory_space<semaphore_mem>>)
    %dma_start3A_67 = arith.constant 49 : i32
    %dma_start3A_68 = arith.constant 0 : i32
    %dma_start3A_69 = tpu.memref_slice %arg9[%dma_start3A_67, %dma_start3A_68] : memref<50x80xi32, #tpu.memory_space<vmem>> -> memref<1x80xi32, #tpu.memory_space<vmem>>
    %dma_start3A_70 = tpu.memref_squeeze %dma_start3A_69 : memref<1x80xi32, #tpu.memory_space<vmem>> -> memref<80xi32, #tpu.memory_space<vmem>>
    %dma_start3A_71 = arith.constant 0 : i32
    %dma_start3A_72 = arith.constant 0 : i32
    %dma_start3A_73 = tpu.memref_slice %arg6[%dma_start3A_71, %dma_start3A_72] : memref<10112x128xf32, #tpu.memory_space<vmem_shared>> -> memref<10112x128xf32, #tpu.memory_space<vmem_shared>>
    tpu.enqueue_indirect_dma source(%arg7 : memref<80x128xf32, #tpu.memory_space<vmem>>) target(%dma_start3A_73 : memref<10112x128xf32, #tpu.memory_space<vmem_shared>>) offsets(%dma_start3A_70 : memref<80xi32, #tpu.memory_space<vmem>>) semaphore(%arg13 : memref<!tpu.dma_semaphore, #tpu.memory_space<semaphore_mem>>) {add = true}
    %scan3A_74 = arith.constant 0 : i32
    %scan3A_75 = arith.constant 0 : i32
    %scan3A_76 = arith.constant 12 : i32
    %scan3A_77 = arith.addi %scan3A_75, %scan3A_76 : i32
    %scan3A_78 = arith.constant 1 : i32
    scf.for %scan3A_243 = %scan3A_75 to %scan3A_77 step %scan3A_78  : i32 {
      %mul3A_244 = arith.constant 2 : i32
      %mul3A_245 = arith.muli %mul3A_244, %scan3A_243 : i32
      %add3A = arith.constant 0 : i32
      %add3A_246 = arith.addi %mul3A_245, %add3A : i32
      %dma_wait3A_247 = arith.constant 0 : i32
      %dma_wait3A_248 = arith.constant 0 : i32
      %dma_wait3A_249 = tpu.memref_slice %arg9[%dma_wait3A_247, %dma_wait3A_248] : memref<50x80xi32, #tpu.memory_space<vmem>> -> memref<1x80xi32, #tpu.memory_space<vmem>>
      %dma_wait3A_250 = tpu.memref_squeeze %dma_wait3A_249 : memref<1x80xi32, #tpu.memory_space<vmem>> -> memref<80xi32, #tpu.memory_space<vmem>>
      %dma_wait3A_251 = arith.constant 0 : i32
      %dma_wait3A_252 = arith.constant 0 : i32
      %dma_wait3A_253 = tpu.memref_slice %arg3[%dma_wait3A_251, %dma_wait3A_252] : memref<20000x128xf32, #tpu.memory_space<hbm>> -> memref<20000x128xf32, #tpu.memory_space<hbm>>
      tpu.wait_indirect_dma semaphore(%arg12 : memref<!tpu.dma_semaphore, #tpu.memory_space<semaphore_mem>>) src(%dma_wait3A_253 : memref<20000x128xf32, #tpu.memory_space<hbm>>) dst(%arg8 : memref<80x128xf32, #tpu.memory_space<vmem>>)
      %dma_wait3A_254 = arith.constant 0 : i32
      %dma_wait3A_255 = arith.constant 0 : i32
      %dma_wait3A_256 = tpu.memref_slice %arg4[%dma_wait3A_254, %dma_wait3A_255] : memref<10112x128xf32, #tpu.memory_space<hbm>> -> memref<80x128xf32, #tpu.memory_space<hbm>>
      %dma_wait3A_257 = arith.constant 0 : i32
      %dma_wait3A_258 = arith.constant 0 : i32
      %dma_wait3A_259 = tpu.memref_slice %arg4[%dma_wait3A_257, %dma_wait3A_258] : memref<10112x128xf32, #tpu.memory_space<hbm>> -> memref<80x128xf32, #tpu.memory_space<hbm>>
      tpu.wait_dma2 semaphore(%arg13 : memref<!tpu.dma_semaphore, #tpu.memory_space<semaphore_mem>>) src(%dma_wait3A_259 : memref<80x128xf32, #tpu.memory_space<hbm>>) dst(%arg7 : memref<80x128xf32, #tpu.memory_space<vmem>>)
      %add3A_260 = arith.constant 1 : i32
      %add3A_261 = arith.addi %add3A_246, %add3A_260 : i32
      %mul3A_262 = arith.constant 2 : i32
      %mul3A_263 = arith.muli %mul3A_262, %add3A_261 : i32
      %dma_start3A_264 = arith.constant 0 : i32
      %dma_start3A_265 = tpu.memref_slice %arg10[%mul3A_263, %dma_start3A_264] : memref<50x80xi32, #tpu.memory_space<vmem>> -> memref<1x80xi32, #tpu.memory_space<vmem>>
      %dma_start3A_266 = tpu.memref_squeeze %dma_start3A_265 : memref<1x80xi32, #tpu.memory_space<vmem>> -> memref<80xi32, #tpu.memory_space<vmem>>
      %dma_start3A_267 = arith.constant 0 : i32
      %dma_start3A_268 = arith.constant 0 : i32
      %dma_start3A_269 = tpu.memref_slice %arg3[%dma_start3A_267, %dma_start3A_268] : memref<20000x128xf32, #tpu.memory_space<hbm>> -> memref<20000x128xf32, #tpu.memory_space<hbm>>
      tpu.enqueue_indirect_dma source(%dma_start3A_269 : memref<20000x128xf32, #tpu.memory_space<hbm>>) target(%arg7 : memref<80x128xf32, #tpu.memory_space<vmem>>) offsets(%dma_start3A_266 : memref<80xi32, #tpu.memory_space<vmem>>) semaphore(%arg12 : memref<!tpu.dma_semaphore, #tpu.memory_space<semaphore_mem>>)
      %mul3A_270 = arith.constant 2 : i32
      %mul3A_271 = arith.muli %mul3A_270, %add3A_246 : i32
      %add3A_272 = arith.constant 1 : i32
      %add3A_273 = arith.addi %mul3A_271, %add3A_272 : i32
      %dma_start3A_274 = arith.constant 0 : i32
      %dma_start3A_275 = tpu.memref_slice %arg10[%add3A_273, %dma_start3A_274] : memref<50x80xi32, #tpu.memory_space<vmem>> -> memref<1x80xi32, #tpu.memory_space<vmem>>
      %dma_start3A_276 = tpu.memref_squeeze %dma_start3A_275 : memref<1x80xi32, #tpu.memory_space<vmem>> -> memref<80xi32, #tpu.memory_space<vmem>>
      %dma_start3A_277 = arith.constant 0 : i32
      %dma_start3A_278 = arith.constant 0 : i32
      %dma_start3A_279 = tpu.memref_slice %arg6[%dma_start3A_277, %dma_start3A_278] : memref<10112x128xf32, #tpu.memory_space<vmem_shared>> -> memref<10112x128xf32, #tpu.memory_space<vmem_shared>>
      tpu.enqueue_indirect_dma source(%arg8 : memref<80x128xf32, #tpu.memory_space<vmem>>) target(%dma_start3A_279 : memref<10112x128xf32, #tpu.memory_space<vmem_shared>>) offsets(%dma_start3A_276 : memref<80xi32, #tpu.memory_space<vmem>>) semaphore(%arg13 : memref<!tpu.dma_semaphore, #tpu.memory_space<semaphore_mem>>) {add = true}
      %mul3A_280 = arith.constant 2 : i32
      %mul3A_281 = arith.muli %mul3A_280, %scan3A_243 : i32
      %add3A_282 = arith.constant 1 : i32
      %add3A_283 = arith.addi %mul3A_281, %add3A_282 : i32
      %dma_wait3A_284 = arith.constant 0 : i32
      %dma_wait3A_285 = arith.constant 0 : i32
      %dma_wait3A_286 = tpu.memref_slice %arg9[%dma_wait3A_284, %dma_wait3A_285] : memref<50x80xi32, #tpu.memory_space<vmem>> -> memref<1x80xi32, #tpu.memory_space<vmem>>
      %dma_wait3A_287 = tpu.memref_squeeze %dma_wait3A_286 : memref<1x80xi32, #tpu.memory_space<vmem>> -> memref<80xi32, #tpu.memory_space<vmem>>
      %dma_wait3A_288 = arith.constant 0 : i32
      %dma_wait3A_289 = arith.constant 0 : i32
      %dma_wait3A_290 = tpu.memref_slice %arg3[%dma_wait3A_288, %dma_wait3A_289] : memref<20000x128xf32, #tpu.memory_space<hbm>> -> memref<20000x128xf32, #tpu.memory_space<hbm>>
      tpu.wait_indirect_dma semaphore(%arg12 : memref<!tpu.dma_semaphore, #tpu.memory_space<semaphore_mem>>) src(%dma_wait3A_290 : memref<20000x128xf32, #tpu.memory_space<hbm>>) dst(%arg7 : memref<80x128xf32, #tpu.memory_space<vmem>>)
      %dma_wait3A_291 = arith.constant 0 : i32
      %dma_wait3A_292 = arith.constant 0 : i32
      %dma_wait3A_293 = tpu.memref_slice %arg4[%dma_wait3A_291, %dma_wait3A_292] : memref<10112x128xf32, #tpu.memory_space<hbm>> -> memref<80x128xf32, #tpu.memory_space<hbm>>
      %dma_wait3A_294 = arith.constant 0 : i32
      %dma_wait3A_295 = arith.constant 0 : i32
      %dma_wait3A_296 = tpu.memref_slice %arg4[%dma_wait3A_294, %dma_wait3A_295] : memref<10112x128xf32, #tpu.memory_space<hbm>> -> memref<80x128xf32, #tpu.memory_space<hbm>>
      tpu.wait_dma2 semaphore(%arg13 : memref<!tpu.dma_semaphore, #tpu.memory_space<semaphore_mem>>) src(%dma_wait3A_296 : memref<80x128xf32, #tpu.memory_space<hbm>>) dst(%arg8 : memref<80x128xf32, #tpu.memory_space<vmem>>)
      %add3A_297 = arith.constant 1 : i32
      %add3A_298 = arith.addi %add3A_283, %add3A_297 : i32
      %mul3A_299 = arith.constant 2 : i32
      %mul3A_300 = arith.muli %mul3A_299, %add3A_298 : i32
      %dma_start3A_301 = arith.constant 0 : i32
      %dma_start3A_302 = tpu.memref_slice %arg10[%mul3A_300, %dma_start3A_301] : memref<50x80xi32, #tpu.memory_space<vmem>> -> memref<1x80xi32, #tpu.memory_space<vmem>>
      %dma_start3A_303 = tpu.memref_squeeze %dma_start3A_302 : memref<1x80xi32, #tpu.memory_space<vmem>> -> memref<80xi32, #tpu.memory_space<vmem>>
      %dma_start3A_304 = arith.constant 0 : i32
      %dma_start3A_305 = arith.constant 0 : i32
      %dma_start3A_306 = tpu.memref_slice %arg3[%dma_start3A_304, %dma_start3A_305] : memref<20000x128xf32, #tpu.memory_space<hbm>> -> memref<20000x128xf32, #tpu.memory_space<hbm>>
      tpu.enqueue_indirect_dma source(%dma_start3A_306 : memref<20000x128xf32, #tpu.memory_space<hbm>>) target(%arg8 : memref<80x128xf32, #tpu.memory_space<vmem>>) offsets(%dma_start3A_303 : memref<80xi32, #tpu.memory_space<vmem>>) semaphore(%arg12 : memref<!tpu.dma_semaphore, #tpu.memory_space<semaphore_mem>>)
      %mul3A_307 = arith.constant 2 : i32
      %mul3A_308 = arith.muli %mul3A_307, %add3A_283 : i32
      %add3A_309 = arith.constant 1 : i32
      %add3A_310 = arith.addi %mul3A_308, %add3A_309 : i32
      %dma_start3A_311 = arith.constant 0 : i32
      %dma_start3A_312 = tpu.memref_slice %arg10[%add3A_310, %dma_start3A_311] : memref<50x80xi32, #tpu.memory_space<vmem>> -> memref<1x80xi32, #tpu.memory_space<vmem>>
      %dma_start3A_313 = tpu.memref_squeeze %dma_start3A_312 : memref<1x80xi32, #tpu.memory_space<vmem>> -> memref<80xi32, #tpu.memory_space<vmem>>
      %dma_start3A_314 = arith.constant 0 : i32
      %dma_start3A_315 = arith.constant 0 : i32
      %dma_start3A_316 = tpu.memref_slice %arg6[%dma_start3A_314, %dma_start3A_315] : memref<10112x128xf32, #tpu.memory_space<vmem_shared>> -> memref<10112x128xf32, #tpu.memory_space<vmem_shared>>
      tpu.enqueue_indirect_dma source(%arg7 : memref<80x128xf32, #tpu.memory_space<vmem>>) target(%dma_start3A_316 : memref<10112x128xf32, #tpu.memory_space<vmem_shared>>) offsets(%dma_start3A_313 : memref<80xi32, #tpu.memory_space<vmem>>) semaphore(%arg13 : memref<!tpu.dma_semaphore, #tpu.memory_space<semaphore_mem>>) {add = true}
    }
    %scan3A_79 = arith.constant 12 : i32
    %dma_wait3A_80 = arith.constant 0 : i32
    %dma_wait3A_81 = arith.constant 0 : i32
    %dma_wait3A_82 = tpu.memref_slice %arg9[%dma_wait3A_80, %dma_wait3A_81] : memref<50x80xi32, #tpu.memory_space<vmem>> -> memref<1x80xi32, #tpu.memory_space<vmem>>
    %dma_wait3A_83 = tpu.memref_squeeze %dma_wait3A_82 : memref<1x80xi32, #tpu.memory_space<vmem>> -> memref<80xi32, #tpu.memory_space<vmem>>
    %dma_wait3A_84 = arith.constant 0 : i32
    %dma_wait3A_85 = arith.constant 0 : i32
    %dma_wait3A_86 = tpu.memref_slice %arg3[%dma_wait3A_84, %dma_wait3A_85] : memref<20000x128xf32, #tpu.memory_space<hbm>> -> memref<20000x128xf32, #tpu.memory_space<hbm>>
    tpu.wait_indirect_dma semaphore(%arg12 : memref<!tpu.dma_semaphore, #tpu.memory_space<semaphore_mem>>) src(%dma_wait3A_86 : memref<20000x128xf32, #tpu.memory_space<hbm>>) dst(%arg8 : memref<80x128xf32, #tpu.memory_space<vmem>>)
    %dma_wait3A_87 = arith.constant 0 : i32
    %dma_wait3A_88 = arith.constant 0 : i32
    %dma_wait3A_89 = tpu.memref_slice %arg4[%dma_wait3A_87, %dma_wait3A_88] : memref<10112x128xf32, #tpu.memory_space<hbm>> -> memref<80x128xf32, #tpu.memory_space<hbm>>
    %dma_wait3A_90 = arith.constant 0 : i32
    %dma_wait3A_91 = arith.constant 0 : i32
    %dma_wait3A_92 = tpu.memref_slice %arg4[%dma_wait3A_90, %dma_wait3A_91] : memref<10112x128xf32, #tpu.memory_space<hbm>> -> memref<80x128xf32, #tpu.memory_space<hbm>>
    tpu.wait_dma2 semaphore(%arg13 : memref<!tpu.dma_semaphore, #tpu.memory_space<semaphore_mem>>) src(%dma_wait3A_92 : memref<80x128xf32, #tpu.memory_space<hbm>>) dst(%arg7 : memref<80x128xf32, #tpu.memory_space<vmem>>)
    %dma_wait3A_93 = arith.constant 0 : i32
    %dma_wait3A_94 = arith.constant 0 : i32
    %dma_wait3A_95 = arith.constant 0 : i32
    %dma_wait3A_96 = tpu.memref_slice %arg2[%arg0, %arg1, %dma_wait3A_93, %dma_wait3A_94, %dma_wait3A_95] : memref<2x16x5x50x80xi32, #tpu.memory_space<hbm>> -> memref<1x1x1x50x80xi32, #tpu.memory_space<hbm>>
    %dma_wait3A_97 = tpu.memref_squeeze %dma_wait3A_96 : memref<1x1x1x50x80xi32, #tpu.memory_space<hbm>> -> memref<50x80xi32, #tpu.memory_space<hbm>>
    %dma_wait3A_98 = arith.constant 0 : i32
    %dma_wait3A_99 = arith.constant 0 : i32
    %dma_wait3A_100 = tpu.memref_slice %arg2[%arg0, %arg1, %dma_wait3A_93, %dma_wait3A_98, %dma_wait3A_99] : memref<2x16x5x50x80xi32, #tpu.memory_space<hbm>> -> memref<1x1x1x50x80xi32, #tpu.memory_space<hbm>>
    %dma_wait3A_101 = tpu.memref_squeeze %dma_wait3A_100 : memref<1x1x1x50x80xi32, #tpu.memory_space<hbm>> -> memref<50x80xi32, #tpu.memory_space<hbm>>
    tpu.wait_dma2 semaphore(%arg14 : memref<!tpu.dma_semaphore, #tpu.memory_space<semaphore_mem>>) src(%dma_wait3A_101 : memref<50x80xi32, #tpu.memory_space<hbm>>) dst(%arg11 : memref<50x80xi32, #tpu.memory_space<vmem>>)
    %dma_start3A_102 = arith.constant 3 : i32
    %dma_start3A_103 = arith.constant 0 : i32
    %dma_start3A_104 = arith.constant 0 : i32
    %dma_start3A_105 = tpu.memref_slice %arg2[%arg0, %arg1, %dma_start3A_102, %dma_start3A_103, %dma_start3A_104] : memref<2x16x5x50x80xi32, #tpu.memory_space<hbm>> -> memref<1x1x1x50x80xi32, #tpu.memory_space<hbm>>
    %dma_start3A_106 = tpu.memref_squeeze %dma_start3A_105 : memref<1x1x1x50x80xi32, #tpu.memory_space<hbm>> -> memref<50x80xi32, #tpu.memory_space<hbm>>
    %dma_start3A_107 = arith.constant 0 : i32
    %dma_start3A_108 = arith.constant 0 : i32
    %dma_start3A_109 = tpu.memref_slice %arg2[%arg0, %arg1, %dma_start3A_102, %dma_start3A_107, %dma_start3A_108] : memref<2x16x5x50x80xi32, #tpu.memory_space<hbm>> -> memref<1x1x1x50x80xi32, #tpu.memory_space<hbm>>
    %dma_start3A_110 = tpu.memref_squeeze %dma_start3A_109 : memref<1x1x1x50x80xi32, #tpu.memory_space<hbm>> -> memref<50x80xi32, #tpu.memory_space<hbm>>
    tpu.enqueue_dma source(%dma_start3A_110 : memref<50x80xi32, #tpu.memory_space<hbm>>) target(%arg9 : memref<50x80xi32, #tpu.memory_space<vmem>>) target_semaphore(%arg14 : memref<!tpu.dma_semaphore, #tpu.memory_space<semaphore_mem>>)
    %dma_start3A_111 = arith.constant 0 : i32
    %dma_start3A_112 = arith.constant 0 : i32
    %dma_start3A_113 = tpu.memref_slice %arg11[%dma_start3A_111, %dma_start3A_112] : memref<50x80xi32, #tpu.memory_space<vmem>> -> memref<1x80xi32, #tpu.memory_space<vmem>>
    %dma_start3A_114 = tpu.memref_squeeze %dma_start3A_113 : memref<1x80xi32, #tpu.memory_space<vmem>> -> memref<80xi32, #tpu.memory_space<vmem>>
    %dma_start3A_115 = arith.constant 0 : i32
    %dma_start3A_116 = arith.constant 0 : i32
    %dma_start3A_117 = tpu.memref_slice %arg3[%dma_start3A_115, %dma_start3A_116] : memref<20000x128xf32, #tpu.memory_space<hbm>> -> memref<20000x128xf32, #tpu.memory_space<hbm>>
    tpu.enqueue_indirect_dma source(%dma_start3A_117 : memref<20000x128xf32, #tpu.memory_space<hbm>>) target(%arg7 : memref<80x128xf32, #tpu.memory_space<vmem>>) offsets(%dma_start3A_114 : memref<80xi32, #tpu.memory_space<vmem>>) semaphore(%arg12 : memref<!tpu.dma_semaphore, #tpu.memory_space<semaphore_mem>>)
    %dma_start3A_118 = arith.constant 49 : i32
    %dma_start3A_119 = arith.constant 0 : i32
    %dma_start3A_120 = tpu.memref_slice %arg10[%dma_start3A_118, %dma_start3A_119] : memref<50x80xi32, #tpu.memory_space<vmem>> -> memref<1x80xi32, #tpu.memory_space<vmem>>
    %dma_start3A_121 = tpu.memref_squeeze %dma_start3A_120 : memref<1x80xi32, #tpu.memory_space<vmem>> -> memref<80xi32, #tpu.memory_space<vmem>>
    %dma_start3A_122 = arith.constant 0 : i32
    %dma_start3A_123 = arith.constant 0 : i32
    %dma_start3A_124 = tpu.memref_slice %arg6[%dma_start3A_122, %dma_start3A_123] : memref<10112x128xf32, #tpu.memory_space<vmem_shared>> -> memref<10112x128xf32, #tpu.memory_space<vmem_shared>>
    tpu.enqueue_indirect_dma source(%arg8 : memref<80x128xf32, #tpu.memory_space<vmem>>) target(%dma_start3A_124 : memref<10112x128xf32, #tpu.memory_space<vmem_shared>>) offsets(%dma_start3A_121 : memref<80xi32, #tpu.memory_space<vmem>>) semaphore(%arg13 : memref<!tpu.dma_semaphore, #tpu.memory_space<semaphore_mem>>) {add = true}
    %scan3A_125 = arith.constant 0 : i32
    %scan3A_126 = arith.constant 0 : i32
    %scan3A_127 = arith.constant 12 : i32
    %scan3A_128 = arith.addi %scan3A_126, %scan3A_127 : i32
    %scan3A_129 = arith.constant 1 : i32
    scf.for %scan3A_243 = %scan3A_126 to %scan3A_128 step %scan3A_129  : i32 {
      %mul3A_244 = arith.constant 2 : i32
      %mul3A_245 = arith.muli %mul3A_244, %scan3A_243 : i32
      %add3A = arith.constant 0 : i32
      %add3A_246 = arith.addi %mul3A_245, %add3A : i32
      %dma_wait3A_247 = arith.constant 0 : i32
      %dma_wait3A_248 = arith.constant 0 : i32
      %dma_wait3A_249 = tpu.memref_slice %arg9[%dma_wait3A_247, %dma_wait3A_248] : memref<50x80xi32, #tpu.memory_space<vmem>> -> memref<1x80xi32, #tpu.memory_space<vmem>>
      %dma_wait3A_250 = tpu.memref_squeeze %dma_wait3A_249 : memref<1x80xi32, #tpu.memory_space<vmem>> -> memref<80xi32, #tpu.memory_space<vmem>>
      %dma_wait3A_251 = arith.constant 0 : i32
      %dma_wait3A_252 = arith.constant 0 : i32
      %dma_wait3A_253 = tpu.memref_slice %arg3[%dma_wait3A_251, %dma_wait3A_252] : memref<20000x128xf32, #tpu.memory_space<hbm>> -> memref<20000x128xf32, #tpu.memory_space<hbm>>
      tpu.wait_indirect_dma semaphore(%arg12 : memref<!tpu.dma_semaphore, #tpu.memory_space<semaphore_mem>>) src(%dma_wait3A_253 : memref<20000x128xf32, #tpu.memory_space<hbm>>) dst(%arg7 : memref<80x128xf32, #tpu.memory_space<vmem>>)
      %dma_wait3A_254 = arith.constant 0 : i32
      %dma_wait3A_255 = arith.constant 0 : i32
      %dma_wait3A_256 = tpu.memref_slice %arg4[%dma_wait3A_254, %dma_wait3A_255] : memref<10112x128xf32, #tpu.memory_space<hbm>> -> memref<80x128xf32, #tpu.memory_space<hbm>>
      %dma_wait3A_257 = arith.constant 0 : i32
      %dma_wait3A_258 = arith.constant 0 : i32
      %dma_wait3A_259 = tpu.memref_slice %arg4[%dma_wait3A_257, %dma_wait3A_258] : memref<10112x128xf32, #tpu.memory_space<hbm>> -> memref<80x128xf32, #tpu.memory_space<hbm>>
      tpu.wait_dma2 semaphore(%arg13 : memref<!tpu.dma_semaphore, #tpu.memory_space<semaphore_mem>>) src(%dma_wait3A_259 : memref<80x128xf32, #tpu.memory_space<hbm>>) dst(%arg8 : memref<80x128xf32, #tpu.memory_space<vmem>>)
      %add3A_260 = arith.constant 1 : i32
      %add3A_261 = arith.addi %add3A_246, %add3A_260 : i32
      %mul3A_262 = arith.constant 2 : i32
      %mul3A_263 = arith.muli %mul3A_262, %add3A_261 : i32
      %dma_start3A_264 = arith.constant 0 : i32
      %dma_start3A_265 = tpu.memref_slice %arg11[%mul3A_263, %dma_start3A_264] : memref<50x80xi32, #tpu.memory_space<vmem>> -> memref<1x80xi32, #tpu.memory_space<vmem>>
      %dma_start3A_266 = tpu.memref_squeeze %dma_start3A_265 : memref<1x80xi32, #tpu.memory_space<vmem>> -> memref<80xi32, #tpu.memory_space<vmem>>
      %dma_start3A_267 = arith.constant 0 : i32
      %dma_start3A_268 = arith.constant 0 : i32
      %dma_start3A_269 = tpu.memref_slice %arg3[%dma_start3A_267, %dma_start3A_268] : memref<20000x128xf32, #tpu.memory_space<hbm>> -> memref<20000x128xf32, #tpu.memory_space<hbm>>
      tpu.enqueue_indirect_dma source(%dma_start3A_269 : memref<20000x128xf32, #tpu.memory_space<hbm>>) target(%arg8 : memref<80x128xf32, #tpu.memory_space<vmem>>) offsets(%dma_start3A_266 : memref<80xi32, #tpu.memory_space<vmem>>) semaphore(%arg12 : memref<!tpu.dma_semaphore, #tpu.memory_space<semaphore_mem>>)
      %mul3A_270 = arith.constant 2 : i32
      %mul3A_271 = arith.muli %mul3A_270, %add3A_246 : i32
      %add3A_272 = arith.constant 1 : i32
      %add3A_273 = arith.addi %mul3A_271, %add3A_272 : i32
      %dma_start3A_274 = arith.constant 0 : i32
      %dma_start3A_275 = tpu.memref_slice %arg11[%add3A_273, %dma_start3A_274] : memref<50x80xi32, #tpu.memory_space<vmem>> -> memref<1x80xi32, #tpu.memory_space<vmem>>
      %dma_start3A_276 = tpu.memref_squeeze %dma_start3A_275 : memref<1x80xi32, #tpu.memory_space<vmem>> -> memref<80xi32, #tpu.memory_space<vmem>>
      %dma_start3A_277 = arith.constant 0 : i32
      %dma_start3A_278 = arith.constant 0 : i32
      %dma_start3A_279 = tpu.memref_slice %arg6[%dma_start3A_277, %dma_start3A_278] : memref<10112x128xf32, #tpu.memory_space<vmem_shared>> -> memref<10112x128xf32, #tpu.memory_space<vmem_shared>>
      tpu.enqueue_indirect_dma source(%arg7 : memref<80x128xf32, #tpu.memory_space<vmem>>) target(%dma_start3A_279 : memref<10112x128xf32, #tpu.memory_space<vmem_shared>>) offsets(%dma_start3A_276 : memref<80xi32, #tpu.memory_space<vmem>>) semaphore(%arg13 : memref<!tpu.dma_semaphore, #tpu.memory_space<semaphore_mem>>) {add = true}
      %mul3A_280 = arith.constant 2 : i32
      %mul3A_281 = arith.muli %mul3A_280, %scan3A_243 : i32
      %add3A_282 = arith.constant 1 : i32
      %add3A_283 = arith.addi %mul3A_281, %add3A_282 : i32
      %dma_wait3A_284 = arith.constant 0 : i32
      %dma_wait3A_285 = arith.constant 0 : i32
      %dma_wait3A_286 = tpu.memref_slice %arg9[%dma_wait3A_284, %dma_wait3A_285] : memref<50x80xi32, #tpu.memory_space<vmem>> -> memref<1x80xi32, #tpu.memory_space<vmem>>
      %dma_wait3A_287 = tpu.memref_squeeze %dma_wait3A_286 : memref<1x80xi32, #tpu.memory_space<vmem>> -> memref<80xi32, #tpu.memory_space<vmem>>
      %dma_wait3A_288 = arith.constant 0 : i32
      %dma_wait3A_289 = arith.constant 0 : i32
      %dma_wait3A_290 = tpu.memref_slice %arg3[%dma_wait3A_288, %dma_wait3A_289] : memref<20000x128xf32, #tpu.memory_space<hbm>> -> memref<20000x128xf32, #tpu.memory_space<hbm>>
      tpu.wait_indirect_dma semaphore(%arg12 : memref<!tpu.dma_semaphore, #tpu.memory_space<semaphore_mem>>) src(%dma_wait3A_290 : memref<20000x128xf32, #tpu.memory_space<hbm>>) dst(%arg8 : memref<80x128xf32, #tpu.memory_space<vmem>>)
      %dma_wait3A_291 = arith.constant 0 : i32
      %dma_wait3A_292 = arith.constant 0 : i32
      %dma_wait3A_293 = tpu.memref_slice %arg4[%dma_wait3A_291, %dma_wait3A_292] : memref<10112x128xf32, #tpu.memory_space<hbm>> -> memref<80x128xf32, #tpu.memory_space<hbm>>
      %dma_wait3A_294 = arith.constant 0 : i32
      %dma_wait3A_295 = arith.constant 0 : i32
      %dma_wait3A_296 = tpu.memref_slice %arg4[%dma_wait3A_294, %dma_wait3A_295] : memref<10112x128xf32, #tpu.memory_space<hbm>> -> memref<80x128xf32, #tpu.memory_space<hbm>>
      tpu.wait_dma2 semaphore(%arg13 : memref<!tpu.dma_semaphore, #tpu.memory_space<semaphore_mem>>) src(%dma_wait3A_296 : memref<80x128xf32, #tpu.memory_space<hbm>>) dst(%arg7 : memref<80x128xf32, #tpu.memory_space<vmem>>)
      %add3A_297 = arith.constant 1 : i32
      %add3A_298 = arith.addi %add3A_283, %add3A_297 : i32
      %mul3A_299 = arith.constant 2 : i32
      %mul3A_300 = arith.muli %mul3A_299, %add3A_298 : i32
      %dma_start3A_301 = arith.constant 0 : i32
      %dma_start3A_302 = tpu.memref_slice %arg11[%mul3A_300, %dma_start3A_301] : memref<50x80xi32, #tpu.memory_space<vmem>> -> memref<1x80xi32, #tpu.memory_space<vmem>>
      %dma_start3A_303 = tpu.memref_squeeze %dma_start3A_302 : memref<1x80xi32, #tpu.memory_space<vmem>> -> memref<80xi32, #tpu.memory_space<vmem>>
      %dma_start3A_304 = arith.constant 0 : i32
      %dma_start3A_305 = arith.constant 0 : i32
      %dma_start3A_306 = tpu.memref_slice %arg3[%dma_start3A_304, %dma_start3A_305] : memref<20000x128xf32, #tpu.memory_space<hbm>> -> memref<20000x128xf32, #tpu.memory_space<hbm>>
      tpu.enqueue_indirect_dma source(%dma_start3A_306 : memref<20000x128xf32, #tpu.memory_space<hbm>>) target(%arg7 : memref<80x128xf32, #tpu.memory_space<vmem>>) offsets(%dma_start3A_303 : memref<80xi32, #tpu.memory_space<vmem>>) semaphore(%arg12 : memref<!tpu.dma_semaphore, #tpu.memory_space<semaphore_mem>>)
      %mul3A_307 = arith.constant 2 : i32
      %mul3A_308 = arith.muli %mul3A_307, %add3A_283 : i32
      %add3A_309 = arith.constant 1 : i32
      %add3A_310 = arith.addi %mul3A_308, %add3A_309 : i32
      %dma_start3A_311 = arith.constant 0 : i32
      %dma_start3A_312 = tpu.memref_slice %arg11[%add3A_310, %dma_start3A_311] : memref<50x80xi32, #tpu.memory_space<vmem>> -> memref<1x80xi32, #tpu.memory_space<vmem>>
      %dma_start3A_313 = tpu.memref_squeeze %dma_start3A_312 : memref<1x80xi32, #tpu.memory_space<vmem>> -> memref<80xi32, #tpu.memory_space<vmem>>
      %dma_start3A_314 = arith.constant 0 : i32
      %dma_start3A_315 = arith.constant 0 : i32
      %dma_start3A_316 = tpu.memref_slice %arg6[%dma_start3A_314, %dma_start3A_315] : memref<10112x128xf32, #tpu.memory_space<vmem_shared>> -> memref<10112x128xf32, #tpu.memory_space<vmem_shared>>
      tpu.enqueue_indirect_dma source(%arg8 : memref<80x128xf32, #tpu.memory_space<vmem>>) target(%dma_start3A_316 : memref<10112x128xf32, #tpu.memory_space<vmem_shared>>) offsets(%dma_start3A_313 : memref<80xi32, #tpu.memory_space<vmem>>) semaphore(%arg13 : memref<!tpu.dma_semaphore, #tpu.memory_space<semaphore_mem>>) {add = true}
    }
    %scan3A_130 = arith.constant 12 : i32
    %dma_wait3A_131 = arith.constant 0 : i32
    %dma_wait3A_132 = arith.constant 0 : i32
    %dma_wait3A_133 = tpu.memref_slice %arg9[%dma_wait3A_131, %dma_wait3A_132] : memref<50x80xi32, #tpu.memory_space<vmem>> -> memref<1x80xi32, #tpu.memory_space<vmem>>
    %dma_wait3A_134 = tpu.memref_squeeze %dma_wait3A_133 : memref<1x80xi32, #tpu.memory_space<vmem>> -> memref<80xi32, #tpu.memory_space<vmem>>
    %dma_wait3A_135 = arith.constant 0 : i32
    %dma_wait3A_136 = arith.constant 0 : i32
    %dma_wait3A_137 = tpu.memref_slice %arg3[%dma_wait3A_135, %dma_wait3A_136] : memref<20000x128xf32, #tpu.memory_space<hbm>> -> memref<20000x128xf32, #tpu.memory_space<hbm>>
    tpu.wait_indirect_dma semaphore(%arg12 : memref<!tpu.dma_semaphore, #tpu.memory_space<semaphore_mem>>) src(%dma_wait3A_137 : memref<20000x128xf32, #tpu.memory_space<hbm>>) dst(%arg7 : memref<80x128xf32, #tpu.memory_space<vmem>>)
    %dma_wait3A_138 = arith.constant 0 : i32
    %dma_wait3A_139 = arith.constant 0 : i32
    %dma_wait3A_140 = tpu.memref_slice %arg4[%dma_wait3A_138, %dma_wait3A_139] : memref<10112x128xf32, #tpu.memory_space<hbm>> -> memref<80x128xf32, #tpu.memory_space<hbm>>
    %dma_wait3A_141 = arith.constant 0 : i32
    %dma_wait3A_142 = arith.constant 0 : i32
    %dma_wait3A_143 = tpu.memref_slice %arg4[%dma_wait3A_141, %dma_wait3A_142] : memref<10112x128xf32, #tpu.memory_space<hbm>> -> memref<80x128xf32, #tpu.memory_space<hbm>>
    tpu.wait_dma2 semaphore(%arg13 : memref<!tpu.dma_semaphore, #tpu.memory_space<semaphore_mem>>) src(%dma_wait3A_143 : memref<80x128xf32, #tpu.memory_space<hbm>>) dst(%arg8 : memref<80x128xf32, #tpu.memory_space<vmem>>)
    %dma_wait3A_144 = arith.constant 0 : i32
    %dma_wait3A_145 = arith.constant 0 : i32
    %dma_wait3A_146 = arith.constant 0 : i32
    %dma_wait3A_147 = tpu.memref_slice %arg2[%arg0, %arg1, %dma_wait3A_144, %dma_wait3A_145, %dma_wait3A_146] : memref<2x16x5x50x80xi32, #tpu.memory_space<hbm>> -> memref<1x1x1x50x80xi32, #tpu.memory_space<hbm>>
    %dma_wait3A_148 = tpu.memref_squeeze %dma_wait3A_147 : memref<1x1x1x50x80xi32, #tpu.memory_space<hbm>> -> memref<50x80xi32, #tpu.memory_space<hbm>>
    %dma_wait3A_149 = arith.constant 0 : i32
    %dma_wait3A_150 = arith.constant 0 : i32
    %dma_wait3A_151 = tpu.memref_slice %arg2[%arg0, %arg1, %dma_wait3A_144, %dma_wait3A_149, %dma_wait3A_150] : memref<2x16x5x50x80xi32, #tpu.memory_space<hbm>> -> memref<1x1x1x50x80xi32, #tpu.memory_space<hbm>>
    %dma_wait3A_152 = tpu.memref_squeeze %dma_wait3A_151 : memref<1x1x1x50x80xi32, #tpu.memory_space<hbm>> -> memref<50x80xi32, #tpu.memory_space<hbm>>
    tpu.wait_dma2 semaphore(%arg14 : memref<!tpu.dma_semaphore, #tpu.memory_space<semaphore_mem>>) src(%dma_wait3A_152 : memref<50x80xi32, #tpu.memory_space<hbm>>) dst(%arg9 : memref<50x80xi32, #tpu.memory_space<vmem>>)
    %dma_start3A_153 = arith.constant 4 : i32
    %dma_start3A_154 = arith.constant 0 : i32
    %dma_start3A_155 = arith.constant 0 : i32
    %dma_start3A_156 = tpu.memref_slice %arg2[%arg0, %arg1, %dma_start3A_153, %dma_start3A_154, %dma_start3A_155] : memref<2x16x5x50x80xi32, #tpu.memory_space<hbm>> -> memref<1x1x1x50x80xi32, #tpu.memory_space<hbm>>
    %dma_start3A_157 = tpu.memref_squeeze %dma_start3A_156 : memref<1x1x1x50x80xi32, #tpu.memory_space<hbm>> -> memref<50x80xi32, #tpu.memory_space<hbm>>
    %dma_start3A_158 = arith.constant 0 : i32
    %dma_start3A_159 = arith.constant 0 : i32
    %dma_start3A_160 = tpu.memref_slice %arg2[%arg0, %arg1, %dma_start3A_153, %dma_start3A_158, %dma_start3A_159] : memref<2x16x5x50x80xi32, #tpu.memory_space<hbm>> -> memref<1x1x1x50x80xi32, #tpu.memory_space<hbm>>
    %dma_start3A_161 = tpu.memref_squeeze %dma_start3A_160 : memref<1x1x1x50x80xi32, #tpu.memory_space<hbm>> -> memref<50x80xi32, #tpu.memory_space<hbm>>
    tpu.enqueue_dma source(%dma_start3A_161 : memref<50x80xi32, #tpu.memory_space<hbm>>) target(%arg10 : memref<50x80xi32, #tpu.memory_space<vmem>>) target_semaphore(%arg14 : memref<!tpu.dma_semaphore, #tpu.memory_space<semaphore_mem>>)
    %dma_start3A_162 = arith.constant 0 : i32
    %dma_start3A_163 = arith.constant 0 : i32
    %dma_start3A_164 = tpu.memref_slice %arg9[%dma_start3A_162, %dma_start3A_163] : memref<50x80xi32, #tpu.memory_space<vmem>> -> memref<1x80xi32, #tpu.memory_space<vmem>>
    %dma_start3A_165 = tpu.memref_squeeze %dma_start3A_164 : memref<1x80xi32, #tpu.memory_space<vmem>> -> memref<80xi32, #tpu.memory_space<vmem>>
    %dma_start3A_166 = arith.constant 0 : i32
    %dma_start3A_167 = arith.constant 0 : i32
    %dma_start3A_168 = tpu.memref_slice %arg3[%dma_start3A_166, %dma_start3A_167] : memref<20000x128xf32, #tpu.memory_space<hbm>> -> memref<20000x128xf32, #tpu.memory_space<hbm>>
    tpu.enqueue_indirect_dma source(%dma_start3A_168 : memref<20000x128xf32, #tpu.memory_space<hbm>>) target(%arg8 : memref<80x128xf32, #tpu.memory_space<vmem>>) offsets(%dma_start3A_165 : memref<80xi32, #tpu.memory_space<vmem>>) semaphore(%arg12 : memref<!tpu.dma_semaphore, #tpu.memory_space<semaphore_mem>>)
    %dma_start3A_169 = arith.constant 49 : i32
    %dma_start3A_170 = arith.constant 0 : i32
    %dma_start3A_171 = tpu.memref_slice %arg11[%dma_start3A_169, %dma_start3A_170] : memref<50x80xi32, #tpu.memory_space<vmem>> -> memref<1x80xi32, #tpu.memory_space<vmem>>
    %dma_start3A_172 = tpu.memref_squeeze %dma_start3A_171 : memref<1x80xi32, #tpu.memory_space<vmem>> -> memref<80xi32, #tpu.memory_space<vmem>>
    %dma_start3A_173 = arith.constant 0 : i32
    %dma_start3A_174 = arith.constant 0 : i32
    %dma_start3A_175 = tpu.memref_slice %arg6[%dma_start3A_173, %dma_start3A_174] : memref<10112x128xf32, #tpu.memory_space<vmem_shared>> -> memref<10112x128xf32, #tpu.memory_space<vmem_shared>>
    tpu.enqueue_indirect_dma source(%arg7 : memref<80x128xf32, #tpu.memory_space<vmem>>) target(%dma_start3A_175 : memref<10112x128xf32, #tpu.memory_space<vmem_shared>>) offsets(%dma_start3A_172 : memref<80xi32, #tpu.memory_space<vmem>>) semaphore(%arg13 : memref<!tpu.dma_semaphore, #tpu.memory_space<semaphore_mem>>) {add = true}
    %scan3A_176 = arith.constant 0 : i32
    %scan3A_177 = arith.constant 0 : i32
    %scan3A_178 = arith.constant 12 : i32
    %scan3A_179 = arith.addi %scan3A_177, %scan3A_178 : i32
    %scan3A_180 = arith.constant 1 : i32
    scf.for %scan3A_243 = %scan3A_177 to %scan3A_179 step %scan3A_180  : i32 {
      %mul3A_244 = arith.constant 2 : i32
      %mul3A_245 = arith.muli %mul3A_244, %scan3A_243 : i32
      %add3A = arith.constant 0 : i32
      %add3A_246 = arith.addi %mul3A_245, %add3A : i32
      %dma_wait3A_247 = arith.constant 0 : i32
      %dma_wait3A_248 = arith.constant 0 : i32
      %dma_wait3A_249 = tpu.memref_slice %arg9[%dma_wait3A_247, %dma_wait3A_248] : memref<50x80xi32, #tpu.memory_space<vmem>> -> memref<1x80xi32, #tpu.memory_space<vmem>>
      %dma_wait3A_250 = tpu.memref_squeeze %dma_wait3A_249 : memref<1x80xi32, #tpu.memory_space<vmem>> -> memref<80xi32, #tpu.memory_space<vmem>>
      %dma_wait3A_251 = arith.constant 0 : i32
      %dma_wait3A_252 = arith.constant 0 : i32
      %dma_wait3A_253 = tpu.memref_slice %arg3[%dma_wait3A_251, %dma_wait3A_252] : memref<20000x128xf32, #tpu.memory_space<hbm>> -> memref<20000x128xf32, #tpu.memory_space<hbm>>
      tpu.wait_indirect_dma semaphore(%arg12 : memref<!tpu.dma_semaphore, #tpu.memory_space<semaphore_mem>>) src(%dma_wait3A_253 : memref<20000x128xf32, #tpu.memory_space<hbm>>) dst(%arg8 : memref<80x128xf32, #tpu.memory_space<vmem>>)
      %dma_wait3A_254 = arith.constant 0 : i32
      %dma_wait3A_255 = arith.constant 0 : i32
      %dma_wait3A_256 = tpu.memref_slice %arg4[%dma_wait3A_254, %dma_wait3A_255] : memref<10112x128xf32, #tpu.memory_space<hbm>> -> memref<80x128xf32, #tpu.memory_space<hbm>>
      %dma_wait3A_257 = arith.constant 0 : i32
      %dma_wait3A_258 = arith.constant 0 : i32
      %dma_wait3A_259 = tpu.memref_slice %arg4[%dma_wait3A_257, %dma_wait3A_258] : memref<10112x128xf32, #tpu.memory_space<hbm>> -> memref<80x128xf32, #tpu.memory_space<hbm>>
      tpu.wait_dma2 semaphore(%arg13 : memref<!tpu.dma_semaphore, #tpu.memory_space<semaphore_mem>>) src(%dma_wait3A_259 : memref<80x128xf32, #tpu.memory_space<hbm>>) dst(%arg7 : memref<80x128xf32, #tpu.memory_space<vmem>>)
      %add3A_260 = arith.constant 1 : i32
      %add3A_261 = arith.addi %add3A_246, %add3A_260 : i32
      %mul3A_262 = arith.constant 2 : i32
      %mul3A_263 = arith.muli %mul3A_262, %add3A_261 : i32
      %dma_start3A_264 = arith.constant 0 : i32
      %dma_start3A_265 = tpu.memref_slice %arg9[%mul3A_263, %dma_start3A_264] : memref<50x80xi32, #tpu.memory_space<vmem>> -> memref<1x80xi32, #tpu.memory_space<vmem>>
      %dma_start3A_266 = tpu.memref_squeeze %dma_start3A_265 : memref<1x80xi32, #tpu.memory_space<vmem>> -> memref<80xi32, #tpu.memory_space<vmem>>
      %dma_start3A_267 = arith.constant 0 : i32
      %dma_start3A_268 = arith.constant 0 : i32
      %dma_start3A_269 = tpu.memref_slice %arg3[%dma_start3A_267, %dma_start3A_268] : memref<20000x128xf32, #tpu.memory_space<hbm>> -> memref<20000x128xf32, #tpu.memory_space<hbm>>
      tpu.enqueue_indirect_dma source(%dma_start3A_269 : memref<20000x128xf32, #tpu.memory_space<hbm>>) target(%arg7 : memref<80x128xf32, #tpu.memory_space<vmem>>) offsets(%dma_start3A_266 : memref<80xi32, #tpu.memory_space<vmem>>) semaphore(%arg12 : memref<!tpu.dma_semaphore, #tpu.memory_space<semaphore_mem>>)
      %mul3A_270 = arith.constant 2 : i32
      %mul3A_271 = arith.muli %mul3A_270, %add3A_246 : i32
      %add3A_272 = arith.constant 1 : i32
      %add3A_273 = arith.addi %mul3A_271, %add3A_272 : i32
      %dma_start3A_274 = arith.constant 0 : i32
      %dma_start3A_275 = tpu.memref_slice %arg9[%add3A_273, %dma_start3A_274] : memref<50x80xi32, #tpu.memory_space<vmem>> -> memref<1x80xi32, #tpu.memory_space<vmem>>
      %dma_start3A_276 = tpu.memref_squeeze %dma_start3A_275 : memref<1x80xi32, #tpu.memory_space<vmem>> -> memref<80xi32, #tpu.memory_space<vmem>>
      %dma_start3A_277 = arith.constant 0 : i32
      %dma_start3A_278 = arith.constant 0 : i32
      %dma_start3A_279 = tpu.memref_slice %arg6[%dma_start3A_277, %dma_start3A_278] : memref<10112x128xf32, #tpu.memory_space<vmem_shared>> -> memref<10112x128xf32, #tpu.memory_space<vmem_shared>>
      tpu.enqueue_indirect_dma source(%arg8 : memref<80x128xf32, #tpu.memory_space<vmem>>) target(%dma_start3A_279 : memref<10112x128xf32, #tpu.memory_space<vmem_shared>>) offsets(%dma_start3A_276 : memref<80xi32, #tpu.memory_space<vmem>>) semaphore(%arg13 : memref<!tpu.dma_semaphore, #tpu.memory_space<semaphore_mem>>) {add = true}
      %mul3A_280 = arith.constant 2 : i32
      %mul3A_281 = arith.muli %mul3A_280, %scan3A_243 : i32
      %add3A_282 = arith.constant 1 : i32
      %add3A_283 = arith.addi %mul3A_281, %add3A_282 : i32
      %dma_wait3A_284 = arith.constant 0 : i32
      %dma_wait3A_285 = arith.constant 0 : i32
      %dma_wait3A_286 = tpu.memref_slice %arg9[%dma_wait3A_284, %dma_wait3A_285] : memref<50x80xi32, #tpu.memory_space<vmem>> -> memref<1x80xi32, #tpu.memory_space<vmem>>
      %dma_wait3A_287 = tpu.memref_squeeze %dma_wait3A_286 : memref<1x80xi32, #tpu.memory_space<vmem>> -> memref<80xi32, #tpu.memory_space<vmem>>
      %dma_wait3A_288 = arith.constant 0 : i32
      %dma_wait3A_289 = arith.constant 0 : i32
      %dma_wait3A_290 = tpu.memref_slice %arg3[%dma_wait3A_288, %dma_wait3A_289] : memref<20000x128xf32, #tpu.memory_space<hbm>> -> memref<20000x128xf32, #tpu.memory_space<hbm>>
      tpu.wait_indirect_dma semaphore(%arg12 : memref<!tpu.dma_semaphore, #tpu.memory_space<semaphore_mem>>) src(%dma_wait3A_290 : memref<20000x128xf32, #tpu.memory_space<hbm>>) dst(%arg7 : memref<80x128xf32, #tpu.memory_space<vmem>>)
      %dma_wait3A_291 = arith.constant 0 : i32
      %dma_wait3A_292 = arith.constant 0 : i32
      %dma_wait3A_293 = tpu.memref_slice %arg4[%dma_wait3A_291, %dma_wait3A_292] : memref<10112x128xf32, #tpu.memory_space<hbm>> -> memref<80x128xf32, #tpu.memory_space<hbm>>
      %dma_wait3A_294 = arith.constant 0 : i32
      %dma_wait3A_295 = arith.constant 0 : i32
      %dma_wait3A_296 = tpu.memref_slice %arg4[%dma_wait3A_294, %dma_wait3A_295] : memref<10112x128xf32, #tpu.memory_space<hbm>> -> memref<80x128xf32, #tpu.memory_space<hbm>>
      tpu.wait_dma2 semaphore(%arg13 : memref<!tpu.dma_semaphore, #tpu.memory_space<semaphore_mem>>) src(%dma_wait3A_296 : memref<80x128xf32, #tpu.memory_space<hbm>>) dst(%arg8 : memref<80x128xf32, #tpu.memory_space<vmem>>)
      %add3A_297 = arith.constant 1 : i32
      %add3A_298 = arith.addi %add3A_283, %add3A_297 : i32
      %mul3A_299 = arith.constant 2 : i32
      %mul3A_300 = arith.muli %mul3A_299, %add3A_298 : i32
      %dma_start3A_301 = arith.constant 0 : i32
      %dma_start3A_302 = tpu.memref_slice %arg9[%mul3A_300, %dma_start3A_301] : memref<50x80xi32, #tpu.memory_space<vmem>> -> memref<1x80xi32, #tpu.memory_space<vmem>>
      %dma_start3A_303 = tpu.memref_squeeze %dma_start3A_302 : memref<1x80xi32, #tpu.memory_space<vmem>> -> memref<80xi32, #tpu.memory_space<vmem>>
      %dma_start3A_304 = arith.constant 0 : i32
      %dma_start3A_305 = arith.constant 0 : i32
      %dma_start3A_306 = tpu.memref_slice %arg3[%dma_start3A_304, %dma_start3A_305] : memref<20000x128xf32, #tpu.memory_space<hbm>> -> memref<20000x128xf32, #tpu.memory_space<hbm>>
      tpu.enqueue_indirect_dma source(%dma_start3A_306 : memref<20000x128xf32, #tpu.memory_space<hbm>>) target(%arg8 : memref<80x128xf32, #tpu.memory_space<vmem>>) offsets(%dma_start3A_303 : memref<80xi32, #tpu.memory_space<vmem>>) semaphore(%arg12 : memref<!tpu.dma_semaphore, #tpu.memory_space<semaphore_mem>>)
      %mul3A_307 = arith.constant 2 : i32
      %mul3A_308 = arith.muli %mul3A_307, %add3A_283 : i32
      %add3A_309 = arith.constant 1 : i32
      %add3A_310 = arith.addi %mul3A_308, %add3A_309 : i32
      %dma_start3A_311 = arith.constant 0 : i32
      %dma_start3A_312 = tpu.memref_slice %arg9[%add3A_310, %dma_start3A_311] : memref<50x80xi32, #tpu.memory_space<vmem>> -> memref<1x80xi32, #tpu.memory_space<vmem>>
      %dma_start3A_313 = tpu.memref_squeeze %dma_start3A_312 : memref<1x80xi32, #tpu.memory_space<vmem>> -> memref<80xi32, #tpu.memory_space<vmem>>
      %dma_start3A_314 = arith.constant 0 : i32
      %dma_start3A_315 = arith.constant 0 : i32
      %dma_start3A_316 = tpu.memref_slice %arg6[%dma_start3A_314, %dma_start3A_315] : memref<10112x128xf32, #tpu.memory_space<vmem_shared>> -> memref<10112x128xf32, #tpu.memory_space<vmem_shared>>
      tpu.enqueue_indirect_dma source(%arg7 : memref<80x128xf32, #tpu.memory_space<vmem>>) target(%dma_start3A_316 : memref<10112x128xf32, #tpu.memory_space<vmem_shared>>) offsets(%dma_start3A_313 : memref<80xi32, #tpu.memory_space<vmem>>) semaphore(%arg13 : memref<!tpu.dma_semaphore, #tpu.memory_space<semaphore_mem>>) {add = true}
    }
    %scan3A_181 = arith.constant 12 : i32
    %dma_wait3A_182 = arith.constant 0 : i32
    %dma_wait3A_183 = arith.constant 0 : i32
    %dma_wait3A_184 = tpu.memref_slice %arg9[%dma_wait3A_182, %dma_wait3A_183] : memref<50x80xi32, #tpu.memory_space<vmem>> -> memref<1x80xi32, #tpu.memory_space<vmem>>
    %dma_wait3A_185 = tpu.memref_squeeze %dma_wait3A_184 : memref<1x80xi32, #tpu.memory_space<vmem>> -> memref<80xi32, #tpu.memory_space<vmem>>
    %dma_wait3A_186 = arith.constant 0 : i32
    %dma_wait3A_187 = arith.constant 0 : i32
    %dma_wait3A_188 = tpu.memref_slice %arg3[%dma_wait3A_186, %dma_wait3A_187] : memref<20000x128xf32, #tpu.memory_space<hbm>> -> memref<20000x128xf32, #tpu.memory_space<hbm>>
    tpu.wait_indirect_dma semaphore(%arg12 : memref<!tpu.dma_semaphore, #tpu.memory_space<semaphore_mem>>) src(%dma_wait3A_188 : memref<20000x128xf32, #tpu.memory_space<hbm>>) dst(%arg8 : memref<80x128xf32, #tpu.memory_space<vmem>>)
    %dma_wait3A_189 = arith.constant 0 : i32
    %dma_wait3A_190 = arith.constant 0 : i32
    %dma_wait3A_191 = tpu.memref_slice %arg4[%dma_wait3A_189, %dma_wait3A_190] : memref<10112x128xf32, #tpu.memory_space<hbm>> -> memref<80x128xf32, #tpu.memory_space<hbm>>
    %dma_wait3A_192 = arith.constant 0 : i32
    %dma_wait3A_193 = arith.constant 0 : i32
    %dma_wait3A_194 = tpu.memref_slice %arg4[%dma_wait3A_192, %dma_wait3A_193] : memref<10112x128xf32, #tpu.memory_space<hbm>> -> memref<80x128xf32, #tpu.memory_space<hbm>>
    tpu.wait_dma2 semaphore(%arg13 : memref<!tpu.dma_semaphore, #tpu.memory_space<semaphore_mem>>) src(%dma_wait3A_194 : memref<80x128xf32, #tpu.memory_space<hbm>>) dst(%arg7 : memref<80x128xf32, #tpu.memory_space<vmem>>)
    %dma_wait3A_195 = arith.constant 0 : i32
    %dma_wait3A_196 = arith.constant 0 : i32
    %dma_wait3A_197 = arith.constant 0 : i32
    %dma_wait3A_198 = tpu.memref_slice %arg2[%arg0, %arg1, %dma_wait3A_195, %dma_wait3A_196, %dma_wait3A_197] : memref<2x16x5x50x80xi32, #tpu.memory_space<hbm>> -> memref<1x1x1x50x80xi32, #tpu.memory_space<hbm>>
    %dma_wait3A_199 = tpu.memref_squeeze %dma_wait3A_198 : memref<1x1x1x50x80xi32, #tpu.memory_space<hbm>> -> memref<50x80xi32, #tpu.memory_space<hbm>>
    %dma_wait3A_200 = arith.constant 0 : i32
    %dma_wait3A_201 = arith.constant 0 : i32
    %dma_wait3A_202 = tpu.memref_slice %arg2[%arg0, %arg1, %dma_wait3A_195, %dma_wait3A_200, %dma_wait3A_201] : memref<2x16x5x50x80xi32, #tpu.memory_space<hbm>> -> memref<1x1x1x50x80xi32, #tpu.memory_space<hbm>>
    %dma_wait3A_203 = tpu.memref_squeeze %dma_wait3A_202 : memref<1x1x1x50x80xi32, #tpu.memory_space<hbm>> -> memref<50x80xi32, #tpu.memory_space<hbm>>
    tpu.wait_dma2 semaphore(%arg14 : memref<!tpu.dma_semaphore, #tpu.memory_space<semaphore_mem>>) src(%dma_wait3A_203 : memref<50x80xi32, #tpu.memory_space<hbm>>) dst(%arg10 : memref<50x80xi32, #tpu.memory_space<vmem>>)
    %dma_start3A_204 = arith.constant 0 : i32
    %dma_start3A_205 = arith.constant 0 : i32
    %dma_start3A_206 = tpu.memref_slice %arg10[%dma_start3A_204, %dma_start3A_205] : memref<50x80xi32, #tpu.memory_space<vmem>> -> memref<1x80xi32, #tpu.memory_space<vmem>>
    %dma_start3A_207 = tpu.memref_squeeze %dma_start3A_206 : memref<1x80xi32, #tpu.memory_space<vmem>> -> memref<80xi32, #tpu.memory_space<vmem>>
    %dma_start3A_208 = arith.constant 0 : i32
    %dma_start3A_209 = arith.constant 0 : i32
    %dma_start3A_210 = tpu.memref_slice %arg3[%dma_start3A_208, %dma_start3A_209] : memref<20000x128xf32, #tpu.memory_space<hbm>> -> memref<20000x128xf32, #tpu.memory_space<hbm>>
    tpu.enqueue_indirect_dma source(%dma_start3A_210 : memref<20000x128xf32, #tpu.memory_space<hbm>>) target(%arg7 : memref<80x128xf32, #tpu.memory_space<vmem>>) offsets(%dma_start3A_207 : memref<80xi32, #tpu.memory_space<vmem>>) semaphore(%arg12 : memref<!tpu.dma_semaphore, #tpu.memory_space<semaphore_mem>>)
    %dma_start3A_211 = arith.constant 49 : i32
    %dma_start3A_212 = arith.constant 0 : i32
    %dma_start3A_213 = tpu.memref_slice %arg9[%dma_start3A_211, %dma_start3A_212] : memref<50x80xi32, #tpu.memory_space<vmem>> -> memref<1x80xi32, #tpu.memory_space<vmem>>
    %dma_start3A_214 = tpu.memref_squeeze %dma_start3A_213 : memref<1x80xi32, #tpu.memory_space<vmem>> -> memref<80xi32, #tpu.memory_space<vmem>>
    %dma_start3A_215 = arith.constant 0 : i32
    %dma_start3A_216 = arith.constant 0 : i32
    %dma_start3A_217 = tpu.memref_slice %arg6[%dma_start3A_215, %dma_start3A_216] : memref<10112x128xf32, #tpu.memory_space<vmem_shared>> -> memref<10112x128xf32, #tpu.memory_space<vmem_shared>>
    tpu.enqueue_indirect_dma source(%arg8 : memref<80x128xf32, #tpu.memory_space<vmem>>) target(%dma_start3A_217 : memref<10112x128xf32, #tpu.memory_space<vmem_shared>>) offsets(%dma_start3A_214 : memref<80xi32, #tpu.memory_space<vmem>>) semaphore(%arg13 : memref<!tpu.dma_semaphore, #tpu.memory_space<semaphore_mem>>) {add = true}
    %scan3A_218 = arith.constant 0 : i32
    %scan3A_219 = arith.constant 0 : i32
    %scan3A_220 = arith.constant 12 : i32
    %scan3A_221 = arith.addi %scan3A_219, %scan3A_220 : i32
    %scan3A_222 = arith.constant 1 : i32
    scf.for %scan3A_243 = %scan3A_219 to %scan3A_221 step %scan3A_222  : i32 {
      %mul3A_244 = arith.constant 2 : i32
      %mul3A_245 = arith.muli %mul3A_244, %scan3A_243 : i32
      %add3A = arith.constant 0 : i32
      %add3A_246 = arith.addi %mul3A_245, %add3A : i32
      %dma_wait3A_247 = arith.constant 0 : i32
      %dma_wait3A_248 = arith.constant 0 : i32
      %dma_wait3A_249 = tpu.memref_slice %arg9[%dma_wait3A_247, %dma_wait3A_248] : memref<50x80xi32, #tpu.memory_space<vmem>> -> memref<1x80xi32, #tpu.memory_space<vmem>>
      %dma_wait3A_250 = tpu.memref_squeeze %dma_wait3A_249 : memref<1x80xi32, #tpu.memory_space<vmem>> -> memref<80xi32, #tpu.memory_space<vmem>>
      %dma_wait3A_251 = arith.constant 0 : i32
      %dma_wait3A_252 = arith.constant 0 : i32
      %dma_wait3A_253 = tpu.memref_slice %arg3[%dma_wait3A_251, %dma_wait3A_252] : memref<20000x128xf32, #tpu.memory_space<hbm>> -> memref<20000x128xf32, #tpu.memory_space<hbm>>
      tpu.wait_indirect_dma semaphore(%arg12 : memref<!tpu.dma_semaphore, #tpu.memory_space<semaphore_mem>>) src(%dma_wait3A_253 : memref<20000x128xf32, #tpu.memory_space<hbm>>) dst(%arg7 : memref<80x128xf32, #tpu.memory_space<vmem>>)
      %dma_wait3A_254 = arith.constant 0 : i32
      %dma_wait3A_255 = arith.constant 0 : i32
      %dma_wait3A_256 = tpu.memref_slice %arg4[%dma_wait3A_254, %dma_wait3A_255] : memref<10112x128xf32, #tpu.memory_space<hbm>> -> memref<80x128xf32, #tpu.memory_space<hbm>>
      %dma_wait3A_257 = arith.constant 0 : i32
      %dma_wait3A_258 = arith.constant 0 : i32
      %dma_wait3A_259 = tpu.memref_slice %arg4[%dma_wait3A_257, %dma_wait3A_258] : memref<10112x128xf32, #tpu.memory_space<hbm>> -> memref<80x128xf32, #tpu.memory_space<hbm>>
      tpu.wait_dma2 semaphore(%arg13 : memref<!tpu.dma_semaphore, #tpu.memory_space<semaphore_mem>>) src(%dma_wait3A_259 : memref<80x128xf32, #tpu.memory_space<hbm>>) dst(%arg8 : memref<80x128xf32, #tpu.memory_space<vmem>>)
      %add3A_260 = arith.constant 1 : i32
      %add3A_261 = arith.addi %add3A_246, %add3A_260 : i32
      %mul3A_262 = arith.constant 2 : i32
      %mul3A_263 = arith.muli %mul3A_262, %add3A_261 : i32
      %dma_start3A_264 = arith.constant 0 : i32
      %dma_start3A_265 = tpu.memref_slice %arg10[%mul3A_263, %dma_start3A_264] : memref<50x80xi32, #tpu.memory_space<vmem>> -> memref<1x80xi32, #tpu.memory_space<vmem>>
      %dma_start3A_266 = tpu.memref_squeeze %dma_start3A_265 : memref<1x80xi32, #tpu.memory_space<vmem>> -> memref<80xi32, #tpu.memory_space<vmem>>
      %dma_start3A_267 = arith.constant 0 : i32
      %dma_start3A_268 = arith.constant 0 : i32
      %dma_start3A_269 = tpu.memref_slice %arg3[%dma_start3A_267, %dma_start3A_268] : memref<20000x128xf32, #tpu.memory_space<hbm>> -> memref<20000x128xf32, #tpu.memory_space<hbm>>
      tpu.enqueue_indirect_dma source(%dma_start3A_269 : memref<20000x128xf32, #tpu.memory_space<hbm>>) target(%arg8 : memref<80x128xf32, #tpu.memory_space<vmem>>) offsets(%dma_start3A_266 : memref<80xi32, #tpu.memory_space<vmem>>) semaphore(%arg12 : memref<!tpu.dma_semaphore, #tpu.memory_space<semaphore_mem>>)
      %mul3A_270 = arith.constant 2 : i32
      %mul3A_271 = arith.muli %mul3A_270, %add3A_246 : i32
      %add3A_272 = arith.constant 1 : i32
      %add3A_273 = arith.addi %mul3A_271, %add3A_272 : i32
      %dma_start3A_274 = arith.constant 0 : i32
      %dma_start3A_275 = tpu.memref_slice %arg10[%add3A_273, %dma_start3A_274] : memref<50x80xi32, #tpu.memory_space<vmem>> -> memref<1x80xi32, #tpu.memory_space<vmem>>
      %dma_start3A_276 = tpu.memref_squeeze %dma_start3A_275 : memref<1x80xi32, #tpu.memory_space<vmem>> -> memref<80xi32, #tpu.memory_space<vmem>>
      %dma_start3A_277 = arith.constant 0 : i32
      %dma_start3A_278 = arith.constant 0 : i32
      %dma_start3A_279 = tpu.memref_slice %arg6[%dma_start3A_277, %dma_start3A_278] : memref<10112x128xf32, #tpu.memory_space<vmem_shared>> -> memref<10112x128xf32, #tpu.memory_space<vmem_shared>>
      tpu.enqueue_indirect_dma source(%arg7 : memref<80x128xf32, #tpu.memory_space<vmem>>) target(%dma_start3A_279 : memref<10112x128xf32, #tpu.memory_space<vmem_shared>>) offsets(%dma_start3A_276 : memref<80xi32, #tpu.memory_space<vmem>>) semaphore(%arg13 : memref<!tpu.dma_semaphore, #tpu.memory_space<semaphore_mem>>) {add = true}
      %mul3A_280 = arith.constant 2 : i32
      %mul3A_281 = arith.muli %mul3A_280, %scan3A_243 : i32
      %add3A_282 = arith.constant 1 : i32
      %add3A_283 = arith.addi %mul3A_281, %add3A_282 : i32
      %dma_wait3A_284 = arith.constant 0 : i32
      %dma_wait3A_285 = arith.constant 0 : i32
      %dma_wait3A_286 = tpu.memref_slice %arg9[%dma_wait3A_284, %dma_wait3A_285] : memref<50x80xi32, #tpu.memory_space<vmem>> -> memref<1x80xi32, #tpu.memory_space<vmem>>
      %dma_wait3A_287 = tpu.memref_squeeze %dma_wait3A_286 : memref<1x80xi32, #tpu.memory_space<vmem>> -> memref<80xi32, #tpu.memory_space<vmem>>
      %dma_wait3A_288 = arith.constant 0 : i32
      %dma_wait3A_289 = arith.constant 0 : i32
      %dma_wait3A_290 = tpu.memref_slice %arg3[%dma_wait3A_288, %dma_wait3A_289] : memref<20000x128xf32, #tpu.memory_space<hbm>> -> memref<20000x128xf32, #tpu.memory_space<hbm>>
      tpu.wait_indirect_dma semaphore(%arg12 : memref<!tpu.dma_semaphore, #tpu.memory_space<semaphore_mem>>) src(%dma_wait3A_290 : memref<20000x128xf32, #tpu.memory_space<hbm>>) dst(%arg8 : memref<80x128xf32, #tpu.memory_space<vmem>>)
      %dma_wait3A_291 = arith.constant 0 : i32
      %dma_wait3A_292 = arith.constant 0 : i32
      %dma_wait3A_293 = tpu.memref_slice %arg4[%dma_wait3A_291, %dma_wait3A_292] : memref<10112x128xf32, #tpu.memory_space<hbm>> -> memref<80x128xf32, #tpu.memory_space<hbm>>
      %dma_wait3A_294 = arith.constant 0 : i32
      %dma_wait3A_295 = arith.constant 0 : i32
      %dma_wait3A_296 = tpu.memref_slice %arg4[%dma_wait3A_294, %dma_wait3A_295] : memref<10112x128xf32, #tpu.memory_space<hbm>> -> memref<80x128xf32, #tpu.memory_space<hbm>>
      tpu.wait_dma2 semaphore(%arg13 : memref<!tpu.dma_semaphore, #tpu.memory_space<semaphore_mem>>) src(%dma_wait3A_296 : memref<80x128xf32, #tpu.memory_space<hbm>>) dst(%arg7 : memref<80x128xf32, #tpu.memory_space<vmem>>)
      %add3A_297 = arith.constant 1 : i32
      %add3A_298 = arith.addi %add3A_283, %add3A_297 : i32
      %mul3A_299 = arith.constant 2 : i32
      %mul3A_300 = arith.muli %mul3A_299, %add3A_298 : i32
      %dma_start3A_301 = arith.constant 0 : i32
      %dma_start3A_302 = tpu.memref_slice %arg10[%mul3A_300, %dma_start3A_301] : memref<50x80xi32, #tpu.memory_space<vmem>> -> memref<1x80xi32, #tpu.memory_space<vmem>>
      %dma_start3A_303 = tpu.memref_squeeze %dma_start3A_302 : memref<1x80xi32, #tpu.memory_space<vmem>> -> memref<80xi32, #tpu.memory_space<vmem>>
      %dma_start3A_304 = arith.constant 0 : i32
      %dma_start3A_305 = arith.constant 0 : i32
      %dma_start3A_306 = tpu.memref_slice %arg3[%dma_start3A_304, %dma_start3A_305] : memref<20000x128xf32, #tpu.memory_space<hbm>> -> memref<20000x128xf32, #tpu.memory_space<hbm>>
      tpu.enqueue_indirect_dma source(%dma_start3A_306 : memref<20000x128xf32, #tpu.memory_space<hbm>>) target(%arg7 : memref<80x128xf32, #tpu.memory_space<vmem>>) offsets(%dma_start3A_303 : memref<80xi32, #tpu.memory_space<vmem>>) semaphore(%arg12 : memref<!tpu.dma_semaphore, #tpu.memory_space<semaphore_mem>>)
      %mul3A_307 = arith.constant 2 : i32
      %mul3A_308 = arith.muli %mul3A_307, %add3A_283 : i32
      %add3A_309 = arith.constant 1 : i32
      %add3A_310 = arith.addi %mul3A_308, %add3A_309 : i32
      %dma_start3A_311 = arith.constant 0 : i32
      %dma_start3A_312 = tpu.memref_slice %arg10[%add3A_310, %dma_start3A_311] : memref<50x80xi32, #tpu.memory_space<vmem>> -> memref<1x80xi32, #tpu.memory_space<vmem>>
      %dma_start3A_313 = tpu.memref_squeeze %dma_start3A_312 : memref<1x80xi32, #tpu.memory_space<vmem>> -> memref<80xi32, #tpu.memory_space<vmem>>
      %dma_start3A_314 = arith.constant 0 : i32
      %dma_start3A_315 = arith.constant 0 : i32
      %dma_start3A_316 = tpu.memref_slice %arg6[%dma_start3A_314, %dma_start3A_315] : memref<10112x128xf32, #tpu.memory_space<vmem_shared>> -> memref<10112x128xf32, #tpu.memory_space<vmem_shared>>
      tpu.enqueue_indirect_dma source(%arg8 : memref<80x128xf32, #tpu.memory_space<vmem>>) target(%dma_start3A_316 : memref<10112x128xf32, #tpu.memory_space<vmem_shared>>) offsets(%dma_start3A_313 : memref<80xi32, #tpu.memory_space<vmem>>) semaphore(%arg13 : memref<!tpu.dma_semaphore, #tpu.memory_space<semaphore_mem>>) {add = true}
    }
    %scan3A_223 = arith.constant 12 : i32
    %dma_wait3A_224 = arith.constant 0 : i32
    %dma_wait3A_225 = arith.constant 0 : i32
    %dma_wait3A_226 = tpu.memref_slice %arg9[%dma_wait3A_224, %dma_wait3A_225] : memref<50x80xi32, #tpu.memory_space<vmem>> -> memref<1x80xi32, #tpu.memory_space<vmem>>
    %dma_wait3A_227 = tpu.memref_squeeze %dma_wait3A_226 : memref<1x80xi32, #tpu.memory_space<vmem>> -> memref<80xi32, #tpu.memory_space<vmem>>
    %dma_wait3A_228 = arith.constant 0 : i32
    %dma_wait3A_229 = arith.constant 0 : i32
    %dma_wait3A_230 = tpu.memref_slice %arg3[%dma_wait3A_228, %dma_wait3A_229] : memref<20000x128xf32, #tpu.memory_space<hbm>> -> memref<20000x128xf32, #tpu.memory_space<hbm>>
    tpu.wait_indirect_dma semaphore(%arg12 : memref<!tpu.dma_semaphore, #tpu.memory_space<semaphore_mem>>) src(%dma_wait3A_230 : memref<20000x128xf32, #tpu.memory_space<hbm>>) dst(%arg7 : memref<80x128xf32, #tpu.memory_space<vmem>>)
    %dma_wait3A_231 = arith.constant 0 : i32
    %dma_wait3A_232 = arith.constant 0 : i32
    %dma_wait3A_233 = tpu.memref_slice %arg4[%dma_wait3A_231, %dma_wait3A_232] : memref<10112x128xf32, #tpu.memory_space<hbm>> -> memref<80x128xf32, #tpu.memory_space<hbm>>
    %dma_wait3A_234 = arith.constant 0 : i32
    %dma_wait3A_235 = arith.constant 0 : i32
    %dma_wait3A_236 = tpu.memref_slice %arg4[%dma_wait3A_234, %dma_wait3A_235] : memref<10112x128xf32, #tpu.memory_space<hbm>> -> memref<80x128xf32, #tpu.memory_space<hbm>>
    tpu.wait_dma2 semaphore(%arg13 : memref<!tpu.dma_semaphore, #tpu.memory_space<semaphore_mem>>) src(%dma_wait3A_236 : memref<80x128xf32, #tpu.memory_space<hbm>>) dst(%arg8 : memref<80x128xf32, #tpu.memory_space<vmem>>)
    %run_scoped3A_237 = arith.constant 49 : i32
    "tpu.region"() ({
      %run_scoped3A_243 = tpu.sem_alloc : memref<!tpu.dma_semaphore, #tpu.memory_space<semaphore_mem>>
      %dma_start3A_244 = arith.constant 0 : i32
      %dma_start3A_245 = tpu.memref_slice %arg10[%run_scoped3A_237, %dma_start3A_244] : memref<50x80xi32, #tpu.memory_space<vmem>> -> memref<1x80xi32, #tpu.memory_space<vmem>>
      %dma_start3A_246 = tpu.memref_squeeze %dma_start3A_245 : memref<1x80xi32, #tpu.memory_space<vmem>> -> memref<80xi32, #tpu.memory_space<vmem>>
      %dma_start3A_247 = arith.constant 0 : i32
      %dma_start3A_248 = arith.constant 0 : i32
      %dma_start3A_249 = tpu.memref_slice %arg6[%dma_start3A_247, %dma_start3A_248] : memref<10112x128xf32, #tpu.memory_space<vmem_shared>> -> memref<10112x128xf32, #tpu.memory_space<vmem_shared>>
      tpu.enqueue_indirect_dma source(%arg7 : memref<80x128xf32, #tpu.memory_space<vmem>>) target(%dma_start3A_249 : memref<10112x128xf32, #tpu.memory_space<vmem_shared>>) offsets(%dma_start3A_246 : memref<80xi32, #tpu.memory_space<vmem>>) semaphore(%run_scoped3A_243 : memref<!tpu.dma_semaphore, #tpu.memory_space<semaphore_mem>>) {add = true}
      %dma_wait3A_250 = arith.constant 0 : i32
      %dma_wait3A_251 = tpu.memref_slice %arg10[%run_scoped3A_237, %dma_wait3A_250] : memref<50x80xi32, #tpu.memory_space<vmem>> -> memref<1x80xi32, #tpu.memory_space<vmem>>
      %dma_wait3A_252 = tpu.memref_squeeze %dma_wait3A_251 : memref<1x80xi32, #tpu.memory_space<vmem>> -> memref<80xi32, #tpu.memory_space<vmem>>
      %dma_wait3A_253 = arith.constant 0 : i32
      %dma_wait3A_254 = arith.constant 0 : i32
      %dma_wait3A_255 = tpu.memref_slice %arg6[%dma_wait3A_253, %dma_wait3A_254] : memref<10112x128xf32, #tpu.memory_space<vmem_shared>> -> memref<10112x128xf32, #tpu.memory_space<vmem_shared>>
      tpu.wait_indirect_dma semaphore(%run_scoped3A_243 : memref<!tpu.dma_semaphore, #tpu.memory_space<semaphore_mem>>) src(%arg7 : memref<80x128xf32, #tpu.memory_space<vmem>>) dst(%dma_wait3A_255 : memref<10112x128xf32, #tpu.memory_space<vmem_shared>>)
      tpu.yield
    }) : () -> ()
    %barrier3A_238 = arith.constant 0 : index
    tpu.barrier barrier_id(%barrier3A_238)
    %mul3A_239 = arith.constant 632 : i32
    %mul3A_240 = arith.muli %arg1, %mul3A_239 : i32
    %mul3A_241 = arith.constant 632 : i32
    %mul3A_242 = arith.muli %arg1, %mul3A_241 : i32
    "tpu.region"() ({
      %run_scoped3A_243 = tpu.sem_alloc : memref<!tpu.dma_semaphore, #tpu.memory_space<semaphore_mem>>
      %dma_start3A_244 = arith.constant 0 : i32
      %dma_start3A_245 = tpu.memref_slice %arg5[%arg0, %mul3A_242, %dma_start3A_244] : memref<2x10112x128xf32, #tpu.memory_space<hbm>> -> memref<1x632x128xf32, #tpu.memory_space<hbm>>
      %dma_start3A_246 = tpu.memref_squeeze %dma_start3A_245 : memref<1x632x128xf32, #tpu.memory_space<hbm>> -> memref<632x128xf32, #tpu.memory_space<hbm>>
      %dma_start3A_247 = arith.constant 0 : i32
      %dma_start3A_248 = tpu.memref_slice %arg6[%mul3A_240, %dma_start3A_247] : memref<10112x128xf32, #tpu.memory_space<vmem_shared>> -> memref<632x128xf32, #tpu.memory_space<vmem_shared>>
      tpu.enqueue_dma source(%dma_start3A_248 : memref<632x128xf32, #tpu.memory_space<vmem_shared>>) target(%dma_start3A_246 : memref<632x128xf32, #tpu.memory_space<hbm>>) target_semaphore(%run_scoped3A_243 : memref<!tpu.dma_semaphore, #tpu.memory_space<semaphore_mem>>)
      %dma_wait3A_249 = arith.constant 0 : i32
      %dma_wait3A_250 = tpu.memref_slice %arg5[%arg0, %mul3A_242, %dma_wait3A_249] : memref<2x10112x128xf32, #tpu.memory_space<hbm>> -> memref<1x632x128xf32, #tpu.memory_space<hbm>>
      %dma_wait3A_251 = tpu.memref_squeeze %dma_wait3A_250 : memref<1x632x128xf32, #tpu.memory_space<hbm>> -> memref<632x128xf32, #tpu.memory_space<hbm>>
      %dma_wait3A_252 = arith.constant 0 : i32
      %dma_wait3A_253 = tpu.memref_slice %arg6[%mul3A_240, %dma_wait3A_252] : memref<10112x128xf32, #tpu.memory_space<vmem_shared>> -> memref<632x128xf32, #tpu.memory_space<vmem_shared>>
      tpu.wait_dma2 semaphore(%run_scoped3A_243 : memref<!tpu.dma_semaphore, #tpu.memory_space<semaphore_mem>>) src(%dma_wait3A_253 : memref<632x128xf32, #tpu.memory_space<vmem_shared>>) dst(%dma_wait3A_251 : memref<632x128xf32, #tpu.memory_space<hbm>>)
      tpu.yield
    }) : () -> ()
    return
  }
}

module attributes {stable_mosaic.version = 14 : i64} {
  func.func @_tc_a1_body(%arg0: i32, %arg1: memref<2000x256xf32, #tpu.memory_space<vmem>>, %arg2: memref<256x256xf32, #tpu.memory_space<vmem>>, %arg3: memref<2000x256xf32, #tpu.memory_space<vmem>>) attributes {dimension_semantics = [#tpu.dimension_semantics<arbitrary>], iteration_bounds = array<i64: 5>, scalar_prefetch = 0 : i64, scratch_operands = 0 : i64, tpu.core_type = #tpu.core_type<tc>, window_params = [{transform_indices = @transform_0, window_bounds = array<i64: 2000, 256>}, {pipeline_mode = #tpu.pipeline_mode<synchronous>, transform_indices = @transform_1, window_bounds = array<i64: 256, 256>}, {transform_indices = @transform_2, window_bounds = array<i64: 2000, 256>}]} {
    %get3A = arith.constant 0 : index
    %get3A_0 = arith.constant 0 : index
    %get3A_1 = vector.load %arg1[%get3A, %get3A_0] : memref<2000x256xf32, #tpu.memory_space<vmem>>, vector<2000x256xf32>
    %get3A_2 = arith.constant 0 : index
    %get3A_3 = arith.constant 0 : index
    %get3A_4 = vector.load %arg2[%get3A_2, %get3A_3] : memref<256x256xf32, #tpu.memory_space<vmem>>, vector<256x256xf32>
    %dot_general3A = arith.constant dense<0.000000e+00> : vector<2000x256xf32>
    %dot_general3A_5 = tpu.matmul %get3A_1, %get3A_4, %dot_general3A {dimension_numbers = #tpu.dot_dimension_numbers<[1], [0], [0], [1], [0, 0, 1, 1], [], []>, transpose_lhs_hint = false} : vector<2000x256xf32>, vector<256x256xf32>, vector<2000x256xf32> -> vector<2000x256xf32>
    %swap3A = arith.constant 0 : index
    %swap3A_6 = arith.constant 0 : index
    %swap3A_7 = vector.load %arg3[%swap3A, %swap3A_6] : memref<2000x256xf32, #tpu.memory_space<vmem>>, vector<2000x256xf32>
    tpu.vector_store %arg3[%swap3A, %swap3A_6], %dot_general3A_5 {strides = array<i32>} : memref<2000x256xf32, #tpu.memory_space<vmem>>, vector<2000x256xf32>,
    return
  }
  func.func @transform_0(%arg0: i32) -> (i32, i32) {
    %c0_i32 = arith.constant 0 : i32
    %c0_i32_0 = arith.constant 0 : i32
    return %arg0, %c0_i32 : i32, i32
  }
  func.func @transform_1(%arg0: i32) -> (i32, i32) {
    %c0_i32 = arith.constant 0 : i32
    %c0_i32_0 = arith.constant 0 : i32
    %c0_i32_1 = arith.constant 0 : i32
    return %c0_i32, %c0_i32_0 : i32, i32
  }
  func.func @transform_2(%arg0: i32) -> (i32, i32) {
    %c0_i32 = arith.constant 0 : i32
    %c0_i32_0 = arith.constant 0 : i32
    return %arg0, %c0_i32 : i32, i32
  }
}

module attributes {stable_mosaic.version = 14 : i64} {
  func.func @_tc_a2_body(%arg0: i32, %arg1: memref<2x2000x128xf32, #tpu.memory_space<vmem>>, %arg2: memref<2000x256xf32, #tpu.memory_space<vmem>>, %arg3: memref<2x2000x128xf32, #tpu.memory_space<vmem>>, %arg4: memref<2000x16xf32, #tpu.memory_space<vmem>>) attributes {dimension_semantics = [#tpu.dimension_semantics<arbitrary>], iteration_bounds = array<i64: 5>, scalar_prefetch = 0 : i64, scratch_operands = 0 : i64, tpu.core_type = #tpu.core_type<tc>, window_params = [{transform_indices = @transform_0, window_bounds = array<i64: 2, 2000, 128>}, {transform_indices = @transform_1, window_bounds = array<i64: 2000, 256>}, {transform_indices = @transform_2, window_bounds = array<i64: 2, 2000, 128>}, {transform_indices = @transform_3, window_bounds = array<i64: 2000, 16>}]} {
    %get3A = arith.constant 0 : index
    %get3A_0 = arith.constant 0 : index
    %get3A_1 = arith.constant 0 : index
    %get3A_2 = vector.load %arg1[%get3A, %get3A_0, %get3A_1] : memref<2x2000x128xf32, #tpu.memory_space<vmem>>, vector<1x2000x16xf32>
    %get3A_3 = vector.shape_cast %get3A_2 : vector<1x2000x16xf32> to vector<2000x16xf32>
    %get3A_4 = arith.constant 1 : index
    %get3A_5 = arith.constant 0 : index
    %get3A_6 = arith.constant 0 : index
    %get3A_7 = vector.load %arg1[%get3A_4, %get3A_5, %get3A_6] : memref<2x2000x128xf32, #tpu.memory_space<vmem>>, vector<1x2000x16xf32>
    %get3A_8 = vector.shape_cast %get3A_7 : vector<1x2000x16xf32> to vector<2000x16xf32>
    %add3A = arith.addf %get3A_3, %get3A_8 : vector<2000x16xf32>
    %add3A_9 = arith.constant 1.000000e+00 : f32
    %add3A_10 = vector.broadcast %add3A_9 : f32 to vector<2000x16xf32>
    %add3A_11 = arith.addf %add3A, %add3A_10 : vector<2000x16xf32>
    %rsqrt3A = math.rsqrt %add3A_11 : vector<2000x16xf32>
    %get3A_12 = arith.constant 0 : index
    %get3A_13 = arith.constant 0 : index
    %get3A_14 = vector.load %arg2[%get3A_12, %get3A_13] : memref<2000x256xf32, #tpu.memory_space<vmem>>, vector<2000x256xf32>
    %slice3A = vector.extract_strided_slice %rsqrt3A {offsets = [0, 0], sizes = [2000, 1], strides = [1, 1]} : vector<2000x16xf32> to vector<2000x1xf32>
    %mul3A = vector.broadcast %slice3A : vector<2000x1xf32> to vector<2000x256xf32>
    %mul3A_15 = arith.mulf %get3A_14, %mul3A : vector<2000x256xf32>
    %slice3A_16 = vector.extract_strided_slice %mul3A_15 {offsets = [0, 0], sizes = [2000, 128], strides = [1, 1]} : vector<2000x256xf32> to vector<2000x128xf32>
    %broadcast_in_dim3A = vector.shape_cast %slice3A_16 : vector<2000x128xf32> to vector<1x2000x128xf32>
    %slice3A_17 = vector.extract_strided_slice %mul3A_15 {offsets = [0, 128], sizes = [2000, 128], strides = [1, 1]} : vector<2000x256xf32> to vector<2000x128xf32>
    %broadcast_in_dim3A_18 = vector.shape_cast %slice3A_17 : vector<2000x128xf32> to vector<1x2000x128xf32>
    %concatenate3A = tpu.concatenate %broadcast_in_dim3A, %broadcast_in_dim3A_18 in 0 : vector<1x2000x128xf32>, vector<1x2000x128xf32> -> vector<2x2000x128xf32>
    %swap3A = arith.constant 0 : index
    %swap3A_19 = arith.constant 0 : index
    %swap3A_20 = arith.constant 0 : index
    %swap3A_21 = vector.load %arg3[%swap3A, %swap3A_19, %swap3A_20] : memref<2x2000x128xf32, #tpu.memory_space<vmem>>, vector<2x2000x128xf32>
    tpu.vector_store %arg3[%swap3A, %swap3A_19, %swap3A_20], %concatenate3A {strides = array<i32>} : memref<2x2000x128xf32, #tpu.memory_space<vmem>>, vector<2x2000x128xf32>,
    %swap3A_22 = arith.constant 0 : index
    %swap3A_23 = arith.constant 0 : index
    %swap3A_24 = vector.load %arg4[%swap3A_22, %swap3A_23] : memref<2000x16xf32, #tpu.memory_space<vmem>>, vector<2000x16xf32>
    tpu.vector_store %arg4[%swap3A_22, %swap3A_23], %rsqrt3A {strides = array<i32>} : memref<2000x16xf32, #tpu.memory_space<vmem>>, vector<2000x16xf32>,
    return
  }
  func.func @transform_0(%arg0: i32) -> (i32, i32, i32) {
    %c0_i32 = arith.constant 0 : i32
    %c0_i32_0 = arith.constant 0 : i32
    %c0_i32_1 = arith.constant 0 : i32
    return %c0_i32, %arg0, %c0_i32_0 : i32, i32, i32
  }
  func.func @transform_1(%arg0: i32) -> (i32, i32) {
    %c0_i32 = arith.constant 0 : i32
    %c0_i32_0 = arith.constant 0 : i32
    return %arg0, %c0_i32 : i32, i32
  }
  func.func @transform_2(%arg0: i32) -> (i32, i32, i32) {
    %c0_i32 = arith.constant 0 : i32
    %c0_i32_0 = arith.constant 0 : i32
    %c0_i32_1 = arith.constant 0 : i32
    return %c0_i32, %arg0, %c0_i32_0 : i32, i32, i32
  }
  func.func @transform_3(%arg0: i32) -> (i32, i32) {
    %c0_i32 = arith.constant 0 : i32
    %c0_i32_0 = arith.constant 0 : i32
    return %arg0, %c0_i32 : i32, i32
  }
}

module attributes {stable_mosaic.version = 14 : i64} {
  func.func @_tc_b_body(%arg0: i32, %arg1: memref<2000x128xf32, #tpu.memory_space<vmem>>, %arg2: memref<2000x128xf32, #tpu.memory_space<vmem>>, %arg3: memref<2000x256xf32, #tpu.memory_space<vmem>>, %arg4: memref<2000x16xf32, #tpu.memory_space<vmem>>, %arg5: memref<1x256xf32, #tpu.memory_space<vmem>>, %arg6: memref<256x256xf32, #tpu.memory_space<vmem>>, %arg7: memref<2000x256xf32, #tpu.memory_space<vmem>>, %arg8: memref<2x2000x128xf32, #tpu.memory_space<vmem>>) attributes {dimension_semantics = [#tpu.dimension_semantics<arbitrary>], iteration_bounds = array<i64: 5>, scalar_prefetch = 0 : i64, scratch_operands = 0 : i64, tpu.core_type = #tpu.core_type<tc>, window_params = [{transform_indices = @transform_0, window_bounds = array<i64: 2000, 128>}, {transform_indices = @transform_1, window_bounds = array<i64: 2000, 128>}, {transform_indices = @transform_2, window_bounds = array<i64: 2000, 256>}, {transform_indices = @transform_3, window_bounds = array<i64: 2000, 16>}, {pipeline_mode = #tpu.pipeline_mode<synchronous>, transform_indices = @transform_4, window_bounds = array<i64: 1, 256>}, {pipeline_mode = #tpu.pipeline_mode<synchronous>, transform_indices = @transform_5, window_bounds = array<i64: 256, 256>}, {transform_indices = @transform_6, window_bounds = array<i64: 2000, 256>}, {transform_indices = @transform_7, window_bounds = array<i64: 2, 2000, 128>}]} {
    %get3A = arith.constant 0 : index
    %get3A_0 = arith.constant 0 : index
    %get3A_1 = vector.load %arg4[%get3A, %get3A_0] : memref<2000x16xf32, #tpu.memory_space<vmem>>, vector<2000x1xf32>
    %get3A_2 = arith.constant 0 : index
    %get3A_3 = arith.constant 0 : index
    %get3A_4 = vector.load %arg1[%get3A_2, %get3A_3] : memref<2000x128xf32, #tpu.memory_space<vmem>>, vector<2000x128xf32>
    %get3A_5 = arith.constant 0 : index
    %get3A_6 = arith.constant 0 : index
    %get3A_7 = vector.load %arg2[%get3A_5, %get3A_6] : memref<2000x128xf32, #tpu.memory_space<vmem>>, vector<2000x128xf32>
    %concatenate3A = tpu.concatenate %get3A_4, %get3A_7 in 1 : vector<2000x128xf32>, vector<2000x128xf32> -> vector<2000x256xf32>
    %mul3A = vector.broadcast %get3A_1 : vector<2000x1xf32> to vector<2000x256xf32>
    %mul3A_8 = arith.mulf %mul3A, %concatenate3A : vector<2000x256xf32>
    %mul3A_9 = arith.mulf %get3A_1, %get3A_1 : vector<2000x1xf32>
    %get3A_10 = arith.constant 0 : index
    %get3A_11 = arith.constant 0 : index
    %get3A_12 = vector.load %arg3[%get3A_10, %get3A_11] : memref<2000x256xf32, #tpu.memory_space<vmem>>, vector<2000x256xf32>
    %mul3A_13 = vector.broadcast %mul3A_9 : vector<2000x1xf32> to vector<2000x256xf32>
    %mul3A_14 = arith.mulf %mul3A_13, %get3A_12 : vector<2000x256xf32>
    %add3A = arith.addf %mul3A_8, %mul3A_14 : vector<2000x256xf32>
    %get3A_15 = arith.constant 0 : index
    %get3A_16 = arith.constant 0 : index
    %get3A_17 = vector.load %arg5[%get3A_15, %get3A_16] : memref<1x256xf32, #tpu.memory_space<vmem>>, vector<1x256xf32>
    %add3A_18 = vector.broadcast %get3A_17 : vector<1x256xf32> to vector<2000x256xf32>
    %add3A_19 = arith.addf %add3A, %add3A_18 : vector<2000x256xf32>
    %max3A = arith.constant 0.000000e+00 : f32
    %max3A_20 = vector.broadcast %max3A : f32 to vector<2000x256xf32>
    %max3A_21 = arith.maximumf %add3A_19, %max3A_20 : vector<2000x256xf32>
    %get3A_22 = arith.constant 0 : index
    %get3A_23 = arith.constant 0 : index
    %get3A_24 = vector.load %arg6[%get3A_22, %get3A_23] : memref<256x256xf32, #tpu.memory_space<vmem>>, vector<256x256xf32>
    %dot_general3A = arith.constant dense<0.000000e+00> : vector<2000x256xf32>
    %dot_general3A_25 = tpu.matmul %max3A_21, %get3A_24, %dot_general3A {dimension_numbers = #tpu.dot_dimension_numbers<[1], [0], [0], [1], [0, 0, 1, 1], [], []>, transpose_lhs_hint = false} : vector<2000x256xf32>, vector<256x256xf32>, vector<2000x256xf32> -> vector<2000x256xf32>
    %mul3A_26 = vector.broadcast %get3A_1 : vector<2000x1xf32> to vector<2000x256xf32>
    %mul3A_27 = arith.mulf %dot_general3A_25, %mul3A_26 : vector<2000x256xf32>
    %swap3A = arith.constant 0 : index
    %swap3A_28 = arith.constant 0 : index
    %swap3A_29 = vector.load %arg7[%swap3A, %swap3A_28] : memref<2000x256xf32, #tpu.memory_space<vmem>>, vector<2000x256xf32>
    tpu.vector_store %arg7[%swap3A, %swap3A_28], %dot_general3A_25 {strides = array<i32>} : memref<2000x256xf32, #tpu.memory_space<vmem>>, vector<2000x256xf32>,
    %slice3A = vector.extract_strided_slice %mul3A_27 {offsets = [0, 0], sizes = [2000, 128], strides = [1, 1]} : vector<2000x256xf32> to vector<2000x128xf32>
    %broadcast_in_dim3A = vector.shape_cast %slice3A : vector<2000x128xf32> to vector<1x2000x128xf32>
    %slice3A_30 = vector.extract_strided_slice %mul3A_27 {offsets = [0, 128], sizes = [2000, 128], strides = [1, 1]} : vector<2000x256xf32> to vector<2000x128xf32>
    %broadcast_in_dim3A_31 = vector.shape_cast %slice3A_30 : vector<2000x128xf32> to vector<1x2000x128xf32>
    %concatenate3A_32 = tpu.concatenate %broadcast_in_dim3A, %broadcast_in_dim3A_31 in 0 : vector<1x2000x128xf32>, vector<1x2000x128xf32> -> vector<2x2000x128xf32>
    %swap3A_33 = arith.constant 0 : index
    %swap3A_34 = arith.constant 0 : index
    %swap3A_35 = arith.constant 0 : index
    %swap3A_36 = vector.load %arg8[%swap3A_33, %swap3A_34, %swap3A_35] : memref<2x2000x128xf32, #tpu.memory_space<vmem>>, vector<2x2000x128xf32>
    tpu.vector_store %arg8[%swap3A_33, %swap3A_34, %swap3A_35], %concatenate3A_32 {strides = array<i32>} : memref<2x2000x128xf32, #tpu.memory_space<vmem>>, vector<2x2000x128xf32>,
    return
  }
  func.func @transform_0(%arg0: i32) -> (i32, i32) {
    %c0_i32 = arith.constant 0 : i32
    %c0_i32_0 = arith.constant 0 : i32
    return %arg0, %c0_i32 : i32, i32
  }
  func.func @transform_1(%arg0: i32) -> (i32, i32) {
    %c0_i32 = arith.constant 0 : i32
    %c0_i32_0 = arith.constant 0 : i32
    return %arg0, %c0_i32 : i32, i32
  }
  func.func @transform_2(%arg0: i32) -> (i32, i32) {
    %c0_i32 = arith.constant 0 : i32
    %c0_i32_0 = arith.constant 0 : i32
    return %arg0, %c0_i32 : i32, i32
  }
  func.func @transform_3(%arg0: i32) -> (i32, i32) {
    %c0_i32 = arith.constant 0 : i32
    %c0_i32_0 = arith.constant 0 : i32
    return %arg0, %c0_i32 : i32, i32
  }
  func.func @transform_4(%arg0: i32) -> (i32, i32) {
    %c0_i32 = arith.constant 0 : i32
    %c0_i32_0 = arith.constant 0 : i32
    %c0_i32_1 = arith.constant 0 : i32
    return %c0_i32, %c0_i32_0 : i32, i32
  }
  func.func @transform_5(%arg0: i32) -> (i32, i32) {
    %c0_i32 = arith.constant 0 : i32
    %c0_i32_0 = arith.constant 0 : i32
    %c0_i32_1 = arith.constant 0 : i32
    return %c0_i32, %c0_i32_0 : i32, i32
  }
  func.func @transform_6(%arg0: i32) -> (i32, i32) {
    %c0_i32 = arith.constant 0 : i32
    %c0_i32_0 = arith.constant 0 : i32
    return %arg0, %c0_i32 : i32, i32
  }
  func.func @transform_7(%arg0: i32) -> (i32, i32, i32) {
    %c0_i32 = arith.constant 0 : i32
    %c0_i32_0 = arith.constant 0 : i32
    %c0_i32_1 = arith.constant 0 : i32
    return %c0_i32, %arg0, %c0_i32_0 : i32, i32, i32
  }
}

module attributes {stable_mosaic.version = 14 : i64} {
  func.func @_tc_c_body(%arg0: i32, %arg1: memref<2000x128xf32, #tpu.memory_space<vmem>>, %arg2: memref<2000x128xf32, #tpu.memory_space<vmem>>, %arg3: memref<2000x256xf32, #tpu.memory_space<vmem>>, %arg4: memref<2000x16xf32, #tpu.memory_space<vmem>>, %arg5: memref<1x256xf32, #tpu.memory_space<vmem>>, %arg6: memref<256x64xf32, #tpu.memory_space<vmem>>, %arg7: memref<1x64xf32, #tpu.memory_space<vmem>>, %arg8: memref<2000x64xf32, #tpu.memory_space<vmem>>) attributes {dimension_semantics = [#tpu.dimension_semantics<arbitrary>], iteration_bounds = array<i64: 5>, scalar_prefetch = 0 : i64, scratch_operands = 0 : i64, tpu.core_type = #tpu.core_type<tc>, window_params = [{transform_indices = @transform_0, window_bounds = array<i64: 2000, 128>}, {transform_indices = @transform_1, window_bounds = array<i64: 2000, 128>}, {transform_indices = @transform_2, window_bounds = array<i64: 2000, 256>}, {transform_indices = @transform_3, window_bounds = array<i64: 2000, 16>}, {pipeline_mode = #tpu.pipeline_mode<synchronous>, transform_indices = @transform_4, window_bounds = array<i64: 1, 256>}, {pipeline_mode = #tpu.pipeline_mode<synchronous>, transform_indices = @transform_5, window_bounds = array<i64: 256, 64>}, {pipeline_mode = #tpu.pipeline_mode<synchronous>, transform_indices = @transform_6, window_bounds = array<i64: 1, 64>}, {transform_indices = @transform_7, window_bounds = array<i64: 2000, 64>}]} {
    %get3A = arith.constant 0 : index
    %get3A_0 = arith.constant 0 : index
    %get3A_1 = vector.load %arg4[%get3A, %get3A_0] : memref<2000x16xf32, #tpu.memory_space<vmem>>, vector<2000x1xf32>
    %get3A_2 = arith.constant 0 : index
    %get3A_3 = arith.constant 0 : index
    %get3A_4 = vector.load %arg1[%get3A_2, %get3A_3] : memref<2000x128xf32, #tpu.memory_space<vmem>>, vector<2000x128xf32>
    %get3A_5 = arith.constant 0 : index
    %get3A_6 = arith.constant 0 : index
    %get3A_7 = vector.load %arg2[%get3A_5, %get3A_6] : memref<2000x128xf32, #tpu.memory_space<vmem>>, vector<2000x128xf32>
    %concatenate3A = tpu.concatenate %get3A_4, %get3A_7 in 1 : vector<2000x128xf32>, vector<2000x128xf32> -> vector<2000x256xf32>
    %mul3A = vector.broadcast %get3A_1 : vector<2000x1xf32> to vector<2000x256xf32>
    %mul3A_8 = arith.mulf %mul3A, %concatenate3A : vector<2000x256xf32>
    %mul3A_9 = arith.mulf %get3A_1, %get3A_1 : vector<2000x1xf32>
    %get3A_10 = arith.constant 0 : index
    %get3A_11 = arith.constant 0 : index
    %get3A_12 = vector.load %arg3[%get3A_10, %get3A_11] : memref<2000x256xf32, #tpu.memory_space<vmem>>, vector<2000x256xf32>
    %mul3A_13 = vector.broadcast %mul3A_9 : vector<2000x1xf32> to vector<2000x256xf32>
    %mul3A_14 = arith.mulf %mul3A_13, %get3A_12 : vector<2000x256xf32>
    %add3A = arith.addf %mul3A_8, %mul3A_14 : vector<2000x256xf32>
    %get3A_15 = arith.constant 0 : index
    %get3A_16 = arith.constant 0 : index
    %get3A_17 = vector.load %arg5[%get3A_15, %get3A_16] : memref<1x256xf32, #tpu.memory_space<vmem>>, vector<1x256xf32>
    %add3A_18 = vector.broadcast %get3A_17 : vector<1x256xf32> to vector<2000x256xf32>
    %add3A_19 = arith.addf %add3A, %add3A_18 : vector<2000x256xf32>
    %get3A_20 = arith.constant 0 : index
    %get3A_21 = arith.constant 0 : index
    %get3A_22 = vector.load %arg6[%get3A_20, %get3A_21] : memref<256x64xf32, #tpu.memory_space<vmem>>, vector<256x64xf32>
    %dot_general3A = arith.constant dense<0.000000e+00> : vector<2000x64xf32>
    %dot_general3A_23 = tpu.matmul %add3A_19, %get3A_22, %dot_general3A {dimension_numbers = #tpu.dot_dimension_numbers<[1], [0], [0], [1], [0, 0, 1, 1], [], []>, transpose_lhs_hint = false} : vector<2000x256xf32>, vector<256x64xf32>, vector<2000x64xf32> -> vector<2000x64xf32>
    %get3A_24 = arith.constant 0 : index
    %get3A_25 = arith.constant 0 : index
    %get3A_26 = vector.load %arg7[%get3A_24, %get3A_25] : memref<1x64xf32, #tpu.memory_space<vmem>>, vector<1x64xf32>
    %add3A_27 = vector.broadcast %get3A_26 : vector<1x64xf32> to vector<2000x64xf32>
    %add3A_28 = arith.addf %dot_general3A_23, %add3A_27 : vector<2000x64xf32>
    %reduce_max3A = arith.constant dense<0xFF800000> : vector<2000xf32>
    %reduce_max3A_29 = vector.multi_reduction <maximumf>, %add3A_28, %reduce_max3A [1] : vector<2000x64xf32> to vector<2000xf32>
    %broadcast_in_dim3A = vector.shape_cast %reduce_max3A_29 : vector<2000xf32> to vector<2000x1xf32>
    %sub3A = vector.broadcast %broadcast_in_dim3A : vector<2000x1xf32> to vector<2000x64xf32>
    %sub3A_30 = arith.subf %add3A_28, %sub3A : vector<2000x64xf32>
    %exp3A = math.exp %sub3A_30 : vector<2000x64xf32>
    %reduce_sum3A = arith.constant dense<0.000000e+00> : vector<2000xf32>
    %reduce_sum3A_31 = vector.multi_reduction <add>, %exp3A, %reduce_sum3A [1] : vector<2000x64xf32> to vector<2000xf32>
    %broadcast_in_dim3A_32 = vector.shape_cast %reduce_sum3A_31 : vector<2000xf32> to vector<2000x1xf32>
    %log3A = math.log %broadcast_in_dim3A_32 : vector<2000x1xf32>
    %sub3A_33 = vector.broadcast %log3A : vector<2000x1xf32> to vector<2000x64xf32>
    %sub3A_34 = arith.subf %sub3A_30, %sub3A_33 : vector<2000x64xf32>
    %swap3A = arith.constant 0 : index
    %swap3A_35 = arith.constant 0 : index
    %swap3A_36 = vector.load %arg8[%swap3A, %swap3A_35] : memref<2000x64xf32, #tpu.memory_space<vmem>>, vector<2000x64xf32>
    tpu.vector_store %arg8[%swap3A, %swap3A_35], %sub3A_34 {strides = array<i32>} : memref<2000x64xf32, #tpu.memory_space<vmem>>, vector<2000x64xf32>,
    return
  }
  func.func @transform_0(%arg0: i32) -> (i32, i32) {
    %c0_i32 = arith.constant 0 : i32
    %c0_i32_0 = arith.constant 0 : i32
    return %arg0, %c0_i32 : i32, i32
  }
  func.func @transform_1(%arg0: i32) -> (i32, i32) {
    %c0_i32 = arith.constant 0 : i32
    %c0_i32_0 = arith.constant 0 : i32
    return %arg0, %c0_i32 : i32, i32
  }
  func.func @transform_2(%arg0: i32) -> (i32, i32) {
    %c0_i32 = arith.constant 0 : i32
    %c0_i32_0 = arith.constant 0 : i32
    return %arg0, %c0_i32 : i32, i32
  }
  func.func @transform_3(%arg0: i32) -> (i32, i32) {
    %c0_i32 = arith.constant 0 : i32
    %c0_i32_0 = arith.constant 0 : i32
    return %arg0, %c0_i32 : i32, i32
  }
  func.func @transform_4(%arg0: i32) -> (i32, i32) {
    %c0_i32 = arith.constant 0 : i32
    %c0_i32_0 = arith.constant 0 : i32
    %c0_i32_1 = arith.constant 0 : i32
    return %c0_i32, %c0_i32_0 : i32, i32
  }
  func.func @transform_5(%arg0: i32) -> (i32, i32) {
    %c0_i32 = arith.constant 0 : i32
    %c0_i32_0 = arith.constant 0 : i32
    %c0_i32_1 = arith.constant 0 : i32
    return %c0_i32, %c0_i32_0 : i32, i32
  }
  func.func @transform_6(%arg0: i32) -> (i32, i32) {
    %c0_i32 = arith.constant 0 : i32
    %c0_i32_0 = arith.constant 0 : i32
    %c0_i32_1 = arith.constant 0 : i32
    return %c0_i32, %c0_i32_0 : i32, i32
  }
  func.func @transform_7(%arg0: i32) -> (i32, i32) {
    %c0_i32 = arith.constant 0 : i32
    %c0_i32_0 = arith.constant 0 : i32
    return %arg0, %c0_i32 : i32, i32
  }
}

</mosaic_0001>

<sc_bundles>
// kernel: kernel.12.cloned.1.call-start
scs
__scs_entry_jumppad:
0x0: {  	(pc) =	sbr.rel $0x88, $3  }
0x1: {  	(tag) =	ssettag $0x0;
	lr =	simm.s32 $0x1  }
0x2: {  	[smem:$0x3F99] =	sst lr;
	_ =	strace $0xD0000000  }
0x3: {  	_ = 	snop  }
0x4: {  	_ = 	snop  }
0x5: {  	_ = 	snop  }
0x6: {  	_ = 	snop  }
0x7: {  	_ = 	snop  }
__scs_overlays_trampoline_lowered:
0x8: {  	[smem:$0x3FA8] =	sst s0  }
0x9: {  	[smem:$0x3FA9] =	sst s1  }
0xa: {  	[smem:$0x3FAA] =	sst s2  }
0xb: {  	[smem:$0x3FAB] =	sst s3  }
0xc: {  	[smem:$0x3FAC] =	sst s4  }
0xd: {  	[smem:$0x3FAD] =	sst s5  }
0xe: {  	[smem:$0x3FAE] =	sst s6  }
0xf: {  	[smem:$0x3FAF] =	sst s7  }
0x10: {  	[smem:$0x3FB0] =	sst s8  }
0x11: {  	[smem:$0x3FB1] =	sst s9;
	s0 =	simm.s32 @!p0 $0x0  }
0x12: {  	s1 =	sld [smem:$0x3F97];
	s0 =	simm.s32 @p0 $0x1  }
0x13: {  	[smem:$0x3FB2] =	sst s0;
	s0 =	simm.s32 @!p1 $0x0  }
0x14: {  	s2 =	sld [smem:$0x3F96];
	s0 =	simm.s32 @p1 $0x1  }
0x15: {  	[smem:$0x3FB3] =	sst s0;
	s0 =	simm.s32 @!p2 $0x0  }
0x16: {  	s3 =	sld [smem:$0x3FDB];
	s0 =	simm.s32 @p2 $0x1  }
0x17: {  	s4 =	simm.s32 $0x1BF5;
	[smem:$0x3FB5] =	sst s0  }
0x18: {  	s0 =	sld [smem:$0x3F98];
	_ =	swait.ge [sflag:s4], $0x0  }
0x19: {  	s7 =	sld [smem:$0x3F99]  }
0x1a: {  	s8 =	sadd.s32 $0xFFFFE003, lr  }
0x1b: {  	s9 =	sadd.s32 $0xFFFFFEF7, lr;
	s5 =	simm.s32 $0xFFFFFFFF;
	p2 =	slt.u32 s8, $0xFFFFF086  }
0x1c: {  	p1 =	slt.u32 s9, $0xF7A;
	s5 =	simm.s32 @!p2 $0x0  }
0x1d: {  	s5 =	simm.s32 @p1 $0x1;
	p0 =	seq.s32 s7, s2  }
0x1e: {  	s7 =	smul.u32 @!p0 $0xF7A, s2;
	p2 =	seq.s32 @!p0 s5, $0x0  }
0x1f: {  	s9 =	smul.u32 $0xF7A, s1;
	s8 =	simm.s32 @!p0 $0x1BF5;
	p2 =	por !p2, p0  }
0x20: {  	[sflag:s8] =	ssyncset.s32 @!p0 $0xFFFFF086;
	s6 =	sadd.s32 @!p0 s3, s7;
	s7 =	simm.s32 @!p0 $0x108  }
0x21: {  	s3 =	sadd.s32 s3, s9;
	s6 =	sadd.s32 @!p0 $0x88, s6;
	s7 =	simm.s32 @p2 $0x1082  }
0x22: {  	[simem:s7], [sflag:s8] =	dma.local @!p0 [hbm:s6], $0xF7A  }
0x23: {  	s9 =	sor.u32 $0xD0000000, s2;
	s6 =	simm.s32 $0x108;
	_ =	swait.ge @!p0 [sflag:s8], $0x0  }
0x24: {  	s3 =	sadd.s32 $0x88, s3;
	s6 =	simm.s32 @!p1 $0x1082;
	[sflag:s4] =	ssyncset.s32 $0xFFFFF086  }
0x25: {  	[simem:s6], [sflag:s4] =	dma.local [hbm:s3], $0xF7A  }
0x26: {  	[smem:$0x3F99] =	sst s1;
	(tag) =	ssettag s2;
	_ =	strace s9  }
0x27: {  	s1 =	sld [smem:$0x3FA9]  }
0x28: {  	s2 =	sld [smem:$0x3FAA]  }
0x29: {  	s4 =	sld [smem:$0x3FAC]  }
0x2a: {  	p0 =	seq.s32 s5, $0x0;
	s5 =	sld [smem:$0x3FAD]  }
0x2b: {  	s6 =	sld [smem:$0x3FAE]  }
0x2c: {  	s7 =	sld [smem:$0x3FAF]  }
0x2d: {  	s3 =	simm.s32 $0x108;
	s8 =	sld [smem:$0x3FB0]  }
0x2e: {  	s3 =	simm.s32 @!p0 $0x1082;
	s9 =	sld [smem:$0x3FB1]  }
0x2f: {  	lr =	sadd.s32 s0, s3;
	s0 =	sld [smem:$0x3FA8]  }
0x30: {  	s3 =	sld [smem:$0x3FAB]  }
0x31: {  	[smem:$0x3FB4] =	sst s10  }
0x32: {  	s10 =	sld [smem:$0x3FB2];
	_ =	sdelay $0x3  }
0x33: {  	p0 =	seq.s32 s10, $0x1;
	s10 =	sld [smem:$0x3FB4];
	_ =	sdelay $0x3  }
0x34: {  	[smem:$0x3FB4] =	sst s10  }
0x35: {  	s10 =	sld [smem:$0x3FB3];
	_ =	sdelay $0x3  }
0x36: {  	p1 =	seq.s32 s10, $0x1;
	s10 =	sld [smem:$0x3FB4];
	_ =	sdelay $0x3  }
0x37: {  	[smem:$0x3FB4] =	sst s10  }
0x38: {  	s10 =	sld [smem:$0x3FB5]  }
0x39: {  	_ = 	snop;
	(pc) =	sbr.ind lr, $3  }
0x3a: {  	_ = 	snop  }
0x3b: {  	_ = 	snop  }
0x3c: {  	p2 =	seq.s32 s10, $0x1;
	s10 =	sld [smem:$0x3FB4]  }
0x3d: {  	_ =	shalt  }
0x3e: {  	_ =	shalt  }
0x3f: {  	_ =	shalt  }
0x40: {  	_ =	shalt  }
0x41: {  	_ =	shalt  }
0x42: {  	_ =	shalt  }
0x43: {  	_ =	shalt  }
0x44: {  	_ =	shalt  }
0x45: {  	_ =	shalt  }
0x46: {  	_ =	shalt  }
0x47: {  	_ =	shalt  }
0x48: {  	_ =	shalt  }
0x49: {  	_ =	shalt  }
0x4a: {  	_ =	shalt  }
0x4b: {  	_ =	shalt  }
0x4c: {  	_ =	shalt  }
0x4d: {  	_ =	shalt  }
0x4e: {  	_ =	shalt  }
0x4f: {  	_ =	shalt  }
0x50: {  	_ =	shalt  }
0x51: {  	_ =	shalt  }
0x52: {  	_ =	shalt  }
0x53: {  	_ =	shalt  }
0x54: {  	_ =	shalt  }
0x55: {  	_ =	shalt  }
0x56: {  	_ =	shalt  }
0x57: {  	_ =	shalt  }
0x58: {  	_ =	shalt  }
0x59: {  	_ =	shalt  }
0x5a: {  	_ =	shalt  }
0x5b: {  	_ =	shalt  }
0x5c: {  	_ =	shalt  }
0x5d: {  	_ =	shalt  }
0x5e: {  	_ =	shalt  }
0x5f: {  	_ =	shalt  }
0x60: {  	_ =	shalt  }
0x61: {  	_ =	shalt  }
0x62: {  	_ =	shalt  }
0x63: {  	_ =	shalt  }
0x64: {  	_ =	shalt  }
0x65: {  	_ =	shalt  }
0x66: {  	_ =	shalt  }
0x67: {  	_ =	shalt  }
0x68: {  	_ =	shalt  }
0x69: {  	_ =	shalt  }
0x6a: {  	_ =	shalt  }
0x6b: {  	_ =	shalt  }
0x6c: {  	_ =	shalt  }
0x6d: {  	_ =	shalt  }
0x6e: {  	_ =	shalt  }
0x6f: {  	_ =	shalt  }
0x70: {  	_ =	shalt  }
0x71: {  	_ =	shalt  }
0x72: {  	_ =	shalt  }
0x73: {  	_ =	shalt  }
0x74: {  	_ =	shalt  }
0x75: {  	_ =	shalt  }
0x76: {  	_ =	shalt  }
0x77: {  	_ =	shalt  }
0x78: {  	_ =	shalt  }
0x79: {  	_ =	shalt  }
0x7a: {  	_ =	shalt  }
0x7b: {  	_ =	shalt  }
0x7c: {  	_ =	shalt  }
0x7d: {  	_ =	shalt  }
0x7e: {  	_ =	shalt  }
0x7f: {  	_ =	shalt  }
0x80: {  	_ =	shalt  }
0x81: {  	_ =	shalt  }
0x82: {  	_ =	shalt  }
0x83: {  	_ =	shalt  }
0x84: {  	_ =	shalt  }
0x85: {  	_ =	shalt  }
0x86: {  	_ =	shalt  }
0x87: {  	_ =	shalt  }
.Lfunc_end0:
.L_simem_size_0:
called_computation.1_lowered:
.L_overlay_start_0:
0x88: {  	s2 =	sld [smem:$0x3FD9]  }
0x89: {  	s3 =	sld [smem:$0x3FFE];
	_ =	sdelay $0x1  }
0x8a: {  	s1 =	srdreg.scid  }
0x8b: {  	s0 =	sand.u32 $0x1, s1  }
0x8c: {  	s16 =	sshll.u32 s0, $0xA;
	s2 =	sadd.s32 s3, s2  }
0x8d: {  	s2 =	sadd.s32 s2, s16  }
0x8e: {  	[smem:$0x3FC0] =	sst s2  }
0x8f: {  	_ = 	snop  }
0x90: {  	(tm) =	ssettm $0x1  }
0x91: {  	s17 =	sld [smem:$0x3FFB];
	_ =	sdelay $0x3  }
0x92: {  	_ =	strace s17  }
0x93: {  	s2 =	sld [smem:$0x3FFC];
	_ =	sdelay $0x3  }
0x94: {  	_ =	strace s2  }
0x95: {  	s2 =	sld [smem:$0x3FFD];
	_ =	sdelay $0x3  }
0x96: {  	_ =	strace s2  }
0x97: {  	_ =	strace $0x8FFFFFFF  }
0x98: {  	s18 =	sld [smem:$0x3FDB];
	_ =	sdelay $0x1  }
0x99: {  	s19 =	simm.s32 $_scs_section_size  }
0x9a: {  	s4 =	simm.s32 $_size__tile_overlayer_lowered;
	s5 =	simm.s32 $_tile_overlayer_lowered  }
0x9b: {  	s22 =	simm.s32 $0x1BFF;
	s21 =	sshll.u32 s5, $0x1;
	s2 =	sadd.s32 s19, s18  }
0x9c: {  	s6 =	simm.s32 $0x0;
	s20 =	sshll.u32 s4, $0x1;
	s4 =	sadd.s32 s21, s2  }
0x9d: {  	[timem:s6], [sflag:s22] =	dma.local [hbm:s4], s20  }
0x9e: {  	_ =	swait.ge [sflag:s22], s20  }
0x9f: {  	s3 =	ssub.s32 $0x0, s20;
	[sflag:s22] =	ssyncset.done $0x0  }
0xa0: {  	[sflag:s22] =	ssyncadd.s32 s3;
	_ =	sdelay $0x1  }
0xa1: {  	s23 =	simm.s32 $0x1B8B  }
0xa2: {  	_ =	swait.ge [sflag:s23], $0x1  }
0xa3: {  	[sflag:s23] =	ssyncset.done $0x0  }
0xa4: {  	s25 =	simm.s32 $0x1B8E;
	s24 =	sld [smem:$0x3FFE];
	[sflag:s23] =	ssyncadd.s32 $0xFFFFFFFF  }
0xa5: {  	s26 =	simm.s32 $execute0_lowered;
	[smem:$0x3FD2] =	sst s25  }
0xa6: {  	s4 =	sshll.u32 s26, $0x1;
	_ =	strace $0x80000049;
	[dreg:$0x1] =	wrdreg $0xFFFFFFFF  }
0xa7: {  	s28 =	simm.s32 $_size_execute0_lowered;
	s2 =	sadd.s32 s2, s4;
	[dreg:$0x0] =	wrdreg $0x0  }
0xa8: {  	s4 =	sshll.u32 s28, $0x1;
	[dreg:$0x2] =	wrdreg s2  }
0xa9: {  	[dreg:$0x3] =	wrdreg s4  }
0xaa: {  	[dreg:$0x4] =	wrdreg $0xC0  }
0xab: {  	_ =	task [dreg:s6], $0x5FFFF  }
0xac: {  	[dreg:$0x1] =	wrdreg $0xFFFFFFFF  }
0xad: {  	[dreg:$0x0] =	wrdreg $0x60  }
0xae: {  	[dreg:$0x2] =	wrdreg s24  }
0xaf: {  	[dreg:$0x3] =	wrdreg $0x0  }
0xb0: {  	[dreg:$0x4] =	wrdreg $0x9  }
0xb1: {  	_ =	task.clear_ibuf [dreg:s6], $0x5FFFF;
	_ =	strace $0x90000049  }
0xb2: {  	s29 =	simm.s32 $0x9;
	_ =	strace $0x8000004B  }
0xb3: {  	_ =	swait.ge [sflag:s29], $0x1  }
0xb4: {  	[sflag:s29] =	ssyncadd.s32 $0xFFFFFFFF  }
0xb5: {  	_ =	strace $0x9000004B  }
0xb6: {  	_ =	sfence  }
0xb7: {  	s30 =	sld [smem:$0x0];
	_ =	sdelay $0x2  }
0xb8: {  	s31 =	sshll.u32 s1, $0xD;
	s1 =	sshrl.u32 s1, $0x2  }
0xb9: {  	s3 =	sand.u32 $0x4000, s31;
	s1 =	sadd.s32 s1, s30  }
0xba: {  	s0 =	sor.u32 s3, s0;
	s1 =	sshll.u32 s1, $0x11  }
0xbb: {  	s0 =	sor.u32 s1, s0  }
0xbc: {  	s0 =	sadd.s32 $0x8F2B, s0  }
0xbd: {  	[sflag:s0] =	ssyncadd.remote.s32 $0x1  }
0xbe: {  	_ =	sfence.sel $0xFFFF  }
0xbf: {  	[dreg:$0x0] =	wrdreg $0xFFFFFFFF;
	(pc) =	sbr.abs _section_cstart, $3  }
0xc0: {  	[dreg:$0x1] =	wrdreg $0xFFFFFFFF  }
0xc1: {  	_ =	task.clear_ibuf [dreg:s6], $0x2FFFF;
	_ =	strace $0x9FFFFFFF  }
0xc2: {  	(tm) =	ssettm $0x7FFFFFFF  }
0xc3: {  	_ =	shalt  }
tec
execute0_lowered:
.L_overlay_start_1:
0x0: {  	(tag) =	ssettag $0x1  }
0x1: {  	s0 =	srdreg.scid;
	s1 =	rddreg [dreg:$0x0]  }
0x2: {  	s9 =	stileid.u32;
	s2 =	rddreg [dreg:$0x1]  }
0x3: {  	s3 =	simm.s32 $0x0;
	s16 =	simm.s32 $0x4;
	s17 =	simm.s32 $0x18C00  }
0x4: {  	s18 =	simm.s32 $0x1A800;
	s19 =	simm.s32 $0x50;
	s20 =	simm.s32 $0x13C00  }
0x5: {  	s21 =	simm.s32 $0x16400;
	s28 =	simm.s32 $0x1A480;
	s5 =	smul.u32 $0x8C00, s9  }
0x6: {  	s29 =	simm.s32 $0x1C080;
	s30 =	simm.s32 $0x1DC80;
	s6 =	smul.u32 $0x13C00, s9  }
0x7: {  	s31 =	simm.s32 $0x0;
	s0 =	sand.u32 $0x1, s0;
	s8 =	smul.u32 $0x4F000, s9  }
0x8: {  	[smem:$0x7FF] =	sst s3;
	s26 =	sshll.u32 s9, $0x6;
	s4 =	smul.u32 $0x8C000, s0  }
0x9: {  	s23 =	smul.u32 $0x13C000, s0;
	_ =	strace $0x8000004A;
	s0 =	ssub.s32 $0x2, s0  }
0xa: {  	s24 =	sshrl.u32 s0, $0x1;
	s25 =	sshrl.u32 s8, $0x2;
	s4 =	sadd.s32 s5, s4  }
0xb: {  	s5 =	sadd.s32 s6, s23;
	s0 =	ssub.s32 s0, s24;
	s6 =	sshrl.u32 s6, $0x3  }
0xc: {  	s15 =	sadd.s32 s25, s2;
	s23 =	simm.s32 $0x1;
	s24 =	simm.s32 $0x2  }
0xd: {  	s25 =	simm.s32 $0x3;
	s4 =	sshrl.u32 s4, $0x3;
	s7 =	sshrl.u32 s5, $0x3  }
0xe: {  	s5 =	sadd.s32 $0x2C00, s1;
	s14 =	smax.u32 s0, $0x1;
	s15 =	sshrl.u32 s15, $0x3  }
0xf: {  	s12 =	sadd.s32 s4, s1;
	s4 =	sadd.s32 $0x2A400, s1;
	s1 =	sadd.s32 s7, s1  }
0x10: {  	s6 =	sadd.s32 s5, s6;
	s7 =	sor.u32 $0x1C04, s26;
	s26 =	simm.s32 $0x1C400  }
0x11: {  	s8 =	sadd.s32 $0xC7A00, s12;
	s9 =	sadd.s32 $0xC7D80, s12;
	s10 =	sadd.s32 $0xC8100, s12  }
0x12: {  	s11 =	sadd.s32 $0xC8480, s12;
	s12 =	sadd.s32 $0xC8800, s12;
	s13 =	sadd.s32 $0xEAA00, s1  }
.LBB2_1:
0x13: {  	[spmem:s15], [sflag:s7] =	dma.local [hbm:s6], $0x2780  }
0x14: {  	_ =	swait.ge [sflag:s16], $0x2780  }
0x15: {  	[sflag:s16] =	ssyncset.done $0x0  }
0x16: {  	[sflag:s16] =	ssyncadd.s32 $0xFFFFD880  }
0x17: {  	[bflag:$0x0] =	sbarrier.arrive $0xFFFF  }
0x18: {  	[tilespmem:s17], [sflag:$0x4] =	stream.linear.gather [hbm4b:s8+s3], $0x1900, $0x38;
	[tilespmem:$0x1E000] =	vst v63  }
0x19: {  	_ =	swait.ge [sflag:s16], $0x1900  }
0x1a: {  	[sflag:s16] =	ssyncset.done $0x0  }
0x1b: {  	[sflag:s16] =	ssyncadd.s32 $0xFFFFE700  }
0x1c: {  	[tilespmem:s18], [sflag:$0x3] =	stream.linear.gather [hbm4b:s9+s3], $0x1900, $0x38;
	[tilespmem:$0x1E000] =	vst v63  }
0x1d: {  	_ = 	snop  }
0x1e: {  	[tilespmem:s20], [sflag:$0x1] =	stream.indirect.gather [hbm4b:s4+s19], $0x80, s17, s19, $0xb8;
	[tilespmem:$0x1E000] =	vst v63  }
0x1f: {  	_ = 	snop  }
0x20: {  	[tilespmem:s21], [sflag:$0x4] =	stream.linear.gather [hbm4b:s5+s3], $0x2800, $0x38;
	[tilespmem:$0x1E000] =	vst v63  }
0x21: {  	_ =	swait.ge [sflag:s16], $0x2800  }
0x22: {  	[sflag:s16] =	ssyncset.done $0x0  }
0x23: {  	s0 =	simm.s32 $0x18C80;
	[sflag:s16] =	ssyncadd.s32 $0xFFFFD800  }
0x24: {  	[spmem:s2] =	stream.indirect.scatter.add.f32 [tilespmem:s21], [sflag:$0x2], $0x80, s0, s19, $0xb8;
	[tilespmem:$0x1E000] =	vst v63  }
0x25: {  	_ =	swait.ge [sflag:s23], $0x2800  }
0x26: {  	[sflag:s23] =	ssyncset.done $0x0  }
0x27: {  	[sflag:s23] =	ssyncadd.s32 $0xFFFFD800  }
0x28: {  	_ =	swait.ge [sflag:s24], $0x2800  }
0x29: {  	[sflag:s24] =	ssyncset.done $0x0  }
0x2a: {  	s22 =	simm.s32 $0x18D00;
	[sflag:s24] =	ssyncadd.s32 $0xFFFFD800  }
0x2b: {  	[tilespmem:s21], [sflag:$0x1] =	stream.indirect.gather [hbm4b:s4+s19], $0x80, s22, s19, $0xb8;
	[tilespmem:$0x1E000] =	vst v63  }
0x2c: {  	s1 =	simm.s32 $0x18C80  }
0x2d: {  	[spmem:s2] =	stream.indirect.scatter.add.f32 [tilespmem:s20], [sflag:$0x2], $0x80, s1, s19, $0xb8;
	[tilespmem:$0x1E000] =	vst v63  }
0x2e: {  	_ =	swait.ge [sflag:s23], $0x2800  }
0x2f: {  	[sflag:s23] =	ssyncset.done $0x0  }
0x30: {  	[sflag:s23] =	ssyncadd.s32 $0xFFFFD800  }
0x31: {  	_ =	swait.ge [sflag:s24], $0x2800  }
0x32: {  	s0 =	simm.s32 $0x18D80;
	[sflag:s24] =	ssyncset.done $0x0  }
0x33: {  	s22 =	simm.s32 $0x18E00;
	s1 =	simm.s32 $0xFFFFA800;
	[sflag:s24] =	ssyncadd.s32 $0xFFFFD800  }
0x34: {  	[tilespmem:s20], [sflag:$0x1] =	stream.indirect.gather [hbm4b:s4+s19], $0x80, s22, s19, $0xb8;
	[tilespmem:$0x1E000] =	vst v63  }
.LBB2_2:
0x35: {  	[spmem:s2] =	stream.indirect.scatter.add.f32 [tilespmem:s21], [sflag:$0x2], $0x80, s0, s19, $0xb8;
	[tilespmem:$0x1E000] =	vst v63  }
0x36: {  	s0 =	smov.u32 s1  }
0x37: {  	p0 =	sne.s32 s1, $0xFFFFF800;
	s1 =	sadd.s32 $0x800, s1;
	_ =	swait.ge [sflag:s23], $0x2800  }
0x38: {  	[sflag:s23] =	ssyncset.done $0x0  }
0x39: {  	[sflag:s23] =	ssyncadd.s32 $0xFFFFD800  }
0x3a: {  	_ =	swait.ge [sflag:s24], $0x2800  }
0x3b: {  	s0 =	sshra.s32 s0, $0x2;
	[sflag:s24] =	ssyncset.done $0x0  }
0x3c: {  	s22 =	sadd.s32 $0x1A500, s0;
	[sflag:s24] =	ssyncadd.s32 $0xFFFFD800  }
0x3d: {  	[tilespmem:s21], [sflag:$0x1] =	stream.indirect.gather [hbm4b:s4+s19], $0x80, s22, s19, $0xb8;
	[tilespmem:$0x1E000] =	vst v63  }
0x3e: {  	s22 =	sadd.s32 $0x1A480, s0  }
0x3f: {  	[spmem:s2] =	stream.indirect.scatter.add.f32 [tilespmem:s20], [sflag:$0x2], $0x80, s22, s19, $0xb8;
	[tilespmem:$0x1E000] =	vst v63  }
0x40: {  	_ =	swait.ge [sflag:s23], $0x2800  }
0x41: {  	[sflag:s23] =	ssyncset.done $0x0  }
0x42: {  	[sflag:s23] =	ssyncadd.s32 $0xFFFFD800  }
.Ltmp0:
0x43: {  	_ =	swait.ge [sflag:s24], $0x2800;
	(pc) =	sbr.rel @p0 .LBB2_2-.Ltmp0, $4  }
0x44: {  	[sflag:s24] =	ssyncset.done $0x0  }
0x45: {  	s22 =	sadd.s32 $0x1A600, s0;
	[sflag:s24] =	ssyncadd.s32 $0xFFFFD800  }
0x46: {  	[tilespmem:s20], [sflag:$0x1] =	stream.indirect.gather [hbm4b:s4+s19], $0x80, s22, s19, $0xb8;
	[tilespmem:$0x1E000] =	vst v63  }
0x47: {  	s0 =	sadd.s32 $0x1A580, s0  }
0x48: {  	[spmem:s2] =	stream.indirect.scatter.add.f32 [tilespmem:s21], [sflag:$0x2], $0x80, s0, s19, $0xb8;
	[tilespmem:$0x1E000] =	vst v63  }
0x49: {  	_ =	swait.ge [sflag:s23], $0x2800  }
0x4a: {  	[sflag:s23] =	ssyncset.done $0x0  }
0x4b: {  	[sflag:s23] =	ssyncadd.s32 $0xFFFFD800  }
0x4c: {  	_ =	swait.ge [sflag:s24], $0x2800  }
0x4d: {  	[sflag:s24] =	ssyncset.done $0x0  }
0x4e: {  	[sflag:s24] =	ssyncadd.s32 $0xFFFFD800  }
0x4f: {  	_ =	swait.ge [sflag:s25], $0x1900  }
0x50: {  	[sflag:s25] =	ssyncset.done $0x0  }
0x51: {  	[sflag:s25] =	ssyncadd.s32 $0xFFFFE700  }
0x52: {  	[tilespmem:s26], [sflag:$0x3] =	stream.linear.gather [hbm4b:s10+s3], $0x1900, $0x38;
	[tilespmem:$0x1E000] =	vst v63  }
0x53: {  	_ = 	snop  }
0x54: {  	[tilespmem:s21], [sflag:$0x1] =	stream.indirect.gather [hbm4b:s4+s19], $0x80, s18, s19, $0xb8;
	[tilespmem:$0x1E000] =	vst v63  }
0x55: {  	_ = 	snop  }
0x56: {  	[spmem:s2] =	stream.indirect.scatter.add.f32 [tilespmem:s20], [sflag:$0x2], $0x80, s28, s19, $0xb8;
	[tilespmem:$0x1E000] =	vst v63  }
0x57: {  	_ =	swait.ge [sflag:s23], $0x2800  }
0x58: {  	[sflag:s23] =	ssyncset.done $0x0  }
0x59: {  	[sflag:s23] =	ssyncadd.s32 $0xFFFFD800  }
0x5a: {  	_ =	swait.ge [sflag:s24], $0x2800  }
0x5b: {  	[sflag:s24] =	ssyncset.done $0x0  }
0x5c: {  	s22 =	simm.s32 $0x1A900;
	[sflag:s24] =	ssyncadd.s32 $0xFFFFD800  }
0x5d: {  	[tilespmem:s20], [sflag:$0x1] =	stream.indirect.gather [hbm4b:s4+s19], $0x80, s22, s19, $0xb8;
	[tilespmem:$0x1E000] =	vst v63  }
0x5e: {  	s1 =	simm.s32 $0x1A880  }
0x5f: {  	[spmem:s2] =	stream.indirect.scatter.add.f32 [tilespmem:s21], [sflag:$0x2], $0x80, s1, s19, $0xb8;
	[tilespmem:$0x1E000] =	vst v63  }
0x60: {  	_ =	swait.ge [sflag:s23], $0x2800  }
0x61: {  	[sflag:s23] =	ssyncset.done $0x0  }
0x62: {  	[sflag:s23] =	ssyncadd.s32 $0xFFFFD800  }
0x63: {  	_ =	swait.ge [sflag:s24], $0x2800  }
0x64: {  	s0 =	simm.s32 $0x1A980;
	[sflag:s24] =	ssyncset.done $0x0  }
0x65: {  	s22 =	simm.s32 $0x1AA00;
	s1 =	simm.s32 $0xFFFFA800;
	[sflag:s24] =	ssyncadd.s32 $0xFFFFD800  }
0x66: {  	[tilespmem:s21], [sflag:$0x1] =	stream.indirect.gather [hbm4b:s4+s19], $0x80, s22, s19, $0xb8;
	[tilespmem:$0x1E000] =	vst v63  }
.LBB2_4:
0x67: {  	[spmem:s2] =	stream.indirect.scatter.add.f32 [tilespmem:s20], [sflag:$0x2], $0x80, s0, s19, $0xb8;
	[tilespmem:$0x1E000] =	vst v63  }
0x68: {  	s0 =	smov.u32 s1  }
0x69: {  	p0 =	sne.s32 s1, $0xFFFFF800;
	s1 =	sadd.s32 $0x800, s1;
	_ =	swait.ge [sflag:s23], $0x2800  }
0x6a: {  	[sflag:s23] =	ssyncset.done $0x0  }
0x6b: {  	[sflag:s23] =	ssyncadd.s32 $0xFFFFD800  }
0x6c: {  	_ =	swait.ge [sflag:s24], $0x2800  }
0x6d: {  	s0 =	sshra.s32 s0, $0x2;
	[sflag:s24] =	ssyncset.done $0x0  }
0x6e: {  	s22 =	sadd.s32 $0x1C100, s0;
	[sflag:s24] =	ssyncadd.s32 $0xFFFFD800  }
0x6f: {  	[tilespmem:s20], [sflag:$0x1] =	stream.indirect.gather [hbm4b:s4+s19], $0x80, s22, s19, $0xb8;
	[tilespmem:$0x1E000] =	vst v63  }
0x70: {  	s22 =	sadd.s32 $0x1C080, s0  }
0x71: {  	[spmem:s2] =	stream.indirect.scatter.add.f32 [tilespmem:s21], [sflag:$0x2], $0x80, s22, s19, $0xb8;
	[tilespmem:$0x1E000] =	vst v63  }
0x72: {  	_ =	swait.ge [sflag:s23], $0x2800  }
0x73: {  	[sflag:s23] =	ssyncset.done $0x0  }
0x74: {  	[sflag:s23] =	ssyncadd.s32 $0xFFFFD800  }
.Ltmp1:
0x75: {  	_ =	swait.ge [sflag:s24], $0x2800;
	(pc) =	sbr.rel @p0 .LBB2_4-.Ltmp1, $4  }
0x76: {  	[sflag:s24] =	ssyncset.done $0x0  }
0x77: {  	s22 =	sadd.s32 $0x1C200, s0;
	[sflag:s24] =	ssyncadd.s32 $0xFFFFD800  }
0x78: {  	[tilespmem:s21], [sflag:$0x1] =	stream.indirect.gather [hbm4b:s4+s19], $0x80, s22, s19, $0xb8;
	[tilespmem:$0x1E000] =	vst v63  }
0x79: {  	s0 =	sadd.s32 $0x1C180, s0  }
0x7a: {  	[spmem:s2] =	stream.indirect.scatter.add.f32 [tilespmem:s20], [sflag:$0x2], $0x80, s0, s19, $0xb8;
	[tilespmem:$0x1E000] =	vst v63  }
0x7b: {  	_ =	swait.ge [sflag:s23], $0x2800  }
0x7c: {  	[sflag:s23] =	ssyncset.done $0x0  }
0x7d: {  	[sflag:s23] =	ssyncadd.s32 $0xFFFFD800  }
0x7e: {  	_ =	swait.ge [sflag:s24], $0x2800  }
0x7f: {  	[sflag:s24] =	ssyncset.done $0x0  }
0x80: {  	[sflag:s24] =	ssyncadd.s32 $0xFFFFD800  }
0x81: {  	_ =	swait.ge [sflag:s25], $0x1900  }
0x82: {  	[sflag:s25] =	ssyncset.done $0x0  }
0x83: {  	[sflag:s25] =	ssyncadd.s32 $0xFFFFE700  }
0x84: {  	[tilespmem:s17], [sflag:$0x3] =	stream.linear.gather [hbm4b:s11+s3], $0x1900, $0x38;
	[tilespmem:$0x1E000] =	vst v63  }
0x85: {  	_ = 	snop  }
0x86: {  	[tilespmem:s20], [sflag:$0x1] =	stream.indirect.gather [hbm4b:s4+s19], $0x80, s26, s19, $0xb8;
	[tilespmem:$0x1E000] =	vst v63  }
0x87: {  	_ = 	snop  }
0x88: {  	[spmem:s2] =	stream.indirect.scatter.add.f32 [tilespmem:s21], [sflag:$0x2], $0x80, s29, s19, $0xb8;
	[tilespmem:$0x1E000] =	vst v63  }
0x89: {  	_ =	swait.ge [sflag:s23], $0x2800  }
0x8a: {  	[sflag:s23] =	ssyncset.done $0x0  }
0x8b: {  	[sflag:s23] =	ssyncadd.s32 $0xFFFFD800  }
0x8c: {  	_ =	swait.ge [sflag:s24], $0x2800  }
0x8d: {  	[sflag:s24] =	ssyncset.done $0x0  }
0x8e: {  	s22 =	simm.s32 $0x1C500;
	[sflag:s24] =	ssyncadd.s32 $0xFFFFD800  }
0x8f: {  	[tilespmem:s21], [sflag:$0x1] =	stream.indirect.gather [hbm4b:s4+s19], $0x80, s22, s19, $0xb8;
	[tilespmem:$0x1E000] =	vst v63  }
0x90: {  	s1 =	simm.s32 $0x1C480  }
0x91: {  	[spmem:s2] =	stream.indirect.scatter.add.f32 [tilespmem:s20], [sflag:$0x2], $0x80, s1, s19, $0xb8;
	[tilespmem:$0x1E000] =	vst v63  }
0x92: {  	_ =	swait.ge [sflag:s23], $0x2800  }
0x93: {  	[sflag:s23] =	ssyncset.done $0x0  }
0x94: {  	[sflag:s23] =	ssyncadd.s32 $0xFFFFD800  }
0x95: {  	_ =	swait.ge [sflag:s24], $0x2800  }
0x96: {  	s0 =	simm.s32 $0x1C580;
	[sflag:s24] =	ssyncset.done $0x0  }
0x97: {  	s22 =	simm.s32 $0x1C600;
	s1 =	simm.s32 $0xFFFFA800;
	[sflag:s24] =	ssyncadd.s32 $0xFFFFD800  }
0x98: {  	[tilespmem:s20], [sflag:$0x1] =	stream.indirect.gather [hbm4b:s4+s19], $0x80, s22, s19, $0xb8;
	[tilespmem:$0x1E000] =	vst v63  }
.LBB2_6:
0x99: {  	[spmem:s2] =	stream.indirect.scatter.add.f32 [tilespmem:s21], [sflag:$0x2], $0x80, s0, s19, $0xb8;
	[tilespmem:$0x1E000] =	vst v63  }
0x9a: {  	s0 =	smov.u32 s1  }
0x9b: {  	p0 =	sne.s32 s1, $0xFFFFF800;
	s1 =	sadd.s32 $0x800, s1;
	_ =	swait.ge [sflag:s23], $0x2800  }
0x9c: {  	[sflag:s23] =	ssyncset.done $0x0  }
0x9d: {  	[sflag:s23] =	ssyncadd.s32 $0xFFFFD800  }
0x9e: {  	_ =	swait.ge [sflag:s24], $0x2800  }
0x9f: {  	s0 =	sshra.s32 s0, $0x2;
	[sflag:s24] =	ssyncset.done $0x0  }
0xa0: {  	s22 =	sadd.s32 $0x1DD00, s0;
	[sflag:s24] =	ssyncadd.s32 $0xFFFFD800  }
0xa1: {  	[tilespmem:s21], [sflag:$0x1] =	stream.indirect.gather [hbm4b:s4+s19], $0x80, s22, s19, $0xb8;
	[tilespmem:$0x1E000] =	vst v63  }
0xa2: {  	s22 =	sadd.s32 $0x1DC80, s0  }
0xa3: {  	[spmem:s2] =	stream.indirect.scatter.add.f32 [tilespmem:s20], [sflag:$0x2], $0x80, s22, s19, $0xb8;
	[tilespmem:$0x1E000] =	vst v63  }
0xa4: {  	_ =	swait.ge [sflag:s23], $0x2800  }
0xa5: {  	[sflag:s23] =	ssyncset.done $0x0  }
0xa6: {  	[sflag:s23] =	ssyncadd.s32 $0xFFFFD800  }
.Ltmp2:
0xa7: {  	_ =	swait.ge [sflag:s24], $0x2800;
	(pc) =	sbr.rel @p0 .LBB2_6-.Ltmp2, $4  }
0xa8: {  	[sflag:s24] =	ssyncset.done $0x0  }
0xa9: {  	s22 =	sadd.s32 $0x1DE00, s0;
	[sflag:s24] =	ssyncadd.s32 $0xFFFFD800  }
0xaa: {  	[tilespmem:s20], [sflag:$0x1] =	stream.indirect.gather [hbm4b:s4+s19], $0x80, s22, s19, $0xb8;
	[tilespmem:$0x1E000] =	vst v63  }
0xab: {  	s0 =	sadd.s32 $0x1DD80, s0  }
0xac: {  	[spmem:s2] =	stream.indirect.scatter.add.f32 [tilespmem:s21], [sflag:$0x2], $0x80, s0, s19, $0xb8;
	[tilespmem:$0x1E000] =	vst v63  }
0xad: {  	_ =	swait.ge [sflag:s23], $0x2800  }
0xae: {  	[sflag:s23] =	ssyncset.done $0x0  }
0xaf: {  	[sflag:s23] =	ssyncadd.s32 $0xFFFFD800  }
0xb0: {  	_ =	swait.ge [sflag:s24], $0x2800  }
0xb1: {  	[sflag:s24] =	ssyncset.done $0x0  }
0xb2: {  	[sflag:s24] =	ssyncadd.s32 $0xFFFFD800  }
0xb3: {  	_ =	swait.ge [sflag:s25], $0x1900  }
0xb4: {  	[sflag:s25] =	ssyncset.done $0x0  }
0xb5: {  	[sflag:s25] =	ssyncadd.s32 $0xFFFFE700  }
0xb6: {  	[tilespmem:s18], [sflag:$0x3] =	stream.linear.gather [hbm4b:s12+s3], $0x1900, $0x38;
	[tilespmem:$0x1E000] =	vst v63  }
0xb7: {  	_ = 	snop  }
0xb8: {  	[tilespmem:s21], [sflag:$0x1] =	stream.indirect.gather [hbm4b:s4+s19], $0x80, s17, s19, $0xb8;
	[tilespmem:$0x1E000] =	vst v63  }
0xb9: {  	_ = 	snop  }
0xba: {  	[spmem:s2] =	stream.indirect.scatter.add.f32 [tilespmem:s20], [sflag:$0x2], $0x80, s30, s19, $0xb8;
	[tilespmem:$0x1E000] =	vst v63  }
0xbb: {  	_ =	swait.ge [sflag:s23], $0x2800  }
0xbc: {  	[sflag:s23] =	ssyncset.done $0x0  }
0xbd: {  	[sflag:s23] =	ssyncadd.s32 $0xFFFFD800  }
0xbe: {  	_ =	swait.ge [sflag:s24], $0x2800  }
0xbf: {  	[sflag:s24] =	ssyncset.done $0x0  }
0xc0: {  	s22 =	simm.s32 $0x18D00;
	[sflag:s24] =	ssyncadd.s32 $0xFFFFD800  }
0xc1: {  	[tilespmem:s20], [sflag:$0x1] =	stream.indirect.gather [hbm4b:s4+s19], $0x80, s22, s19, $0xb8;
	[tilespmem:$0x1E000] =	vst v63  }
0xc2: {  	s1 =	simm.s32 $0x18C80  }
0xc3: {  	[spmem:s2] =	stream.indirect.scatter.add.f32 [tilespmem:s21], [sflag:$0x2], $0x80, s1, s19, $0xb8;
	[tilespmem:$0x1E000] =	vst v63  }
0xc4: {  	_ =	swait.ge [sflag:s23], $0x2800  }
0xc5: {  	[sflag:s23] =	ssyncset.done $0x0  }
0xc6: {  	[sflag:s23] =	ssyncadd.s32 $0xFFFFD800  }
0xc7: {  	_ =	swait.ge [sflag:s24], $0x2800  }
0xc8: {  	s0 =	simm.s32 $0x18D80;
	[sflag:s24] =	ssyncset.done $0x0  }
0xc9: {  	s22 =	simm.s32 $0x18E00;
	s1 =	simm.s32 $0xFFFFA800;
	[sflag:s24] =	ssyncadd.s32 $0xFFFFD800  }
0xca: {  	[tilespmem:s21], [sflag:$0x1] =	stream.indirect.gather [hbm4b:s4+s19], $0x80, s22, s19, $0xb8;
	[tilespmem:$0x1E000] =	vst v63  }
.LBB2_8:
0xcb: {  	[spmem:s2] =	stream.indirect.scatter.add.f32 [tilespmem:s20], [sflag:$0x2], $0x80, s0, s19, $0xb8;
	[tilespmem:$0x1E000] =	vst v63  }
0xcc: {  	s0 =	smov.u32 s1  }
0xcd: {  	p0 =	sne.s32 s1, $0xFFFFF800;
	s1 =	sadd.s32 $0x800, s1;
	_ =	swait.ge [sflag:s23], $0x2800  }
0xce: {  	[sflag:s23] =	ssyncset.done $0x0  }
0xcf: {  	[sflag:s23] =	ssyncadd.s32 $0xFFFFD800  }
0xd0: {  	_ =	swait.ge [sflag:s24], $0x2800  }
0xd1: {  	s0 =	sshra.s32 s0, $0x2;
	[sflag:s24] =	ssyncset.done $0x0  }
0xd2: {  	s22 =	sadd.s32 $0x1A500, s0;
	[sflag:s24] =	ssyncadd.s32 $0xFFFFD800  }
0xd3: {  	[tilespmem:s20], [sflag:$0x1] =	stream.indirect.gather [hbm4b:s4+s19], $0x80, s22, s19, $0xb8;
	[tilespmem:$0x1E000] =	vst v63  }
0xd4: {  	s22 =	sadd.s32 $0x1A480, s0  }
0xd5: {  	[spmem:s2] =	stream.indirect.scatter.add.f32 [tilespmem:s21], [sflag:$0x2], $0x80, s22, s19, $0xb8;
	[tilespmem:$0x1E000] =	vst v63  }
0xd6: {  	_ =	swait.ge [sflag:s23], $0x2800  }
0xd7: {  	[sflag:s23] =	ssyncset.done $0x0  }
0xd8: {  	[sflag:s23] =	ssyncadd.s32 $0xFFFFD800  }
.Ltmp3:
0xd9: {  	_ =	swait.ge [sflag:s24], $0x2800;
	(pc) =	sbr.rel @p0 .LBB2_8-.Ltmp3, $4  }
0xda: {  	[sflag:s24] =	ssyncset.done $0x0  }
0xdb: {  	s22 =	sadd.s32 $0x1A600, s0;
	[sflag:s24] =	ssyncadd.s32 $0xFFFFD800  }
0xdc: {  	[tilespmem:s21], [sflag:$0x1] =	stream.indirect.gather [hbm4b:s4+s19], $0x80, s22, s19, $0xb8;
	[tilespmem:$0x1E000] =	vst v63  }
0xdd: {  	s0 =	sadd.s32 $0x1A580, s0  }
0xde: {  	[spmem:s2] =	stream.indirect.scatter.add.f32 [tilespmem:s20], [sflag:$0x2], $0x80, s0, s19, $0xb8;
	[tilespmem:$0x1E000] =	vst v63  }
0xdf: {  	_ =	swait.ge [sflag:s23], $0x2800  }
0xe0: {  	[sflag:s23] =	ssyncset.done $0x0  }
0xe1: {  	[sflag:s23] =	ssyncadd.s32 $0xFFFFD800  }
0xe2: {  	_ =	swait.ge [sflag:s24], $0x2800  }
0xe3: {  	[sflag:s24] =	ssyncset.done $0x0  }
0xe4: {  	[sflag:s24] =	ssyncadd.s32 $0xFFFFD800  }
0xe5: {  	_ =	swait.ge [sflag:s25], $0x1900  }
0xe6: {  	[sflag:s25] =	ssyncset.done $0x0  }
0xe7: {  	[sflag:s25] =	ssyncadd.s32 $0xFFFFE700  }
0xe8: {  	[tilespmem:s20], [sflag:$0x1] =	stream.indirect.gather [hbm4b:s4+s19], $0x80, s18, s19, $0xb8;
	[tilespmem:$0x1E000] =	vst v63  }
0xe9: {  	_ = 	snop  }
0xea: {  	[spmem:s2] =	stream.indirect.scatter.add.f32 [tilespmem:s21], [sflag:$0x2], $0x80, s28, s19, $0xb8;
	[tilespmem:$0x1E000] =	vst v63  }
0xeb: {  	_ =	swait.ge [sflag:s23], $0x2800  }
0xec: {  	[sflag:s23] =	ssyncset.done $0x0  }
0xed: {  	[sflag:s23] =	ssyncadd.s32 $0xFFFFD800  }
0xee: {  	_ =	swait.ge [sflag:s24], $0x2800  }
0xef: {  	[sflag:s24] =	ssyncset.done $0x0  }
0xf0: {  	s22 =	simm.s32 $0x1A900;
	[sflag:s24] =	ssyncadd.s32 $0xFFFFD800  }
0xf1: {  	[tilespmem:s21], [sflag:$0x1] =	stream.indirect.gather [hbm4b:s4+s19], $0x80, s22, s19, $0xb8;
	[tilespmem:$0x1E000] =	vst v63  }
0xf2: {  	s1 =	simm.s32 $0x1A880  }
0xf3: {  	[spmem:s2] =	stream.indirect.scatter.add.f32 [tilespmem:s20], [sflag:$0x2], $0x80, s1, s19, $0xb8;
	[tilespmem:$0x1E000] =	vst v63  }
0xf4: {  	_ =	swait.ge [sflag:s23], $0x2800  }
0xf5: {  	[sflag:s23] =	ssyncset.done $0x0  }
0xf6: {  	[sflag:s23] =	ssyncadd.s32 $0xFFFFD800  }
0xf7: {  	_ =	swait.ge [sflag:s24], $0x2800  }
0xf8: {  	s0 =	simm.s32 $0x1A980;
	[sflag:s24] =	ssyncset.done $0x0  }
0xf9: {  	s22 =	simm.s32 $0x1AA00;
	s1 =	simm.s32 $0xFFFFA800;
	[sflag:s24] =	ssyncadd.s32 $0xFFFFD800  }
0xfa: {  	[tilespmem:s20], [sflag:$0x1] =	stream.indirect.gather [hbm4b:s4+s19], $0x80, s22, s19, $0xb8;
	[tilespmem:$0x1E000] =	vst v63  }
.LBB2_10:
0xfb: {  	[spmem:s2] =	stream.indirect.scatter.add.f32 [tilespmem:s21], [sflag:$0x2], $0x80, s0, s19, $0xb8;
	[tilespmem:$0x1E000] =	vst v63  }
0xfc: {  	s0 =	smov.u32 s1  }
0xfd: {  	p0 =	sne.s32 s1, $0xFFFFF800;
	s1 =	sadd.s32 $0x800, s1;
	_ =	swait.ge [sflag:s23], $0x2800  }
0xfe: {  	[sflag:s23] =	ssyncset.done $0x0  }
0xff: {  	[sflag:s23] =	ssyncadd.s32 $0xFFFFD800  }
0x100: {  	_ =	swait.ge [sflag:s24], $0x2800  }
0x101: {  	s0 =	sshra.s32 s0, $0x2;
	[sflag:s24] =	ssyncset.done $0x0  }
0x102: {  	s22 =	sadd.s32 $0x1C100, s0;
	[sflag:s24] =	ssyncadd.s32 $0xFFFFD800  }
0x103: {  	[tilespmem:s21], [sflag:$0x1] =	stream.indirect.gather [hbm4b:s4+s19], $0x80, s22, s19, $0xb8;
	[tilespmem:$0x1E000] =	vst v63  }
0x104: {  	s22 =	sadd.s32 $0x1C080, s0  }
0x105: {  	[spmem:s2] =	stream.indirect.scatter.add.f32 [tilespmem:s20], [sflag:$0x2], $0x80, s22, s19, $0xb8;
	[tilespmem:$0x1E000] =	vst v63  }
0x106: {  	_ =	swait.ge [sflag:s23], $0x2800  }
0x107: {  	[sflag:s23] =	ssyncset.done $0x0  }
0x108: {  	[sflag:s23] =	ssyncadd.s32 $0xFFFFD800  }
.Ltmp4:
0x109: {  	_ =	swait.ge [sflag:s24], $0x2800;
	(pc) =	sbr.rel @p0 .LBB2_10-.Ltmp4, $4  }
0x10a: {  	[sflag:s24] =	ssyncset.done $0x0  }
0x10b: {  	s22 =	sadd.s32 $0x1C200, s0;
	[sflag:s24] =	ssyncadd.s32 $0xFFFFD800  }
0x10c: {  	[tilespmem:s20], [sflag:$0x1] =	stream.indirect.gather [hbm4b:s4+s19], $0x80, s22, s19, $0xb8;
	[tilespmem:$0x1E000] =	vst v63  }
0x10d: {  	s0 =	sadd.s32 $0x1C180, s0  }
0x10e: {  	[spmem:s2] =	stream.indirect.scatter.add.f32 [tilespmem:s21], [sflag:$0x2], $0x80, s0, s19, $0xb8;
	[tilespmem:$0x1E000] =	vst v63  }
0x10f: {  	_ =	swait.ge [sflag:s23], $0x2800  }
0x110: {  	[sflag:s23] =	ssyncset.done $0x0  }
0x111: {  	[sflag:s23] =	ssyncadd.s32 $0xFFFFD800  }
0x112: {  	_ =	swait.ge [sflag:s24], $0x2800  }
0x113: {  	[sflag:s24] =	ssyncset.done $0x0  }
0x114: {  	[sflag:s24] =	ssyncadd.s32 $0xFFFFD800  }
0x115: {  	[spmem:s2] =	stream.indirect.scatter.add.f32 [tilespmem:s20], [sflag:$0x4], $0x80, s29, s19, $0xb8;
	[tilespmem:$0x1E000] =	vst v63  }
0x116: {  	_ =	swait.ge [sflag:s16], $0x2800  }
0x117: {  	s31 =	sadd.s32 $0x1, s31;
	[sflag:s16] =	ssyncset.done $0x0  }
0x118: {  	p0 =	sne.s32 s31, s14;
	[sflag:s16] =	ssyncadd.s32 $0xFFFFD800  }
.Ltmp5:
0x119: {  	[bflag:$0x0] =	sbarrier.arrive $0xFFFF;
	(pc) =	sbr.rel @p0 .LBB2_1-.Ltmp5, $4  }
0x11a: {  	[hbm:s13], [sflag:s7] =	dma.local [spmem:s15], $0x2780  }
0x11b: {  	_ =	swait.ge [sflag:s16], $0x2780  }
0x11c: {  	[sflag:s16] =	ssyncset.done $0x0  }
0x11d: {  	[sflag:s16] =	ssyncadd.s32 $0xFFFFD880  }
0x11e: {  	_ =	sfence.sel $0x180000  }
0x11f: {  	[bflag:$0x0] =	sbarrier.arrive $0xFFFF  }
0x120: {  	_ =	strace $0x9000004A  }
0x121: {  	s0 =	stileid.u32;
	[bflag:$0x2] =	sbarrier.arrive $0xFFFF  }
0x122: {  	p0 =	sne.s32 s0, $0x0;
	s0 =	rddreg [dreg:$0x2]  }
0x123: {  	s0 =	sadd.s32 @!p0 $0x100000, s0  }
0x124: {  	[sflag:s0] =	ssyncadd.tile.s32 @!p0 $0x1;
	_ =	shalt  }
.Lfunc_end2:
_tile_overlayer_lowered:
.L_overlay_start_2:
0x125: {  	(tag) =	ssettag $0x2  }
0x126: {  	s0 =	rddreg [dreg:$0x0];
	s2 =	stileid.u32  }
0x127: {  	s1 =	rddreg [dreg:$0x1];
	p0 =	sne.s32 s2, $0x0  }
0x128: {  	s3 =	rddreg [dreg:$0x2];
	[bflag:$0x3] =	sbarrier.arrive $0xFFFF;
	s2 =	simm.s32 @!p0 $0x1C04  }
0x129: {  	[timem:s3], [sflag:s2] =	dma.local @!p0 [hbm:s0], s1  }
0x12a: {  	s0 =	simm.s32 @!p0 $0x4  }
0x12b: {  	_ =	swait.ge @!p0 [sflag:s0], s1  }
0x12c: {  	s1 =	ssub.s32 @!p0 $0x0, s1;
	[sflag:s0] =	ssyncset.done @!p0 $0x0  }
0x12d: {  	[sflag:s0] =	ssyncadd.s32 @!p0 s1  }
0x12e: {  	[bflag:$0x3] =	sbarrier.arrive $0xFFFF  }
0x12f: {  	_ =	shalt  }

// kernel: kernel.15.cloned.1.call-start
scs
__scs_entry_jumppad:
0x0: {  	(pc) =	sbr.rel $0x88, $3  }
0x1: {  	(tag) =	ssettag $0x0;
	lr =	simm.s32 $0x1  }
0x2: {  	[smem:$0x3F99] =	sst lr;
	_ =	strace $0xD0000000  }
0x3: {  	_ = 	snop  }
0x4: {  	_ = 	snop  }
0x5: {  	_ = 	snop  }
0x6: {  	_ = 	snop  }
0x7: {  	_ = 	snop  }
__scs_overlays_trampoline_lowered:
0x8: {  	[smem:$0x3FA8] =	sst s0  }
0x9: {  	[smem:$0x3FA9] =	sst s1  }
0xa: {  	[smem:$0x3FAA] =	sst s2  }
0xb: {  	[smem:$0x3FAB] =	sst s3  }
0xc: {  	[smem:$0x3FAC] =	sst s4  }
0xd: {  	[smem:$0x3FAD] =	sst s5  }
0xe: {  	[smem:$0x3FAE] =	sst s6  }
0xf: {  	[smem:$0x3FAF] =	sst s7  }
0x10: {  	[smem:$0x3FB0] =	sst s8  }
0x11: {  	[smem:$0x3FB1] =	sst s9;
	s0 =	simm.s32 @!p0 $0x0  }
0x12: {  	s1 =	sld [smem:$0x3F97];
	s0 =	simm.s32 @p0 $0x1  }
0x13: {  	[smem:$0x3FB2] =	sst s0;
	s0 =	simm.s32 @!p1 $0x0  }
0x14: {  	s2 =	sld [smem:$0x3F96];
	s0 =	simm.s32 @p1 $0x1  }
0x15: {  	[smem:$0x3FB3] =	sst s0;
	s0 =	simm.s32 @!p2 $0x0  }
0x16: {  	s3 =	sld [smem:$0x3FDB];
	s0 =	simm.s32 @p2 $0x1  }
0x17: {  	s4 =	simm.s32 $0x1BF5;
	[smem:$0x3FB5] =	sst s0  }
0x18: {  	s0 =	sld [smem:$0x3F98];
	_ =	swait.ge [sflag:s4], $0x0  }
0x19: {  	s7 =	sld [smem:$0x3F99]  }
0x1a: {  	s8 =	sadd.s32 $0xFFFFE003, lr  }
0x1b: {  	s9 =	sadd.s32 $0xFFFFFEF7, lr;
	s5 =	simm.s32 $0xFFFFFFFF;
	p2 =	slt.u32 s8, $0xFFFFF086  }
0x1c: {  	p1 =	slt.u32 s9, $0xF7A;
	s5 =	simm.s32 @!p2 $0x0  }
0x1d: {  	s5 =	simm.s32 @p1 $0x1;
	p0 =	seq.s32 s7, s2  }
0x1e: {  	s7 =	smul.u32 @!p0 $0xF7A, s2;
	p2 =	seq.s32 @!p0 s5, $0x0  }
0x1f: {  	s9 =	smul.u32 $0xF7A, s1;
	s8 =	simm.s32 @!p0 $0x1BF5;
	p2 =	por !p2, p0  }
0x20: {  	[sflag:s8] =	ssyncset.s32 @!p0 $0xFFFFF086;
	s6 =	sadd.s32 @!p0 s3, s7;
	s7 =	simm.s32 @!p0 $0x108  }
0x21: {  	s3 =	sadd.s32 s3, s9;
	s6 =	sadd.s32 @!p0 $0x88, s6;
	s7 =	simm.s32 @p2 $0x1082  }
0x22: {  	[simem:s7], [sflag:s8] =	dma.local @!p0 [hbm:s6], $0xF7A  }
0x23: {  	s9 =	sor.u32 $0xD0000000, s2;
	s6 =	simm.s32 $0x108;
	_ =	swait.ge @!p0 [sflag:s8], $0x0  }
0x24: {  	s3 =	sadd.s32 $0x88, s3;
	s6 =	simm.s32 @!p1 $0x1082;
	[sflag:s4] =	ssyncset.s32 $0xFFFFF086  }
0x25: {  	[simem:s6], [sflag:s4] =	dma.local [hbm:s3], $0xF7A  }
0x26: {  	[smem:$0x3F99] =	sst s1;
	(tag) =	ssettag s2;
	_ =	strace s9  }
0x27: {  	s1 =	sld [smem:$0x3FA9]  }
0x28: {  	s2 =	sld [smem:$0x3FAA]  }
0x29: {  	s4 =	sld [smem:$0x3FAC]  }
0x2a: {  	p0 =	seq.s32 s5, $0x0;
	s5 =	sld [smem:$0x3FAD]  }
0x2b: {  	s6 =	sld [smem:$0x3FAE]  }
0x2c: {  	s7 =	sld [smem:$0x3FAF]  }
0x2d: {  	s3 =	simm.s32 $0x108;
	s8 =	sld [smem:$0x3FB0]  }
0x2e: {  	s3 =	simm.s32 @!p0 $0x1082;
	s9 =	sld [smem:$0x3FB1]  }
0x2f: {  	lr =	sadd.s32 s0, s3;
	s0 =	sld [smem:$0x3FA8]  }
0x30: {  	s3 =	sld [smem:$0x3FAB]  }
0x31: {  	[smem:$0x3FB4] =	sst s10  }
0x32: {  	s10 =	sld [smem:$0x3FB2];
	_ =	sdelay $0x3  }
0x33: {  	p0 =	seq.s32 s10, $0x1;
	s10 =	sld [smem:$0x3FB4];
	_ =	sdelay $0x3  }
0x34: {  	[smem:$0x3FB4] =	sst s10  }
0x35: {  	s10 =	sld [smem:$0x3FB3];
	_ =	sdelay $0x3  }
0x36: {  	p1 =	seq.s32 s10, $0x1;
	s10 =	sld [smem:$0x3FB4];
	_ =	sdelay $0x3  }
0x37: {  	[smem:$0x3FB4] =	sst s10  }
0x38: {  	s10 =	sld [smem:$0x3FB5]  }
0x39: {  	_ = 	snop;
	(pc) =	sbr.ind lr, $3  }
0x3a: {  	_ = 	snop  }
0x3b: {  	_ = 	snop  }
0x3c: {  	p2 =	seq.s32 s10, $0x1;
	s10 =	sld [smem:$0x3FB4]  }
0x3d: {  	_ =	shalt  }
0x3e: {  	_ =	shalt  }
0x3f: {  	_ =	shalt  }
0x40: {  	_ =	shalt  }
0x41: {  	_ =	shalt  }
0x42: {  	_ =	shalt  }
0x43: {  	_ =	shalt  }
0x44: {  	_ =	shalt  }
0x45: {  	_ =	shalt  }
0x46: {  	_ =	shalt  }
0x47: {  	_ =	shalt  }
0x48: {  	_ =	shalt  }
0x49: {  	_ =	shalt  }
0x4a: {  	_ =	shalt  }
0x4b: {  	_ =	shalt  }
0x4c: {  	_ =	shalt  }
0x4d: {  	_ =	shalt  }
0x4e: {  	_ =	shalt  }
0x4f: {  	_ =	shalt  }
0x50: {  	_ =	shalt  }
0x51: {  	_ =	shalt  }
0x52: {  	_ =	shalt  }
0x53: {  	_ =	shalt  }
0x54: {  	_ =	shalt  }
0x55: {  	_ =	shalt  }
0x56: {  	_ =	shalt  }
0x57: {  	_ =	shalt  }
0x58: {  	_ =	shalt  }
0x59: {  	_ =	shalt  }
0x5a: {  	_ =	shalt  }
0x5b: {  	_ =	shalt  }
0x5c: {  	_ =	shalt  }
0x5d: {  	_ =	shalt  }
0x5e: {  	_ =	shalt  }
0x5f: {  	_ =	shalt  }
0x60: {  	_ =	shalt  }
0x61: {  	_ =	shalt  }
0x62: {  	_ =	shalt  }
0x63: {  	_ =	shalt  }
0x64: {  	_ =	shalt  }
0x65: {  	_ =	shalt  }
0x66: {  	_ =	shalt  }
0x67: {  	_ =	shalt  }
0x68: {  	_ =	shalt  }
0x69: {  	_ =	shalt  }
0x6a: {  	_ =	shalt  }
0x6b: {  	_ =	shalt  }
0x6c: {  	_ =	shalt  }
0x6d: {  	_ =	shalt  }
0x6e: {  	_ =	shalt  }
0x6f: {  	_ =	shalt  }
0x70: {  	_ =	shalt  }
0x71: {  	_ =	shalt  }
0x72: {  	_ =	shalt  }
0x73: {  	_ =	shalt  }
0x74: {  	_ =	shalt  }
0x75: {  	_ =	shalt  }
0x76: {  	_ =	shalt  }
0x77: {  	_ =	shalt  }
0x78: {  	_ =	shalt  }
0x79: {  	_ =	shalt  }
0x7a: {  	_ =	shalt  }
0x7b: {  	_ =	shalt  }
0x7c: {  	_ =	shalt  }
0x7d: {  	_ =	shalt  }
0x7e: {  	_ =	shalt  }
0x7f: {  	_ =	shalt  }
0x80: {  	_ =	shalt  }
0x81: {  	_ =	shalt  }
0x82: {  	_ =	shalt  }
0x83: {  	_ =	shalt  }
0x84: {  	_ =	shalt  }
0x85: {  	_ =	shalt  }
0x86: {  	_ =	shalt  }
0x87: {  	_ =	shalt  }
.Lfunc_end0:
.L_simem_size_0:
called_computation.2_lowered:
.L_overlay_start_0:
0x88: {  	s2 =	sld [smem:$0x3FD9]  }
0x89: {  	s3 =	sld [smem:$0x3FFE];
	_ =	sdelay $0x1  }
0x8a: {  	s1 =	srdreg.scid  }
0x8b: {  	s0 =	sand.u32 $0x1, s1  }
0x8c: {  	s16 =	sshll.u32 s0, $0xA;
	s2 =	sadd.s32 s3, s2  }
0x8d: {  	s2 =	sadd.s32 s2, s16  }
0x8e: {  	[smem:$0x3FC0] =	sst s2  }
0x8f: {  	_ = 	snop  }
0x90: {  	(tm) =	ssettm $0x1  }
0x91: {  	s17 =	sld [smem:$0x3FFB];
	_ =	sdelay $0x3  }
0x92: {  	_ =	strace s17  }
0x93: {  	s2 =	sld [smem:$0x3FFC];
	_ =	sdelay $0x3  }
0x94: {  	_ =	strace s2  }
0x95: {  	s2 =	sld [smem:$0x3FFD];
	_ =	sdelay $0x3  }
0x96: {  	_ =	strace s2  }
0x97: {  	_ =	strace $0x8FFFFFFF  }
0x98: {  	s18 =	sld [smem:$0x3FDB];
	_ =	sdelay $0x1  }
0x99: {  	s19 =	simm.s32 $_scs_section_size  }
0x9a: {  	s4 =	simm.s32 $_size__tile_overlayer_lowered;
	s5 =	simm.s32 $_tile_overlayer_lowered  }
0x9b: {  	s22 =	simm.s32 $0x1BFF;
	s21 =	sshll.u32 s5, $0x1;
	s2 =	sadd.s32 s19, s18  }
0x9c: {  	s6 =	simm.s32 $0x0;
	s20 =	sshll.u32 s4, $0x1;
	s4 =	sadd.s32 s21, s2  }
0x9d: {  	[timem:s6], [sflag:s22] =	dma.local [hbm:s4], s20  }
0x9e: {  	_ =	swait.ge [sflag:s22], s20  }
0x9f: {  	s3 =	ssub.s32 $0x0, s20;
	[sflag:s22] =	ssyncset.done $0x0  }
0xa0: {  	[sflag:s22] =	ssyncadd.s32 s3;
	_ =	sdelay $0x1  }
0xa1: {  	s23 =	simm.s32 $0x1B8B  }
0xa2: {  	_ =	swait.ge [sflag:s23], $0x1  }
0xa3: {  	[sflag:s23] =	ssyncset.done $0x0  }
0xa4: {  	s25 =	simm.s32 $0x1B8E;
	s24 =	sld [smem:$0x3FFE];
	[sflag:s23] =	ssyncadd.s32 $0xFFFFFFFF  }
0xa5: {  	s26 =	simm.s32 $execute0_lowered;
	[smem:$0x3FD2] =	sst s25  }
0xa6: {  	s4 =	sshll.u32 s26, $0x1;
	_ =	strace $0x8000004C;
	[dreg:$0x1] =	wrdreg $0xFFFFFFFF  }
0xa7: {  	s28 =	simm.s32 $_size_execute0_lowered;
	s2 =	sadd.s32 s2, s4;
	[dreg:$0x0] =	wrdreg $0x0  }
0xa8: {  	s4 =	sshll.u32 s28, $0x1;
	[dreg:$0x2] =	wrdreg s2  }
0xa9: {  	[dreg:$0x3] =	wrdreg s4  }
0xaa: {  	[dreg:$0x4] =	wrdreg $0xC0  }
0xab: {  	_ =	task [dreg:s6], $0x5FFFF  }
0xac: {  	[dreg:$0x1] =	wrdreg $0xFFFFFFFF  }
0xad: {  	[dreg:$0x0] =	wrdreg $0x60  }
0xae: {  	[dreg:$0x2] =	wrdreg s24  }
0xaf: {  	[dreg:$0x3] =	wrdreg $0x0  }
0xb0: {  	[dreg:$0x4] =	wrdreg $0x9  }
0xb1: {  	_ =	task.clear_ibuf [dreg:s6], $0x5FFFF;
	_ =	strace $0x9000004C  }
0xb2: {  	s29 =	simm.s32 $0x9;
	_ =	strace $0x8000004E  }
0xb3: {  	_ =	swait.ge [sflag:s29], $0x1  }
0xb4: {  	[sflag:s29] =	ssyncadd.s32 $0xFFFFFFFF  }
0xb5: {  	_ =	strace $0x9000004E  }
0xb6: {  	_ =	sfence  }
0xb7: {  	s30 =	sld [smem:$0x0];
	_ =	sdelay $0x2  }
0xb8: {  	s31 =	sshll.u32 s1, $0xD;
	s1 =	sshrl.u32 s1, $0x2  }
0xb9: {  	s3 =	sand.u32 $0x4000, s31;
	s1 =	sadd.s32 s1, s30  }
0xba: {  	s0 =	sor.u32 s3, s0;
	s1 =	sshll.u32 s1, $0x11  }
0xbb: {  	s0 =	sor.u32 s1, s0  }
0xbc: {  	s0 =	sadd.s32 $0x8F2B, s0  }
0xbd: {  	[sflag:s0] =	ssyncadd.remote.s32 $0x1  }
0xbe: {  	_ =	sfence.sel $0xFFFF  }
0xbf: {  	[dreg:$0x0] =	wrdreg $0xFFFFFFFF;
	(pc) =	sbr.abs _section_cstart, $3  }
0xc0: {  	[dreg:$0x1] =	wrdreg $0xFFFFFFFF  }
0xc1: {  	_ =	task.clear_ibuf [dreg:s6], $0x2FFFF;
	_ =	strace $0x9FFFFFFF  }
0xc2: {  	(tm) =	ssettm $0x7FFFFFFF  }
0xc3: {  	_ =	shalt  }
tec
execute0_lowered:
.L_overlay_start_1:
0x0: {  	(tag) =	ssettag $0x1  }
0x1: {  	s0 =	srdreg.scid;
	s1 =	rddreg [dreg:$0x0]  }
0x2: {  	s9 =	stileid.u32;
	s2 =	rddreg [dreg:$0x1]  }
0x3: {  	s3 =	simm.s32 $0x0;
	s16 =	simm.s32 $0x4;
	s17 =	simm.s32 $0x18C00  }
0x4: {  	s18 =	simm.s32 $0x1A800;
	s19 =	simm.s32 $0x50;
	s20 =	simm.s32 $0x13C00  }
0x5: {  	s21 =	simm.s32 $0x16400;
	s28 =	simm.s32 $0x1A480;
	s5 =	smul.u32 $0x8C00, s9  }
0x6: {  	s29 =	simm.s32 $0x1C080;
	s30 =	simm.s32 $0x1DC80;
	s6 =	smul.u32 $0x13C00, s9  }
0x7: {  	s31 =	simm.s32 $0x0;
	s0 =	sand.u32 $0x1, s0;
	s8 =	smul.u32 $0x4F000, s9  }
0x8: {  	[smem:$0x7FF] =	sst s3;
	s26 =	sshll.u32 s9, $0x6;
	s4 =	smul.u32 $0x8C000, s0  }
0x9: {  	s23 =	smul.u32 $0x13C000, s0;
	_ =	strace $0x8000004D;
	s0 =	ssub.s32 $0x2, s0  }
0xa: {  	s24 =	sshrl.u32 s0, $0x1;
	s25 =	sshrl.u32 s8, $0x2;
	s4 =	sadd.s32 s5, s4  }
0xb: {  	s5 =	sadd.s32 s6, s23;
	s0 =	ssub.s32 s0, s24;
	s6 =	sshrl.u32 s6, $0x3  }
0xc: {  	s15 =	sadd.s32 s25, s2;
	s23 =	simm.s32 $0x1;
	s24 =	simm.s32 $0x2  }
0xd: {  	s25 =	simm.s32 $0x3;
	s4 =	sshrl.u32 s4, $0x3;
	s7 =	sshrl.u32 s5, $0x3  }
0xe: {  	s5 =	sadd.s32 $0x2C00, s1;
	s14 =	smax.u32 s0, $0x1;
	s15 =	sshrl.u32 s15, $0x3  }
0xf: {  	s12 =	sadd.s32 s4, s1;
	s4 =	sadd.s32 $0x2A400, s1;
	s1 =	sadd.s32 s7, s1  }
0x10: {  	s6 =	sadd.s32 s5, s6;
	s7 =	sor.u32 $0x1C04, s26;
	s26 =	simm.s32 $0x1C400  }
0x11: {  	s8 =	sadd.s32 $0xC7A00, s12;
	s9 =	sadd.s32 $0xC7D80, s12;
	s10 =	sadd.s32 $0xC8100, s12  }
0x12: {  	s11 =	sadd.s32 $0xC8480, s12;
	s12 =	sadd.s32 $0xC8800, s12;
	s13 =	sadd.s32 $0x78600, s1  }
.LBB2_1:
0x13: {  	[spmem:s15], [sflag:s7] =	dma.local [hbm:s6], $0x2780  }
0x14: {  	_ =	swait.ge [sflag:s16], $0x2780  }
0x15: {  	[sflag:s16] =	ssyncset.done $0x0  }
0x16: {  	[sflag:s16] =	ssyncadd.s32 $0xFFFFD880  }
0x17: {  	[bflag:$0x0] =	sbarrier.arrive $0xFFFF  }
0x18: {  	[tilespmem:s17], [sflag:$0x4] =	stream.linear.gather [hbm4b:s8+s3], $0x1900, $0x38;
	[tilespmem:$0x1E000] =	vst v63  }
0x19: {  	_ =	swait.ge [sflag:s16], $0x1900  }
0x1a: {  	[sflag:s16] =	ssyncset.done $0x0  }
0x1b: {  	[sflag:s16] =	ssyncadd.s32 $0xFFFFE700  }
0x1c: {  	[tilespmem:s18], [sflag:$0x3] =	stream.linear.gather [hbm4b:s9+s3], $0x1900, $0x38;
	[tilespmem:$0x1E000] =	vst v63  }
0x1d: {  	_ = 	snop  }
0x1e: {  	[tilespmem:s20], [sflag:$0x1] =	stream.indirect.gather [hbm4b:s4+s19], $0x80, s17, s19, $0xb8;
	[tilespmem:$0x1E000] =	vst v63  }
0x1f: {  	_ = 	snop  }
0x20: {  	[tilespmem:s21], [sflag:$0x4] =	stream.linear.gather [hbm4b:s5+s3], $0x2800, $0x38;
	[tilespmem:$0x1E000] =	vst v63  }
0x21: {  	_ =	swait.ge [sflag:s16], $0x2800  }
0x22: {  	[sflag:s16] =	ssyncset.done $0x0  }
0x23: {  	s0 =	simm.s32 $0x18C80;
	[sflag:s16] =	ssyncadd.s32 $0xFFFFD800  }
0x24: {  	[spmem:s2] =	stream.indirect.scatter.add.f32 [tilespmem:s21], [sflag:$0x2], $0x80, s0, s19, $0xb8;
	[tilespmem:$0x1E000] =	vst v63  }
0x25: {  	_ =	swait.ge [sflag:s23], $0x2800  }
0x26: {  	[sflag:s23] =	ssyncset.done $0x0  }
0x27: {  	[sflag:s23] =	ssyncadd.s32 $0xFFFFD800  }
0x28: {  	_ =	swait.ge [sflag:s24], $0x2800  }
0x29: {  	[sflag:s24] =	ssyncset.done $0x0  }
0x2a: {  	s22 =	simm.s32 $0x18D00;
	[sflag:s24] =	ssyncadd.s32 $0xFFFFD800  }
0x2b: {  	[tilespmem:s21], [sflag:$0x1] =	stream.indirect.gather [hbm4b:s4+s19], $0x80, s22, s19, $0xb8;
	[tilespmem:$0x1E000] =	vst v63  }
0x2c: {  	s1 =	simm.s32 $0x18C80  }
0x2d: {  	[spmem:s2] =	stream.indirect.scatter.add.f32 [tilespmem:s20], [sflag:$0x2], $0x80, s1, s19, $0xb8;
	[tilespmem:$0x1E000] =	vst v63  }
0x2e: {  	_ =	swait.ge [sflag:s23], $0x2800  }
0x2f: {  	[sflag:s23] =	ssyncset.done $0x0  }
0x30: {  	[sflag:s23] =	ssyncadd.s32 $0xFFFFD800  }
0x31: {  	_ =	swait.ge [sflag:s24], $0x2800  }
0x32: {  	s0 =	simm.s32 $0x18D80;
	[sflag:s24] =	ssyncset.done $0x0  }
0x33: {  	s22 =	simm.s32 $0x18E00;
	s1 =	simm.s32 $0xFFFFA800;
	[sflag:s24] =	ssyncadd.s32 $0xFFFFD800  }
0x34: {  	[tilespmem:s20], [sflag:$0x1] =	stream.indirect.gather [hbm4b:s4+s19], $0x80, s22, s19, $0xb8;
	[tilespmem:$0x1E000] =	vst v63  }
.LBB2_2:
0x35: {  	[spmem:s2] =	stream.indirect.scatter.add.f32 [tilespmem:s21], [sflag:$0x2], $0x80, s0, s19, $0xb8;
	[tilespmem:$0x1E000] =	vst v63  }
0x36: {  	s0 =	smov.u32 s1  }
0x37: {  	p0 =	sne.s32 s1, $0xFFFFF800;
	s1 =	sadd.s32 $0x800, s1;
	_ =	swait.ge [sflag:s23], $0x2800  }
0x38: {  	[sflag:s23] =	ssyncset.done $0x0  }
0x39: {  	[sflag:s23] =	ssyncadd.s32 $0xFFFFD800  }
0x3a: {  	_ =	swait.ge [sflag:s24], $0x2800  }
0x3b: {  	s0 =	sshra.s32 s0, $0x2;
	[sflag:s24] =	ssyncset.done $0x0  }
0x3c: {  	s22 =	sadd.s32 $0x1A500, s0;
	[sflag:s24] =	ssyncadd.s32 $0xFFFFD800  }
0x3d: {  	[tilespmem:s21], [sflag:$0x1] =	stream.indirect.gather [hbm4b:s4+s19], $0x80, s22, s19, $0xb8;
	[tilespmem:$0x1E000] =	vst v63  }
0x3e: {  	s22 =	sadd.s32 $0x1A480, s0  }
0x3f: {  	[spmem:s2] =	stream.indirect.scatter.add.f32 [tilespmem:s20], [sflag:$0x2], $0x80, s22, s19, $0xb8;
	[tilespmem:$0x1E000] =	vst v63  }
0x40: {  	_ =	swait.ge [sflag:s23], $0x2800  }
0x41: {  	[sflag:s23] =	ssyncset.done $0x0  }
0x42: {  	[sflag:s23] =	ssyncadd.s32 $0xFFFFD800  }
.Ltmp0:
0x43: {  	_ =	swait.ge [sflag:s24], $0x2800;
	(pc) =	sbr.rel @p0 .LBB2_2-.Ltmp0, $4  }
0x44: {  	[sflag:s24] =	ssyncset.done $0x0  }
0x45: {  	s22 =	sadd.s32 $0x1A600, s0;
	[sflag:s24] =	ssyncadd.s32 $0xFFFFD800  }
0x46: {  	[tilespmem:s20], [sflag:$0x1] =	stream.indirect.gather [hbm4b:s4+s19], $0x80, s22, s19, $0xb8;
	[tilespmem:$0x1E000] =	vst v63  }
0x47: {  	s0 =	sadd.s32 $0x1A580, s0  }
0x48: {  	[spmem:s2] =	stream.indirect.scatter.add.f32 [tilespmem:s21], [sflag:$0x2], $0x80, s0, s19, $0xb8;
	[tilespmem:$0x1E000] =	vst v63  }
0x49: {  	_ =	swait.ge [sflag:s23], $0x2800  }
0x4a: {  	[sflag:s23] =	ssyncset.done $0x0  }
0x4b: {  	[sflag:s23] =	ssyncadd.s32 $0xFFFFD800  }
0x4c: {  	_ =	swait.ge [sflag:s24], $0x2800  }
0x4d: {  	[sflag:s24] =	ssyncset.done $0x0  }
0x4e: {  	[sflag:s24] =	ssyncadd.s32 $0xFFFFD800  }
0x4f: {  	_ =	swait.ge [sflag:s25], $0x1900  }
0x50: {  	[sflag:s25] =	ssyncset.done $0x0  }
0x51: {  	[sflag:s25] =	ssyncadd.s32 $0xFFFFE700  }
0x52: {  	[tilespmem:s26], [sflag:$0x3] =	stream.linear.gather [hbm4b:s10+s3], $0x1900, $0x38;
	[tilespmem:$0x1E000] =	vst v63  }
0x53: {  	_ = 	snop  }
0x54: {  	[tilespmem:s21], [sflag:$0x1] =	stream.indirect.gather [hbm4b:s4+s19], $0x80, s18, s19, $0xb8;
	[tilespmem:$0x1E000] =	vst v63  }
0x55: {  	_ = 	snop  }
0x56: {  	[spmem:s2] =	stream.indirect.scatter.add.f32 [tilespmem:s20], [sflag:$0x2], $0x80, s28, s19, $0xb8;
	[tilespmem:$0x1E000] =	vst v63  }
0x57: {  	_ =	swait.ge [sflag:s23], $0x2800  }
0x58: {  	[sflag:s23] =	ssyncset.done $0x0  }
0x59: {  	[sflag:s23] =	ssyncadd.s32 $0xFFFFD800  }
0x5a: {  	_ =	swait.ge [sflag:s24], $0x2800  }
0x5b: {  	[sflag:s24] =	ssyncset.done $0x0  }
0x5c: {  	s22 =	simm.s32 $0x1A900;
	[sflag:s24] =	ssyncadd.s32 $0xFFFFD800  }
0x5d: {  	[tilespmem:s20], [sflag:$0x1] =	stream.indirect.gather [hbm4b:s4+s19], $0x80, s22, s19, $0xb8;
	[tilespmem:$0x1E000] =	vst v63  }
0x5e: {  	s1 =	simm.s32 $0x1A880  }
0x5f: {  	[spmem:s2] =	stream.indirect.scatter.add.f32 [tilespmem:s21], [sflag:$0x2], $0x80, s1, s19, $0xb8;
	[tilespmem:$0x1E000] =	vst v63  }
0x60: {  	_ =	swait.ge [sflag:s23], $0x2800  }
0x61: {  	[sflag:s23] =	ssyncset.done $0x0  }
0x62: {  	[sflag:s23] =	ssyncadd.s32 $0xFFFFD800  }
0x63: {  	_ =	swait.ge [sflag:s24], $0x2800  }
0x64: {  	s0 =	simm.s32 $0x1A980;
	[sflag:s24] =	ssyncset.done $0x0  }
0x65: {  	s22 =	simm.s32 $0x1AA00;
	s1 =	simm.s32 $0xFFFFA800;
	[sflag:s24] =	ssyncadd.s32 $0xFFFFD800  }
0x66: {  	[tilespmem:s21], [sflag:$0x1] =	stream.indirect.gather [hbm4b:s4+s19], $0x80, s22, s19, $0xb8;
	[tilespmem:$0x1E000] =	vst v63  }
.LBB2_4:
0x67: {  	[spmem:s2] =	stream.indirect.scatter.add.f32 [tilespmem:s20], [sflag:$0x2], $0x80, s0, s19, $0xb8;
	[tilespmem:$0x1E000] =	vst v63  }
0x68: {  	s0 =	smov.u32 s1  }
0x69: {  	p0 =	sne.s32 s1, $0xFFFFF800;
	s1 =	sadd.s32 $0x800, s1;
	_ =	swait.ge [sflag:s23], $0x2800  }
0x6a: {  	[sflag:s23] =	ssyncset.done $0x0  }
0x6b: {  	[sflag:s23] =	ssyncadd.s32 $0xFFFFD800  }
0x6c: {  	_ =	swait.ge [sflag:s24], $0x2800  }
0x6d: {  	s0 =	sshra.s32 s0, $0x2;
	[sflag:s24] =	ssyncset.done $0x0  }
0x6e: {  	s22 =	sadd.s32 $0x1C100, s0;
	[sflag:s24] =	ssyncadd.s32 $0xFFFFD800  }
0x6f: {  	[tilespmem:s20], [sflag:$0x1] =	stream.indirect.gather [hbm4b:s4+s19], $0x80, s22, s19, $0xb8;
	[tilespmem:$0x1E000] =	vst v63  }
0x70: {  	s22 =	sadd.s32 $0x1C080, s0  }
0x71: {  	[spmem:s2] =	stream.indirect.scatter.add.f32 [tilespmem:s21], [sflag:$0x2], $0x80, s22, s19, $0xb8;
	[tilespmem:$0x1E000] =	vst v63  }
0x72: {  	_ =	swait.ge [sflag:s23], $0x2800  }
0x73: {  	[sflag:s23] =	ssyncset.done $0x0  }
0x74: {  	[sflag:s23] =	ssyncadd.s32 $0xFFFFD800  }
.Ltmp1:
0x75: {  	_ =	swait.ge [sflag:s24], $0x2800;
	(pc) =	sbr.rel @p0 .LBB2_4-.Ltmp1, $4  }
0x76: {  	[sflag:s24] =	ssyncset.done $0x0  }
0x77: {  	s22 =	sadd.s32 $0x1C200, s0;
	[sflag:s24] =	ssyncadd.s32 $0xFFFFD800  }
0x78: {  	[tilespmem:s21], [sflag:$0x1] =	stream.indirect.gather [hbm4b:s4+s19], $0x80, s22, s19, $0xb8;
	[tilespmem:$0x1E000] =	vst v63  }
0x79: {  	s0 =	sadd.s32 $0x1C180, s0  }
0x7a: {  	[spmem:s2] =	stream.indirect.scatter.add.f32 [tilespmem:s20], [sflag:$0x2], $0x80, s0, s19, $0xb8;
	[tilespmem:$0x1E000] =	vst v63  }
0x7b: {  	_ =	swait.ge [sflag:s23], $0x2800  }
0x7c: {  	[sflag:s23] =	ssyncset.done $0x0  }
0x7d: {  	[sflag:s23] =	ssyncadd.s32 $0xFFFFD800  }
0x7e: {  	_ =	swait.ge [sflag:s24], $0x2800  }
0x7f: {  	[sflag:s24] =	ssyncset.done $0x0  }
0x80: {  	[sflag:s24] =	ssyncadd.s32 $0xFFFFD800  }
0x81: {  	_ =	swait.ge [sflag:s25], $0x1900  }
0x82: {  	[sflag:s25] =	ssyncset.done $0x0  }
0x83: {  	[sflag:s25] =	ssyncadd.s32 $0xFFFFE700  }
0x84: {  	[tilespmem:s17], [sflag:$0x3] =	stream.linear.gather [hbm4b:s11+s3], $0x1900, $0x38;
	[tilespmem:$0x1E000] =	vst v63  }
0x85: {  	_ = 	snop  }
0x86: {  	[tilespmem:s20], [sflag:$0x1] =	stream.indirect.gather [hbm4b:s4+s19], $0x80, s26, s19, $0xb8;
	[tilespmem:$0x1E000] =	vst v63  }
0x87: {  	_ = 	snop  }
0x88: {  	[spmem:s2] =	stream.indirect.scatter.add.f32 [tilespmem:s21], [sflag:$0x2], $0x80, s29, s19, $0xb8;
	[tilespmem:$0x1E000] =	vst v63  }
0x89: {  	_ =	swait.ge [sflag:s23], $0x2800  }
0x8a: {  	[sflag:s23] =	ssyncset.done $0x0  }
0x8b: {  	[sflag:s23] =	ssyncadd.s32 $0xFFFFD800  }
0x8c: {  	_ =	swait.ge [sflag:s24], $0x2800  }
0x8d: {  	[sflag:s24] =	ssyncset.done $0x0  }
0x8e: {  	s22 =	simm.s32 $0x1C500;
	[sflag:s24] =	ssyncadd.s32 $0xFFFFD800  }
0x8f: {  	[tilespmem:s21], [sflag:$0x1] =	stream.indirect.gather [hbm4b:s4+s19], $0x80, s22, s19, $0xb8;
	[tilespmem:$0x1E000] =	vst v63  }
0x90: {  	s1 =	simm.s32 $0x1C480  }
0x91: {  	[spmem:s2] =	stream.indirect.scatter.add.f32 [tilespmem:s20], [sflag:$0x2], $0x80, s1, s19, $0xb8;
	[tilespmem:$0x1E000] =	vst v63  }
0x92: {  	_ =	swait.ge [sflag:s23], $0x2800  }
0x93: {  	[sflag:s23] =	ssyncset.done $0x0  }
0x94: {  	[sflag:s23] =	ssyncadd.s32 $0xFFFFD800  }
0x95: {  	_ =	swait.ge [sflag:s24], $0x2800  }
0x96: {  	s0 =	simm.s32 $0x1C580;
	[sflag:s24] =	ssyncset.done $0x0  }
0x97: {  	s22 =	simm.s32 $0x1C600;
	s1 =	simm.s32 $0xFFFFA800;
	[sflag:s24] =	ssyncadd.s32 $0xFFFFD800  }
0x98: {  	[tilespmem:s20], [sflag:$0x1] =	stream.indirect.gather [hbm4b:s4+s19], $0x80, s22, s19, $0xb8;
	[tilespmem:$0x1E000] =	vst v63  }
.LBB2_6:
0x99: {  	[spmem:s2] =	stream.indirect.scatter.add.f32 [tilespmem:s21], [sflag:$0x2], $0x80, s0, s19, $0xb8;
	[tilespmem:$0x1E000] =	vst v63  }
0x9a: {  	s0 =	smov.u32 s1  }
0x9b: {  	p0 =	sne.s32 s1, $0xFFFFF800;
	s1 =	sadd.s32 $0x800, s1;
	_ =	swait.ge [sflag:s23], $0x2800  }
0x9c: {  	[sflag:s23] =	ssyncset.done $0x0  }
0x9d: {  	[sflag:s23] =	ssyncadd.s32 $0xFFFFD800  }
0x9e: {  	_ =	swait.ge [sflag:s24], $0x2800  }
0x9f: {  	s0 =	sshra.s32 s0, $0x2;
	[sflag:s24] =	ssyncset.done $0x0  }
0xa0: {  	s22 =	sadd.s32 $0x1DD00, s0;
	[sflag:s24] =	ssyncadd.s32 $0xFFFFD800  }
0xa1: {  	[tilespmem:s21], [sflag:$0x1] =	stream.indirect.gather [hbm4b:s4+s19], $0x80, s22, s19, $0xb8;
	[tilespmem:$0x1E000] =	vst v63  }
0xa2: {  	s22 =	sadd.s32 $0x1DC80, s0  }
0xa3: {  	[spmem:s2] =	stream.indirect.scatter.add.f32 [tilespmem:s20], [sflag:$0x2], $0x80, s22, s19, $0xb8;
	[tilespmem:$0x1E000] =	vst v63  }
0xa4: {  	_ =	swait.ge [sflag:s23], $0x2800  }
0xa5: {  	[sflag:s23] =	ssyncset.done $0x0  }
0xa6: {  	[sflag:s23] =	ssyncadd.s32 $0xFFFFD800  }
.Ltmp2:
0xa7: {  	_ =	swait.ge [sflag:s24], $0x2800;
	(pc) =	sbr.rel @p0 .LBB2_6-.Ltmp2, $4  }
0xa8: {  	[sflag:s24] =	ssyncset.done $0x0  }
0xa9: {  	s22 =	sadd.s32 $0x1DE00, s0;
	[sflag:s24] =	ssyncadd.s32 $0xFFFFD800  }
0xaa: {  	[tilespmem:s20], [sflag:$0x1] =	stream.indirect.gather [hbm4b:s4+s19], $0x80, s22, s19, $0xb8;
	[tilespmem:$0x1E000] =	vst v63  }
0xab: {  	s0 =	sadd.s32 $0x1DD80, s0  }
0xac: {  	[spmem:s2] =	stream.indirect.scatter.add.f32 [tilespmem:s21], [sflag:$0x2], $0x80, s0, s19, $0xb8;
	[tilespmem:$0x1E000] =	vst v63  }
0xad: {  	_ =	swait.ge [sflag:s23], $0x2800  }
0xae: {  	[sflag:s23] =	ssyncset.done $0x0  }
0xaf: {  	[sflag:s23] =	ssyncadd.s32 $0xFFFFD800  }
0xb0: {  	_ =	swait.ge [sflag:s24], $0x2800  }
0xb1: {  	[sflag:s24] =	ssyncset.done $0x0  }
0xb2: {  	[sflag:s24] =	ssyncadd.s32 $0xFFFFD800  }
0xb3: {  	_ =	swait.ge [sflag:s25], $0x1900  }
0xb4: {  	[sflag:s25] =	ssyncset.done $0x0  }
0xb5: {  	[sflag:s25] =	ssyncadd.s32 $0xFFFFE700  }
0xb6: {  	[tilespmem:s18], [sflag:$0x3] =	stream.linear.gather [hbm4b:s12+s3], $0x1900, $0x38;
	[tilespmem:$0x1E000] =	vst v63  }
0xb7: {  	_ = 	snop  }
0xb8: {  	[tilespmem:s21], [sflag:$0x1] =	stream.indirect.gather [hbm4b:s4+s19], $0x80, s17, s19, $0xb8;
	[tilespmem:$0x1E000] =	vst v63  }
0xb9: {  	_ = 	snop  }
0xba: {  	[spmem:s2] =	stream.indirect.scatter.add.f32 [tilespmem:s20], [sflag:$0x2], $0x80, s30, s19, $0xb8;
	[tilespmem:$0x1E000] =	vst v63  }
0xbb: {  	_ =	swait.ge [sflag:s23], $0x2800  }
0xbc: {  	[sflag:s23] =	ssyncset.done $0x0  }
0xbd: {  	[sflag:s23] =	ssyncadd.s32 $0xFFFFD800  }
0xbe: {  	_ =	swait.ge [sflag:s24], $0x2800  }
0xbf: {  	[sflag:s24] =	ssyncset.done $0x0  }
0xc0: {  	s22 =	simm.s32 $0x18D00;
	[sflag:s24] =	ssyncadd.s32 $0xFFFFD800  }
0xc1: {  	[tilespmem:s20], [sflag:$0x1] =	stream.indirect.gather [hbm4b:s4+s19], $0x80, s22, s19, $0xb8;
	[tilespmem:$0x1E000] =	vst v63  }
0xc2: {  	s1 =	simm.s32 $0x18C80  }
0xc3: {  	[spmem:s2] =	stream.indirect.scatter.add.f32 [tilespmem:s21], [sflag:$0x2], $0x80, s1, s19, $0xb8;
	[tilespmem:$0x1E000] =	vst v63  }
0xc4: {  	_ =	swait.ge [sflag:s23], $0x2800  }
0xc5: {  	[sflag:s23] =	ssyncset.done $0x0  }
0xc6: {  	[sflag:s23] =	ssyncadd.s32 $0xFFFFD800  }
0xc7: {  	_ =	swait.ge [sflag:s24], $0x2800  }
0xc8: {  	s0 =	simm.s32 $0x18D80;
	[sflag:s24] =	ssyncset.done $0x0  }
0xc9: {  	s22 =	simm.s32 $0x18E00;
	s1 =	simm.s32 $0xFFFFA800;
	[sflag:s24] =	ssyncadd.s32 $0xFFFFD800  }
0xca: {  	[tilespmem:s21], [sflag:$0x1] =	stream.indirect.gather [hbm4b:s4+s19], $0x80, s22, s19, $0xb8;
	[tilespmem:$0x1E000] =	vst v63  }
.LBB2_8:
0xcb: {  	[spmem:s2] =	stream.indirect.scatter.add.f32 [tilespmem:s20], [sflag:$0x2], $0x80, s0, s19, $0xb8;
	[tilespmem:$0x1E000] =	vst v63  }
0xcc: {  	s0 =	smov.u32 s1  }
0xcd: {  	p0 =	sne.s32 s1, $0xFFFFF800;
	s1 =	sadd.s32 $0x800, s1;
	_ =	swait.ge [sflag:s23], $0x2800  }
0xce: {  	[sflag:s23] =	ssyncset.done $0x0  }
0xcf: {  	[sflag:s23] =	ssyncadd.s32 $0xFFFFD800  }
0xd0: {  	_ =	swait.ge [sflag:s24], $0x2800  }
0xd1: {  	s0 =	sshra.s32 s0, $0x2;
	[sflag:s24] =	ssyncset.done $0x0  }
0xd2: {  	s22 =	sadd.s32 $0x1A500, s0;
	[sflag:s24] =	ssyncadd.s32 $0xFFFFD800  }
0xd3: {  	[tilespmem:s20], [sflag:$0x1] =	stream.indirect.gather [hbm4b:s4+s19], $0x80, s22, s19, $0xb8;
	[tilespmem:$0x1E000] =	vst v63  }
0xd4: {  	s22 =	sadd.s32 $0x1A480, s0  }
0xd5: {  	[spmem:s2] =	stream.indirect.scatter.add.f32 [tilespmem:s21], [sflag:$0x2], $0x80, s22, s19, $0xb8;
	[tilespmem:$0x1E000] =	vst v63  }
0xd6: {  	_ =	swait.ge [sflag:s23], $0x2800  }
0xd7: {  	[sflag:s23] =	ssyncset.done $0x0  }
0xd8: {  	[sflag:s23] =	ssyncadd.s32 $0xFFFFD800  }
.Ltmp3:
0xd9: {  	_ =	swait.ge [sflag:s24], $0x2800;
	(pc) =	sbr.rel @p0 .LBB2_8-.Ltmp3, $4  }
0xda: {  	[sflag:s24] =	ssyncset.done $0x0  }
0xdb: {  	s22 =	sadd.s32 $0x1A600, s0;
	[sflag:s24] =	ssyncadd.s32 $0xFFFFD800  }
0xdc: {  	[tilespmem:s21], [sflag:$0x1] =	stream.indirect.gather [hbm4b:s4+s19], $0x80, s22, s19, $0xb8;
	[tilespmem:$0x1E000] =	vst v63  }
0xdd: {  	s0 =	sadd.s32 $0x1A580, s0  }
0xde: {  	[spmem:s2] =	stream.indirect.scatter.add.f32 [tilespmem:s20], [sflag:$0x2], $0x80, s0, s19, $0xb8;
	[tilespmem:$0x1E000] =	vst v63  }
0xdf: {  	_ =	swait.ge [sflag:s23], $0x2800  }
0xe0: {  	[sflag:s23] =	ssyncset.done $0x0  }
0xe1: {  	[sflag:s23] =	ssyncadd.s32 $0xFFFFD800  }
0xe2: {  	_ =	swait.ge [sflag:s24], $0x2800  }
0xe3: {  	[sflag:s24] =	ssyncset.done $0x0  }
0xe4: {  	[sflag:s24] =	ssyncadd.s32 $0xFFFFD800  }
0xe5: {  	_ =	swait.ge [sflag:s25], $0x1900  }
0xe6: {  	[sflag:s25] =	ssyncset.done $0x0  }
0xe7: {  	[sflag:s25] =	ssyncadd.s32 $0xFFFFE700  }
0xe8: {  	[tilespmem:s20], [sflag:$0x1] =	stream.indirect.gather [hbm4b:s4+s19], $0x80, s18, s19, $0xb8;
	[tilespmem:$0x1E000] =	vst v63  }
0xe9: {  	_ = 	snop  }
0xea: {  	[spmem:s2] =	stream.indirect.scatter.add.f32 [tilespmem:s21], [sflag:$0x2], $0x80, s28, s19, $0xb8;
	[tilespmem:$0x1E000] =	vst v63  }
0xeb: {  	_ =	swait.ge [sflag:s23], $0x2800  }
0xec: {  	[sflag:s23] =	ssyncset.done $0x0  }
0xed: {  	[sflag:s23] =	ssyncadd.s32 $0xFFFFD800  }
0xee: {  	_ =	swait.ge [sflag:s24], $0x2800  }
0xef: {  	[sflag:s24] =	ssyncset.done $0x0  }
0xf0: {  	s22 =	simm.s32 $0x1A900;
	[sflag:s24] =	ssyncadd.s32 $0xFFFFD800  }
0xf1: {  	[tilespmem:s21], [sflag:$0x1] =	stream.indirect.gather [hbm4b:s4+s19], $0x80, s22, s19, $0xb8;
	[tilespmem:$0x1E000] =	vst v63  }
0xf2: {  	s1 =	simm.s32 $0x1A880  }
0xf3: {  	[spmem:s2] =	stream.indirect.scatter.add.f32 [tilespmem:s20], [sflag:$0x2], $0x80, s1, s19, $0xb8;
	[tilespmem:$0x1E000] =	vst v63  }
0xf4: {  	_ =	swait.ge [sflag:s23], $0x2800  }
0xf5: {  	[sflag:s23] =	ssyncset.done $0x0  }
0xf6: {  	[sflag:s23] =	ssyncadd.s32 $0xFFFFD800  }
0xf7: {  	_ =	swait.ge [sflag:s24], $0x2800  }
0xf8: {  	s0 =	simm.s32 $0x1A980;
	[sflag:s24] =	ssyncset.done $0x0  }
0xf9: {  	s22 =	simm.s32 $0x1AA00;
	s1 =	simm.s32 $0xFFFFA800;
	[sflag:s24] =	ssyncadd.s32 $0xFFFFD800  }
0xfa: {  	[tilespmem:s20], [sflag:$0x1] =	stream.indirect.gather [hbm4b:s4+s19], $0x80, s22, s19, $0xb8;
	[tilespmem:$0x1E000] =	vst v63  }
.LBB2_10:
0xfb: {  	[spmem:s2] =	stream.indirect.scatter.add.f32 [tilespmem:s21], [sflag:$0x2], $0x80, s0, s19, $0xb8;
	[tilespmem:$0x1E000] =	vst v63  }
0xfc: {  	s0 =	smov.u32 s1  }
0xfd: {  	p0 =	sne.s32 s1, $0xFFFFF800;
	s1 =	sadd.s32 $0x800, s1;
	_ =	swait.ge [sflag:s23], $0x2800  }
0xfe: {  	[sflag:s23] =	ssyncset.done $0x0  }
0xff: {  	[sflag:s23] =	ssyncadd.s32 $0xFFFFD800  }
0x100: {  	_ =	swait.ge [sflag:s24], $0x2800  }
0x101: {  	s0 =	sshra.s32 s0, $0x2;
	[sflag:s24] =	ssyncset.done $0x0  }
0x102: {  	s22 =	sadd.s32 $0x1C100, s0;
	[sflag:s24] =	ssyncadd.s32 $0xFFFFD800  }
0x103: {  	[tilespmem:s21], [sflag:$0x1] =	stream.indirect.gather [hbm4b:s4+s19], $0x80, s22, s19, $0xb8;
	[tilespmem:$0x1E000] =	vst v63  }
0x104: {  	s22 =	sadd.s32 $0x1C080, s0  }
0x105: {  	[spmem:s2] =	stream.indirect.scatter.add.f32 [tilespmem:s20], [sflag:$0x2], $0x80, s22, s19, $0xb8;
	[tilespmem:$0x1E000] =	vst v63  }
0x106: {  	_ =	swait.ge [sflag:s23], $0x2800  }
0x107: {  	[sflag:s23] =	ssyncset.done $0x0  }
0x108: {  	[sflag:s23] =	ssyncadd.s32 $0xFFFFD800  }
.Ltmp4:
0x109: {  	_ =	swait.ge [sflag:s24], $0x2800;
	(pc) =	sbr.rel @p0 .LBB2_10-.Ltmp4, $4  }
0x10a: {  	[sflag:s24] =	ssyncset.done $0x0  }
0x10b: {  	s22 =	sadd.s32 $0x1C200, s0;
	[sflag:s24] =	ssyncadd.s32 $0xFFFFD800  }
0x10c: {  	[tilespmem:s20], [sflag:$0x1] =	stream.indirect.gather [hbm4b:s4+s19], $0x80, s22, s19, $0xb8;
	[tilespmem:$0x1E000] =	vst v63  }
0x10d: {  	s0 =	sadd.s32 $0x1C180, s0  }
0x10e: {  	[spmem:s2] =	stream.indirect.scatter.add.f32 [tilespmem:s21], [sflag:$0x2], $0x80, s0, s19, $0xb8;
	[tilespmem:$0x1E000] =	vst v63  }
0x10f: {  	_ =	swait.ge [sflag:s23], $0x2800  }
0x110: {  	[sflag:s23] =	ssyncset.done $0x0  }
0x111: {  	[sflag:s23] =	ssyncadd.s32 $0xFFFFD800  }
0x112: {  	_ =	swait.ge [sflag:s24], $0x2800  }
0x113: {  	[sflag:s24] =	ssyncset.done $0x0  }
0x114: {  	[sflag:s24] =	ssyncadd.s32 $0xFFFFD800  }
0x115: {  	[spmem:s2] =	stream.indirect.scatter.add.f32 [tilespmem:s20], [sflag:$0x4], $0x80, s29, s19, $0xb8;
	[tilespmem:$0x1E000] =	vst v63  }
0x116: {  	_ =	swait.ge [sflag:s16], $0x2800  }
0x117: {  	s31 =	sadd.s32 $0x1, s31;
	[sflag:s16] =	ssyncset.done $0x0  }
0x118: {  	p0 =	sne.s32 s31, s14;
	[sflag:s16] =	ssyncadd.s32 $0xFFFFD800  }
.Ltmp5:
0x119: {  	[bflag:$0x0] =	sbarrier.arrive $0xFFFF;
	(pc) =	sbr.rel @p0 .LBB2_1-.Ltmp5, $4  }
0x11a: {  	[hbm:s13], [sflag:s7] =	dma.local [spmem:s15], $0x2780  }
0x11b: {  	_ =	swait.ge [sflag:s16], $0x2780  }
0x11c: {  	[sflag:s16] =	ssyncset.done $0x0  }
0x11d: {  	[sflag:s16] =	ssyncadd.s32 $0xFFFFD880  }
0x11e: {  	_ =	sfence.sel $0x180000  }
0x11f: {  	[bflag:$0x0] =	sbarrier.arrive $0xFFFF  }
0x120: {  	_ =	strace $0x9000004D  }
0x121: {  	s0 =	stileid.u32;
	[bflag:$0x2] =	sbarrier.arrive $0xFFFF  }
0x122: {  	p0 =	sne.s32 s0, $0x0;
	s0 =	rddreg [dreg:$0x2]  }
0x123: {  	s0 =	sadd.s32 @!p0 $0x100000, s0  }
0x124: {  	[sflag:s0] =	ssyncadd.tile.s32 @!p0 $0x1;
	_ =	shalt  }
.Lfunc_end2:
_tile_overlayer_lowered:
.L_overlay_start_2:
0x125: {  	(tag) =	ssettag $0x2  }
0x126: {  	s0 =	rddreg [dreg:$0x0];
	s2 =	stileid.u32  }
0x127: {  	s1 =	rddreg [dreg:$0x1];
	p0 =	sne.s32 s2, $0x0  }
0x128: {  	s3 =	rddreg [dreg:$0x2];
	[bflag:$0x3] =	sbarrier.arrive $0xFFFF;
	s2 =	simm.s32 @!p0 $0x1C04  }
0x129: {  	[timem:s3], [sflag:s2] =	dma.local @!p0 [hbm:s0], s1  }
0x12a: {  	s0 =	simm.s32 @!p0 $0x4  }
0x12b: {  	_ =	swait.ge @!p0 [sflag:s0], s1  }
0x12c: {  	s1 =	ssub.s32 @!p0 $0x0, s1;
	[sflag:s0] =	ssyncset.done @!p0 $0x0  }
0x12d: {  	[sflag:s0] =	ssyncadd.s32 @!p0 s1  }
0x12e: {  	[bflag:$0x3] =	sbarrier.arrive $0xFFFF  }
0x12f: {  	_ =	shalt  }

// kernel: kernel.9.cloned.1.call-start
scs
__scs_entry_jumppad:
0x0: {  	(pc) =	sbr.rel $0x88, $3  }
0x1: {  	(tag) =	ssettag $0x0;
	lr =	simm.s32 $0x1  }
0x2: {  	[smem:$0x3F99] =	sst lr;
	_ =	strace $0xD0000000  }
0x3: {  	_ = 	snop  }
0x4: {  	_ = 	snop  }
0x5: {  	_ = 	snop  }
0x6: {  	_ = 	snop  }
0x7: {  	_ = 	snop  }
__scs_overlays_trampoline_lowered:
0x8: {  	[smem:$0x3FA8] =	sst s0  }
0x9: {  	[smem:$0x3FA9] =	sst s1  }
0xa: {  	[smem:$0x3FAA] =	sst s2  }
0xb: {  	[smem:$0x3FAB] =	sst s3  }
0xc: {  	[smem:$0x3FAC] =	sst s4  }
0xd: {  	[smem:$0x3FAD] =	sst s5  }
0xe: {  	[smem:$0x3FAE] =	sst s6  }
0xf: {  	[smem:$0x3FAF] =	sst s7  }
0x10: {  	[smem:$0x3FB0] =	sst s8  }
0x11: {  	[smem:$0x3FB1] =	sst s9;
	s0 =	simm.s32 @!p0 $0x0  }
0x12: {  	s1 =	sld [smem:$0x3F97];
	s0 =	simm.s32 @p0 $0x1  }
0x13: {  	[smem:$0x3FB2] =	sst s0;
	s0 =	simm.s32 @!p1 $0x0  }
0x14: {  	s2 =	sld [smem:$0x3F96];
	s0 =	simm.s32 @p1 $0x1  }
0x15: {  	[smem:$0x3FB3] =	sst s0;
	s0 =	simm.s32 @!p2 $0x0  }
0x16: {  	s3 =	sld [smem:$0x3FDB];
	s0 =	simm.s32 @p2 $0x1  }
0x17: {  	s4 =	simm.s32 $0x1BF5;
	[smem:$0x3FB5] =	sst s0  }
0x18: {  	s0 =	sld [smem:$0x3F98];
	_ =	swait.ge [sflag:s4], $0x0  }
0x19: {  	s7 =	sld [smem:$0x3F99]  }
0x1a: {  	s8 =	sadd.s32 $0xFFFFE003, lr  }
0x1b: {  	s9 =	sadd.s32 $0xFFFFFEF7, lr;
	s5 =	simm.s32 $0xFFFFFFFF;
	p2 =	slt.u32 s8, $0xFFFFF086  }
0x1c: {  	p1 =	slt.u32 s9, $0xF7A;
	s5 =	simm.s32 @!p2 $0x0  }
0x1d: {  	s5 =	simm.s32 @p1 $0x1;
	p0 =	seq.s32 s7, s2  }
0x1e: {  	s7 =	smul.u32 @!p0 $0xF7A, s2;
	p2 =	seq.s32 @!p0 s5, $0x0  }
0x1f: {  	s9 =	smul.u32 $0xF7A, s1;
	s8 =	simm.s32 @!p0 $0x1BF5;
	p2 =	por !p2, p0  }
0x20: {  	[sflag:s8] =	ssyncset.s32 @!p0 $0xFFFFF086;
	s6 =	sadd.s32 @!p0 s3, s7;
	s7 =	simm.s32 @!p0 $0x108  }
0x21: {  	s3 =	sadd.s32 s3, s9;
	s6 =	sadd.s32 @!p0 $0x88, s6;
	s7 =	simm.s32 @p2 $0x1082  }
0x22: {  	[simem:s7], [sflag:s8] =	dma.local @!p0 [hbm:s6], $0xF7A  }
0x23: {  	s9 =	sor.u32 $0xD0000000, s2;
	s6 =	simm.s32 $0x108;
	_ =	swait.ge @!p0 [sflag:s8], $0x0  }
0x24: {  	s3 =	sadd.s32 $0x88, s3;
	s6 =	simm.s32 @!p1 $0x1082;
	[sflag:s4] =	ssyncset.s32 $0xFFFFF086  }
0x25: {  	[simem:s6], [sflag:s4] =	dma.local [hbm:s3], $0xF7A  }
0x26: {  	[smem:$0x3F99] =	sst s1;
	(tag) =	ssettag s2;
	_ =	strace s9  }
0x27: {  	s1 =	sld [smem:$0x3FA9]  }
0x28: {  	s2 =	sld [smem:$0x3FAA]  }
0x29: {  	s4 =	sld [smem:$0x3FAC]  }
0x2a: {  	p0 =	seq.s32 s5, $0x0;
	s5 =	sld [smem:$0x3FAD]  }
0x2b: {  	s6 =	sld [smem:$0x3FAE]  }
0x2c: {  	s7 =	sld [smem:$0x3FAF]  }
0x2d: {  	s3 =	simm.s32 $0x108;
	s8 =	sld [smem:$0x3FB0]  }
0x2e: {  	s3 =	simm.s32 @!p0 $0x1082;
	s9 =	sld [smem:$0x3FB1]  }
0x2f: {  	lr =	sadd.s32 s0, s3;
	s0 =	sld [smem:$0x3FA8]  }
0x30: {  	s3 =	sld [smem:$0x3FAB]  }
0x31: {  	[smem:$0x3FB4] =	sst s10  }
0x32: {  	s10 =	sld [smem:$0x3FB2];
	_ =	sdelay $0x3  }
0x33: {  	p0 =	seq.s32 s10, $0x1;
	s10 =	sld [smem:$0x3FB4];
	_ =	sdelay $0x3  }
0x34: {  	[smem:$0x3FB4] =	sst s10  }
0x35: {  	s10 =	sld [smem:$0x3FB3];
	_ =	sdelay $0x3  }
0x36: {  	p1 =	seq.s32 s10, $0x1;
	s10 =	sld [smem:$0x3FB4];
	_ =	sdelay $0x3  }
0x37: {  	[smem:$0x3FB4] =	sst s10  }
0x38: {  	s10 =	sld [smem:$0x3FB5]  }
0x39: {  	_ = 	snop;
	(pc) =	sbr.ind lr, $3  }
0x3a: {  	_ = 	snop  }
0x3b: {  	_ = 	snop  }
0x3c: {  	p2 =	seq.s32 s10, $0x1;
	s10 =	sld [smem:$0x3FB4]  }
0x3d: {  	_ =	shalt  }
0x3e: {  	_ =	shalt  }
0x3f: {  	_ =	shalt  }
0x40: {  	_ =	shalt  }
0x41: {  	_ =	shalt  }
0x42: {  	_ =	shalt  }
0x43: {  	_ =	shalt  }
0x44: {  	_ =	shalt  }
0x45: {  	_ =	shalt  }
0x46: {  	_ =	shalt  }
0x47: {  	_ =	shalt  }
0x48: {  	_ =	shalt  }
0x49: {  	_ =	shalt  }
0x4a: {  	_ =	shalt  }
0x4b: {  	_ =	shalt  }
0x4c: {  	_ =	shalt  }
0x4d: {  	_ =	shalt  }
0x4e: {  	_ =	shalt  }
0x4f: {  	_ =	shalt  }
0x50: {  	_ =	shalt  }
0x51: {  	_ =	shalt  }
0x52: {  	_ =	shalt  }
0x53: {  	_ =	shalt  }
0x54: {  	_ =	shalt  }
0x55: {  	_ =	shalt  }
0x56: {  	_ =	shalt  }
0x57: {  	_ =	shalt  }
0x58: {  	_ =	shalt  }
0x59: {  	_ =	shalt  }
0x5a: {  	_ =	shalt  }
0x5b: {  	_ =	shalt  }
0x5c: {  	_ =	shalt  }
0x5d: {  	_ =	shalt  }
0x5e: {  	_ =	shalt  }
0x5f: {  	_ =	shalt  }
0x60: {  	_ =	shalt  }
0x61: {  	_ =	shalt  }
0x62: {  	_ =	shalt  }
0x63: {  	_ =	shalt  }
0x64: {  	_ =	shalt  }
0x65: {  	_ =	shalt  }
0x66: {  	_ =	shalt  }
0x67: {  	_ =	shalt  }
0x68: {  	_ =	shalt  }
0x69: {  	_ =	shalt  }
0x6a: {  	_ =	shalt  }
0x6b: {  	_ =	shalt  }
0x6c: {  	_ =	shalt  }
0x6d: {  	_ =	shalt  }
0x6e: {  	_ =	shalt  }
0x6f: {  	_ =	shalt  }
0x70: {  	_ =	shalt  }
0x71: {  	_ =	shalt  }
0x72: {  	_ =	shalt  }
0x73: {  	_ =	shalt  }
0x74: {  	_ =	shalt  }
0x75: {  	_ =	shalt  }
0x76: {  	_ =	shalt  }
0x77: {  	_ =	shalt  }
0x78: {  	_ =	shalt  }
0x79: {  	_ =	shalt  }
0x7a: {  	_ =	shalt  }
0x7b: {  	_ =	shalt  }
0x7c: {  	_ =	shalt  }
0x7d: {  	_ =	shalt  }
0x7e: {  	_ =	shalt  }
0x7f: {  	_ =	shalt  }
0x80: {  	_ =	shalt  }
0x81: {  	_ =	shalt  }
0x82: {  	_ =	shalt  }
0x83: {  	_ =	shalt  }
0x84: {  	_ =	shalt  }
0x85: {  	_ =	shalt  }
0x86: {  	_ =	shalt  }
0x87: {  	_ =	shalt  }
.Lfunc_end0:
.L_simem_size_0:
called_computation_lowered:
.L_overlay_start_0:
0x88: {  	s2 =	sld [smem:$0x3FD9]  }
0x89: {  	s3 =	sld [smem:$0x3FFE];
	_ =	sdelay $0x1  }
0x8a: {  	s1 =	srdreg.scid  }
0x8b: {  	s0 =	sand.u32 $0x1, s1  }
0x8c: {  	s17 =	sshll.u32 s0, $0xA;
	s2 =	sadd.s32 s3, s2  }
0x8d: {  	s2 =	sadd.s32 s2, s17  }
0x8e: {  	[smem:$0x3FC0] =	sst s2  }
0x8f: {  	_ = 	snop  }
0x90: {  	s2 =	sld [smem:$0x3FD0];
	(tm) =	ssettm $0x1  }
0x91: {  	s18 =	sld [smem:$0x3FFB];
	_ =	sdelay $0x3  }
0x92: {  	_ =	strace s18  }
0x93: {  	s3 =	sld [smem:$0x3FFC];
	_ =	sdelay $0x3  }
0x94: {  	_ =	strace s3  }
0x95: {  	s3 =	sld [smem:$0x3FFD];
	_ =	sdelay $0x3  }
0x96: {  	_ =	strace s3  }
0x97: {  	_ =	strace $0x8FFFFFFF  }
0x98: {  	s19 =	sld [smem:$0x3FDB];
	_ =	sdelay $0x1  }
0x99: {  	s4 =	simm.s32 $_scs_section_size  }
0x9a: {  	s5 =	simm.s32 $_size__tile_overlayer_lowered;
	s6 =	simm.s32 $_tile_overlayer_lowered  }
0x9b: {  	s22 =	simm.s32 $0x1BFF;
	s21 =	sshll.u32 s6, $0x1;
	s3 =	sadd.s32 s4, s19  }
0x9c: {  	s7 =	simm.s32 $0x0;
	s20 =	sshll.u32 s5, $0x1;
	s5 =	sadd.s32 s21, s3  }
0x9d: {  	[timem:s7], [sflag:s22] =	dma.local [hbm:s5], s20  }
0x9e: {  	_ =	swait.ge [sflag:s22], s20  }
0x9f: {  	s4 =	ssub.s32 $0x0, s20;
	[sflag:s22] =	ssyncset.done $0x0  }
0xa0: {  	[sflag:s22] =	ssyncadd.s32 s4;
	_ =	sdelay $0x1  }
0xa1: {  	s23 =	simm.s32 $0x1B8B  }
0xa2: {  	_ =	swait.ge [sflag:s23], $0x1  }
0xa3: {  	[sflag:s23] =	ssyncset.done $0x0  }
0xa4: {  	s25 =	simm.s32 $0x1B8E;
	s24 =	sld [smem:$0x3FFE];
	[sflag:s23] =	ssyncadd.s32 $0xFFFFFFFF  }
0xa5: {  	s26 =	simm.s32 $execute0_lowered;
	[smem:$0x3FD2] =	sst s25  }
0xa6: {  	s5 =	sshll.u32 s26, $0x1;
	_ =	strace $0x80000046;
	[dreg:$0x1] =	wrdreg $0xFFFFFFFF  }
0xa7: {  	s28 =	simm.s32 $_size_execute0_lowered;
	s3 =	sadd.s32 s3, s5;
	[dreg:$0x0] =	wrdreg $0x0  }
0xa8: {  	s5 =	sshll.u32 s28, $0x1;
	[dreg:$0x2] =	wrdreg s3  }
0xa9: {  	[dreg:$0x3] =	wrdreg s5  }
0xaa: {  	[dreg:$0x4] =	wrdreg $0xC0  }
0xab: {  	_ =	task [dreg:s7], $0x5FFFF  }
0xac: {  	[dreg:$0x1] =	wrdreg $0xFFFFFFFF  }
0xad: {  	[dreg:$0x0] =	wrdreg $0x60  }
0xae: {  	[dreg:$0x2] =	wrdreg s2  }
0xaf: {  	[dreg:$0x3] =	wrdreg s24  }
0xb0: {  	[dreg:$0x4] =	wrdreg $0x0  }
0xb1: {  	[dreg:$0x5] =	wrdreg $0x9  }
0xb2: {  	_ =	task.clear_ibuf [dreg:s7], $0x6FFFF;
	_ =	strace $0x90000046  }
0xb3: {  	s29 =	simm.s32 $0x9;
	_ =	strace $0x80000048  }
0xb4: {  	_ =	swait.ge [sflag:s29], $0x1  }
0xb5: {  	[sflag:s29] =	ssyncadd.s32 $0xFFFFFFFF  }
0xb6: {  	_ =	strace $0x90000048  }
0xb7: {  	_ =	sfence  }
0xb8: {  	s30 =	sld [smem:$0x0];
	_ =	sdelay $0x2  }
0xb9: {  	s31 =	sshll.u32 s1, $0xD;
	s1 =	sshrl.u32 s1, $0x2  }
0xba: {  	s3 =	sand.u32 $0x4000, s31;
	s1 =	sadd.s32 s1, s30  }
0xbb: {  	s0 =	sor.u32 s3, s0;
	s1 =	sshll.u32 s1, $0x11  }
0xbc: {  	s0 =	sor.u32 s1, s0  }
0xbd: {  	s0 =	sadd.s32 $0x8F2B, s0  }
0xbe: {  	[sflag:s0] =	ssyncadd.remote.s32 $0x1  }
0xbf: {  	_ =	sfence.sel $0xFFFF  }
0xc0: {  	[dreg:$0x0] =	wrdreg $0xFFFFFFFF;
	(pc) =	sbr.abs _section_cstart, $3  }
0xc1: {  	[dreg:$0x1] =	wrdreg $0xFFFFFFFF  }
0xc2: {  	_ =	task.clear_ibuf [dreg:s7], $0x2FFFF;
	_ =	strace $0x9FFFFFFF  }
0xc3: {  	(tm) =	ssettm $0x7FFFFFFF  }
tec
execute0_lowered:
.L_overlay_start_1:
0x0: {  	(tag) =	ssettag $0x1  }
0x1: {  	s7 =	rddreg [dreg:$0x0]  }
0x2: {  	s5 =	rddreg [dreg:$0x1]  }
0x3: {  	s2 =	rddreg [dreg:$0x2];
	s0 =	stileid.u32  }
0x4: {  	s4 =	srdreg.scid;
	s1 =	rddreg [dreg:$0x3]  }
0x5: {  	s3 =	simm.s32 $0x0;
	s14 =	simm.s32 $0x28;
	s15 =	simm.s32 $0x15080  }
0x6: {  	s16 =	simm.s32 $0x15100;
	s17 =	simm.s32 $0x15180;
	s18 =	simm.s32 $0x15200  }
0x7: {  	s19 =	simm.s32 $0x15280;
	s20 =	simm.s32 $0x1;
	s21 =	simm.s32 $0x0  }
0x8: {  	s6 =	smul.u32 $0x13C00, s0;
	s8 =	sand.u32 $0x1, s4;
	[smem:$0x7FF] =	sst s3  }
0x9: {  	s11 =	smul.u32 $0x4F000, s0;
	s4 =	sadd.s32 $0x2A400, s5;
	s30 =	sshll.u32 s0, $0x6  }
0xa: {  	s31 =	sshll.u32 s0, $0xB;
	s9 =	smul.u32 $0x13C000, s8;
	_ =	strace $0x80000047  }
0xb: {  	s29 =	ssub.s32 $0x2, s8;
	s8 =	sshll.u32 s8, $0xF;
	s7 =	sadd.s32 s7, s31  }
0xc: {  	s28 =	sshrl.u32 s6, $0x3;
	s12 =	sshrl.u32 s29, $0x1;
	s11 =	sshrl.u32 s11, $0x2  }
0xd: {  	s7 =	sadd.s32 s8, s7;
	s10 =	sadd.s32 s28, s5;
	s6 =	sadd.s32 s6, s9  }
0xe: {  	s9 =	ssub.s32 s29, s12;
	s11 =	sadd.s32 s11, s2;
	s6 =	sshrl.u32 s6, $0x3  }
0xf: {  	s12 =	simm.s32 $0x13C00;
	s9 =	smax.u32 s9, $0x1;
	s13 =	sadd.s32 s6, s5  }
0x10: {  	s5 =	sadd.s32 $0x2C00, s10;
	s6 =	sor.u32 $0x1C02, s30;
	s10 =	sshrl.u32 s11, $0x3  }
0x11: {  	s11 =	simm.s32 $0x2;
	s8 =	sadd.s32 $0x2A800, s13;
	s13 =	simm.s32 $0x15000  }
.LBB2_1:
0x12: {  	[spmem:s10], [sflag:s6] =	dma.local [hbm:s5], $0x2780  }
0x13: {  	_ =	swait.ge [sflag:s11], $0x2780  }
0x14: {  	[sflag:s11] =	ssyncset.done $0x0  }
0x15: {  	[sflag:s11] =	ssyncadd.s32 $0xFFFFD880  }
0x16: {  	[tilespmem:s12], [sflag:$0x2] =	stream.linear.gather [hbm4b:s4+s3], $0x1400, $0x38;
	[tilespmem:$0x19000] =	vst v63  }
0x17: {  	_ =	swait.ge [sflag:s11], $0x1400  }
0x18: {  	[sflag:s11] =	ssyncset.done $0x0  }
0x19: {  	[sflag:s11] =	ssyncadd.s32 $0xFFFFEC00  }
0x1a: {  	[tilespmem:s13], [sflag:$0x2] =	stream.linear.gather [hbm4b:s7+s3], $0x3E80, $0x38;
	[tilespmem:$0x19000] =	vst v63  }
0x1b: {  	_ =	swait.ge [sflag:s11], $0x3E80  }
0x1c: {  	[sflag:s11] =	ssyncset.done $0x0  }
0x1d: {  	[sflag:s11] =	ssyncadd.s32 $0xFFFFC180  }
0x1e: {  	[bflag:$0x0] =	sbarrier.arrive $0xFFFF  }
0x1f: {  	[spmem:s2] =	stream.indirect.scatter.add.f32 [tilespmem:s12], [sflag:$0x1], $0x80, s13, s14, $0xb8;
	[tilespmem:$0x19000] =	vst v63  }
0x20: {  	_ = 	snop  }
0x21: {  	[spmem:s2] =	stream.indirect.scatter.add.f32 [tilespmem:s12], [sflag:$0x1], $0x80, s15, s14, $0xb8;
	[tilespmem:$0x19000] =	vst v63  }
0x22: {  	_ = 	snop  }
0x23: {  	[spmem:s2] =	stream.indirect.scatter.add.f32 [tilespmem:s12], [sflag:$0x1], $0x80, s16, s14, $0xb8;
	[tilespmem:$0x19000] =	vst v63  }
0x24: {  	_ = 	snop  }
0x25: {  	[spmem:s2] =	stream.indirect.scatter.add.f32 [tilespmem:s12], [sflag:$0x1], $0x80, s17, s14, $0xb8;
	[tilespmem:$0x19000] =	vst v63  }
0x26: {  	_ = 	snop  }
0x27: {  	[spmem:s2] =	stream.indirect.scatter.add.f32 [tilespmem:s12], [sflag:$0x1], $0x80, s18, s14, $0xb8;
	[tilespmem:$0x19000] =	vst v63  }
0x28: {  	_ = 	snop  }
0x29: {  	[spmem:s2] =	stream.indirect.scatter.add.f32 [tilespmem:s12], [sflag:$0x1], $0x80, s19, s14, $0xb8;
	[tilespmem:$0x19000] =	vst v63  }
0x2a: {  	_ =	swait.ge [sflag:s20], $0x1400  }
0x2b: {  	[sflag:s20] =	ssyncset.done $0x0  }
0x2c: {  	s22 =	simm.s32 $0xE00;
	s23 =	simm.s32 $0x15300;
	[sflag:s20] =	ssyncadd.s32 $0xFFFFEC00  }
.LBB2_2:
0x2d: {  	[spmem:s2] =	stream.indirect.scatter.add.f32 [tilespmem:s12], [sflag:$0x1], $0x80, s23, s14, $0xb8;
	[tilespmem:$0x19000] =	vst v63  }
0x2e: {  	s23 =	smov.u32 s22;
	p0 =	sne.s32 s22, $0xF800  }
.Ltmp0:
0x2f: {  	s22 =	sadd.s32 $0x200, s22;
	(pc) =	sbr.rel @p0 .LBB2_2-.Ltmp0, $4  }
0x30: {  	_ = 	snop  }
0x31: {  	_ =	swait.ge [sflag:s20], $0x1400  }
0x32: {  	s23 =	sshra.s32 s23, $0x2;
	[sflag:s20] =	ssyncset.done $0x0  }
0x33: {  	s23 =	sadd.s32 $0x15000, s23;
	[sflag:s20] =	ssyncadd.s32 $0xFFFFEC00  }
0x34: {  	[spmem:s2] =	stream.indirect.scatter.add.f32 [tilespmem:s12], [sflag:$0x1], $0x80, s23, s14, $0xb8;
	[tilespmem:$0x19000] =	vst v63  }
0x35: {  	_ =	swait.ge [sflag:s20], $0x1400  }
0x36: {  	[sflag:s20] =	ssyncset.done $0x0  }
0x37: {  	[sflag:s20] =	ssyncadd.s32 $0xFFFFEC00  }
0x38: {  	_ =	swait.ge [sflag:s20], $0x1400  }
0x39: {  	[sflag:s20] =	ssyncset.done $0x0  }
0x3a: {  	[sflag:s20] =	ssyncadd.s32 $0xFFFFEC00  }
0x3b: {  	_ =	swait.ge [sflag:s20], $0x1400  }
0x3c: {  	[sflag:s20] =	ssyncset.done $0x0  }
0x3d: {  	[sflag:s20] =	ssyncadd.s32 $0xFFFFEC00  }
0x3e: {  	_ =	swait.ge [sflag:s20], $0x1400  }
0x3f: {  	[sflag:s20] =	ssyncset.done $0x0  }
0x40: {  	[sflag:s20] =	ssyncadd.s32 $0xFFFFEC00  }
0x41: {  	_ =	swait.ge [sflag:s20], $0x1400  }
0x42: {  	[sflag:s20] =	ssyncset.done $0x0  }
0x43: {  	[sflag:s20] =	ssyncadd.s32 $0xFFFFEC00  }
0x44: {  	_ =	swait.ge [sflag:s20], $0x1400  }
0x45: {  	s21 =	sadd.s32 $0x1, s21;
	[sflag:s20] =	ssyncset.done $0x0  }
0x46: {  	p0 =	sne.s32 s21, s9;
	[sflag:s20] =	ssyncadd.s32 $0xFFFFEC00  }
.Ltmp1:
0x47: {  	[bflag:$0x0] =	sbarrier.arrive $0xFFFF;
	(pc) =	sbr.rel @p0 .LBB2_1-.Ltmp1, $4  }
0x48: {  	[hbm:s8], [sflag:s6] =	dma.local [spmem:s10], $0x2780  }
0x49: {  	_ =	swait.ge [sflag:s11], $0x2780  }
0x4a: {  	[sflag:s11] =	ssyncset.done $0x0  }
0x4b: {  	[sflag:s11] =	ssyncadd.s32 $0xFFFFD880  }
0x4c: {  	_ =	sfence.sel $0x180000  }
0x4d: {  	[bflag:$0x0] =	sbarrier.arrive $0xFFFF  }
0x4e: {  	p0 =	sne.s32 s0, $0x0;
	_ =	strace $0x90000047  }
0x4f: {  	s0 =	sadd.s32 @!p0 $0x100000, s1;
	[bflag:$0x2] =	sbarrier.arrive $0xFFFF  }
0x50: {  	[sflag:s0] =	ssyncadd.tile.s32 @!p0 $0x1;
	_ =	shalt  }
.Lfunc_end2:
_tile_overlayer_lowered:
.L_overlay_start_2:
0x51: {  	(tag) =	ssettag $0x2  }
0x52: {  	s0 =	rddreg [dreg:$0x0];
	s2 =	stileid.u32  }
0x53: {  	s1 =	rddreg [dreg:$0x1];
	p0 =	sne.s32 s2, $0x0  }
0x54: {  	s3 =	rddreg [dreg:$0x2];
	[bflag:$0x3] =	sbarrier.arrive $0xFFFF;
	s2 =	simm.s32 @!p0 $0x1C02  }
0x55: {  	[timem:s3], [sflag:s2] =	dma.local @!p0 [hbm:s0], s1  }
0x56: {  	s0 =	simm.s32 @!p0 $0x2  }
0x57: {  	_ =	swait.ge @!p0 [sflag:s0], s1  }
0x58: {  	s1 =	ssub.s32 @!p0 $0x0, s1;
	[sflag:s0] =	ssyncset.done @!p0 $0x0  }
0x59: {  	[sflag:s0] =	ssyncadd.s32 @!p0 s1  }
0x5a: {  	[bflag:$0x3] =	sbarrier.arrive $0xFFFF  }
0x5b: {  	_ =	shalt  }

</sc_bundles>
